<compile_context>
chip_gen: v7x
topology: tpu7x:2x2x1
jax: 0.10.2.dev20260603
libtpu: 0.0.44.dev20260713+nightly
codegen_flags: <defaults>
</compile_context>

<pallas_src>
import jax
import jax.numpy as jnp
from jax import lax
from jax.experimental import pallas as pl
from jax.experimental.pallas import tpu as pltpu
from jax.experimental.pallas import tpu_sc as plsc

B, T, D, H, L = 128, 256, 1024, 1024, 7680
MAX_SYM = 30
NC, NS = 2, 16
NW = NC * NS
BPW = B // NW
SMLEN = 7 * B + 16


def _is0(v):
  return 1 - jnp.minimum(jnp.abs(v), 1)


def _step(blv, bvv, lcv, sav, tiv, mlv, kkv, base, iota):
  nb = 1 - jnp.maximum(blv, bvv)
  sa1 = sav * (1 - blv) + nb
  lc1 = lcv + nb
  delta = (kkv + 1) * nb
  need = jnp.maximum(jnp.minimum(sa1 - (MAX_SYM - 1), 1), 0)
  ti1 = tiv + need
  sa2 = sa1 * (1 - need)
  fetch = jnp.minimum(ti1, mlv)
  flat = (base + iota) * T + fetch
  return nb, lc1, delta, ti1, sa2, flat


def _sc_body(sm, xf, h0p, h1p, h0, h1, lt,
             o_h0, o_h1, o_lt, o_sml, o_f,
             sv, outs_v, idx_v, rows_v, buf_v, h0_v, h1_v,
             sem_s, sem_l, sem_h0, sem_h1, sem_g, sem_o):
  cidx = lax.axis_index("c")
  sidx = lax.axis_index("s")
  wid = sidx * NC + cidx
  b0 = wid * BPW
  iota = lax.broadcasted_iota(jnp.int32, (16,), 0)

  cp_sm = pltpu.async_copy(sm, sv, sem_s)
  cp_lt = pltpu.async_copy(lt.at[pl.ds(b0 * L, BPW * L)], buf_v, sem_l)
  cp_sm.wait()

  def win(o):
    return [sv[pl.ds(i * B + o, 16)] for i in range(7)]

  nb, lc1, delta, _, _, _ = _step(*win(b0), b0, iota)

  for j in range(BPW):
    nbj = nb[j]
    col = pl.multiple_of((b0 + j) * H, 128)
    dcol = pl.multiple_of(j * H, 128)
    for src, prime, hbuf, hsem in ((h0, h0p, h0_v, sem_h0),
                                   (h1, h1p, h1_v, sem_h1)):

      @pl.when(nbj > 0)
      def _(prime=prime, hbuf=hbuf, hsem=hsem, col=col, dcol=dcol):
        pltpu.async_copy(prime.at[:, pl.ds(col, H)],
                         hbuf.at[:, pl.ds(dcol, H)], hsem)

      @pl.when(nbj == 0)
      def _(src=src, hbuf=hbuf, hsem=hsem, col=col, dcol=dcol):
        pltpu.async_copy(src.at[:, pl.ds(col, H)],
                         hbuf.at[:, pl.ds(dcol, H)], hsem)

  g = cidx * 8 + sidx // 2
  gbase = g * 8
  _, _, _, _, _, flatg = _step(*win(gbase), gbase, iota)
  idx_v[:] = jnp.minimum(jnp.maximum(flatg, 0), B * T - 1)

  @pl.when(sidx % 2 == 0)
  def _():
    pltpu.async_copy(xf.at[idx_v.at[pl.ds(0, 8)]], rows_v, sem_g)

  cp_lt.wait()
  for j in range(BPW):
    colj = lc1[j]
    w = jnp.minimum((colj // 8) * 8, L - 16)
    off = pl.multiple_of(j * L + w, 8)
    buf_v[pl.ds(off, 16)] = (buf_v[pl.ds(off, 16)]
                             + _is0(iota - (colj - w)) * delta[j])
  cp_fill = pltpu.async_copy(buf_v, o_lt.at[pl.ds(b0 * L, BPW * L)], sem_l)

  for t in range(3):

    @pl.when(wid == t + 1)
    def _(t=t):
      for w8 in range(8):
        c = pl.multiple_of(w8 * 16, 16)
        _, lc1c, _, ti1c, sa2c, _ = _step(*win(c), 0, iota)
        outs_v[pl.ds(c, 16)] = (lc1c, ti1c, sa2c)[t]
      pltpu.async_copy(outs_v, o_sml.at[pl.ds(t * B, B)], sem_o)

  @pl.when(sidx % 2 == 0)
  def _():
    pltpu.make_async_copy(xf.at[idx_v.at[pl.ds(0, 8)]], rows_v, sem_g).wait()
    base = pl.multiple_of(g * 8, 8)
    pltpu.async_copy(rows_v, o_f.at[pl.ds(base, 8)], sem_g)

  bcol = pl.multiple_of(b0 * H, 128)
  cp_hw = []
  for hbuf, hsem, dst in ((h0_v, sem_h0, o_h0), (h1_v, sem_h1, o_h1)):
    for j in range(BPW):
      col = pl.multiple_of((b0 + j) * H, 128)
      dcol = pl.multiple_of(j * H, 128)
      pltpu.make_async_copy(h0p.at[:, pl.ds(col, H)],
                            hbuf.at[:, pl.ds(dcol, H)], hsem).wait()
    cp_hw.append(
        pltpu.async_copy(hbuf, dst.at[:, pl.ds(bcol, BPW * H)], hsem))

  for cp in cp_hw:
    cp.wait()
  cp_fill.wait()

  @pl.when(sidx % 2 == 0)
  def _():
    base = pl.multiple_of(g * 8, 8)
    pltpu.make_async_copy(rows_v, o_f.at[pl.ds(base, 8)], sem_g).wait()

  for t in range(3):

    @pl.when(wid == t + 1)
    def _(t=t):
      pltpu.make_async_copy(outs_v, o_sml.at[pl.ds(t * B, B)], sem_o).wait()


@jax.jit
def _run(sm, xf, h0p, h1p, h0, h1, lt):
  f32, i32 = jnp.float32, jnp.int32
  out_type = (
      jax.ShapeDtypeStruct((2, B * H), f32),
      jax.ShapeDtypeStruct((2, B * H), f32),
      jax.ShapeDtypeStruct((B * L,), i32),
      jax.ShapeDtypeStruct((3 * B,), i32),
      jax.ShapeDtypeStruct((B, D), f32),
  )
  mesh = plsc.VectorSubcoreMesh(core_axis_name="c", subcore_axis_name="s")
  return pl.kernel(
      _sc_body,
      out_type=out_type,
      mesh=mesh,
      scratch_types=[
          pltpu.VMEM((SMLEN,), i32),
          pltpu.VMEM((B,), i32),
          pltpu.VMEM((16,), i32),
          pltpu.VMEM((8, D), f32),
          pltpu.VMEM((BPW * L,), i32),
          pltpu.VMEM((2, BPW * H), f32),
          pltpu.VMEM((2, BPW * H), f32),
          pltpu.SemaphoreType.DMA,
          pltpu.SemaphoreType.DMA,
          pltpu.SemaphoreType.DMA,
          pltpu.SemaphoreType.DMA,
          pltpu.SemaphoreType.DMA,
          pltpu.SemaphoreType.DMA,
      ],
  )(sm, xf, h0p, h1p, h0, h1, lt)


def kernel(blankness, blank_vec, x, hidden0_prime, hidden1_prime, hidden0,
           hidden1, label_col, label_row, label_tensor, symbols_added,
           time_idxs, f, k, max_lens):
  del label_row, f
  i32 = jnp.int32
  sm = jnp.concatenate([
      blankness.astype(i32), blank_vec.astype(i32), label_col.astype(i32),
      symbols_added.astype(i32), time_idxs.astype(i32),
      max_lens.astype(i32), k.astype(i32), jnp.zeros((16,), i32)])
  o_h0, o_h1, o_lt, o_sml, o_f = _run(
      sm, x.reshape(B * T, D),
      hidden0_prime.reshape(2, B * H), hidden1_prime.reshape(2, B * H),
      hidden0.reshape(2, B * H), hidden1.reshape(2, B * H),
      label_tensor.reshape(-1))
  return (o_h0.reshape(2, B, H), o_h1.reshape(2, B, H), o_lt.reshape(B, L),
          o_sml[:B].astype(label_col.dtype), o_f[:, None, :],
          o_sml[B:2 * B].astype(time_idxs.dtype),
          o_sml[2 * B:].astype(symbols_added.dtype))

# --- scband reference (transcript-rebuilt; emitter-appended) ---
"""Pipeline reference for scband-script-greedy-decoder-46205258170692 (READ-ONLY COPY).

The authoritative reference and input builder live on the scoring server;
editing this copy changes nothing except your own understanding.
"""

import jax, jax.numpy as jnp
import numpy as np

B, T, D, H, L = 128, 256, 1024, 1024, 7680
VOCAB = 1024
_SOS = -1
MAX_SYM = 30


def setup_inputs(seed: int = 0) -> dict:
    key = jax.random.key(seed)
    ks = jax.random.split(key, 12)
    x = jax.random.normal(ks[0], (B, T, D), dtype=jnp.float32)
    hidden0_prime = jax.random.normal(ks[1], (2, B, H), dtype=jnp.float32)
    hidden1_prime = jax.random.normal(ks[2], (2, B, H), dtype=jnp.float32)
    hidden0 = jnp.zeros((2, B, H), dtype=jnp.float32)
    hidden1 = jnp.zeros((2, B, H), dtype=jnp.float32)
    f = jax.random.normal(ks[3], (B, 1, D), dtype=jnp.float32)
    blankness = jax.random.randint(ks[4], (B,), 0, 2).astype(bool)
    blank_vec = jax.random.randint(ks[5], (B,), 0, 2).astype(bool)
    k = jax.random.randint(ks[6], (B,), 0, VOCAB)
    label_col = jax.random.randint(ks[7], (B,), 0, 100)
    label_row = jnp.arange(B)
    label_tensor = jnp.full((B, L), _SOS, dtype=jnp.int32)
    symbols_added = jax.random.randint(ks[8], (B,), 0, MAX_SYM)
    time_idxs = jax.random.randint(ks[9], (B,), 0, T)
    max_lens = jax.random.randint(ks[10], (B,), 1, T)
    return {
        'blankness': blankness, 'blank_vec': blank_vec, 'x': x,
        'hidden0_prime': hidden0_prime, 'hidden1_prime': hidden1_prime,
        'hidden0': hidden0, 'hidden1': hidden1,
        'label_col': label_col, 'label_row': label_row,
        'label_tensor': label_tensor, 'symbols_added': symbols_added,
        'time_idxs': time_idxs, 'f': f, 'k': k, 'max_lens': max_lens,
    }


def reference(blankness, blank_vec, x, hidden0_prime, hidden1_prime,
              hidden0, hidden1, label_col, label_row, label_tensor,
              symbols_added, time_idxs, f, k, max_lens):
    # Faithful JAX translation of _update_batch (the memory/scatter core of
    # one step of the batched RNN-T greedy decode loop).
    # symbols_added *= blankness.logical_not()
    symbols_added = symbols_added * jnp.logical_not(blankness).astype(symbols_added.dtype)
    # tmp_blank_vec = blank_vec.logical_or(blankness)
    tmp_blank_vec = jnp.logical_or(blank_vec, blankness)
    not_blank = jnp.logical_not(tmp_blank_vec)
    # hidden[0][:, idx, :] = hidden_prime[0][:, idx, :] (masked row overwrite)
    mask = not_blank[None, :, None]
    h0 = jnp.where(mask, hidden0_prime, hidden0)
    h1 = jnp.where(mask, hidden1_prime, hidden1)
    nb_i = not_blank.astype(label_col.dtype)
    # label_col += not_blank
    label_col = label_col + nb_i
    # label_tensor.index_put_([label_row, label_col], (k - _SOS) * not_blank, accumulate=True)
    label_tensor = label_tensor.at[label_row, label_col].add(
        ((k - _SOS) * nb_i.astype(k.dtype)).astype(label_tensor.dtype))
    # symbols_added += not_blank
    symbols_added = symbols_added + nb_i.astype(symbols_added.dtype)
    need_add = symbols_added >= MAX_SYM
    time_idxs = time_idxs + need_add.astype(time_idxs.dtype)
    blankness = jnp.logical_or(blankness, need_add)
    symbols_added = symbols_added * (symbols_added < MAX_SYM).astype(symbols_added.dtype)
    # f = x[range(B), fetch_time_idxs, :].unsqueeze(1)
    fetch_time_idxs = jnp.minimum(time_idxs, max_lens)
    rows = jnp.arange(x.shape[0])
    f_new = x[rows, fetch_time_idxs, :][:, None, :]
    return (h0, h1, label_tensor, label_col, f_new, time_idxs, symbols_added)

if __name__ == "__main__":
    import jax
    _d = setup_inputs()
    print(jax.jit(kernel)(*tuple(_d.values())))

</pallas_src>

<mosaic_0001>
#map = affine_map<(d0, d1) -> (0)>
#map1 = affine_map<(d0, d1) -> (0, 0)>
module attributes {stable_mosaic.version = 14 : i64} {
  func.func @_sc_body(%arg0: i32, %arg1: i32, %arg2: memref<912xi32, #tpu.memory_space<hbm>>, %arg3: memref<32768x1024xf32, #tpu.memory_space<hbm>>, %arg4: memref<2x131072xf32, #tpu.memory_space<hbm>>, %arg5: memref<2x131072xf32, #tpu.memory_space<hbm>>, %arg6: memref<2x131072xf32, #tpu.memory_space<hbm>>, %arg7: memref<2x131072xf32, #tpu.memory_space<hbm>>, %arg8: memref<983040xi32, #tpu.memory_space<hbm>>, %arg9: memref<2x131072xf32, #tpu.memory_space<hbm>>, %arg10: memref<2x131072xf32, #tpu.memory_space<hbm>>, %arg11: memref<983040xi32, #tpu.memory_space<hbm>>, %arg12: memref<384xi32, #tpu.memory_space<hbm>>, %arg13: memref<128x1024xf32, #tpu.memory_space<hbm>>, %arg14: memref<912xi32, #tpu.memory_space<vmem>>, %arg15: memref<128xi32, #tpu.memory_space<vmem>>, %arg16: memref<16xi32, #tpu.memory_space<vmem>>, %arg17: memref<8x1024xf32, #tpu.memory_space<vmem>>, %arg18: memref<30720xi32, #tpu.memory_space<vmem>>, %arg19: memref<2x4096xf32, #tpu.memory_space<vmem>>, %arg20: memref<2x4096xf32, #tpu.memory_space<vmem>>, %arg21: memref<!tpu.dma_semaphore, #tpu.memory_space<semaphore_mem>>, %arg22: memref<!tpu.dma_semaphore, #tpu.memory_space<semaphore_mem>>, %arg23: memref<!tpu.dma_semaphore, #tpu.memory_space<semaphore_mem>>, %arg24: memref<!tpu.dma_semaphore, #tpu.memory_space<semaphore_mem>>, %arg25: memref<!tpu.dma_semaphore, #tpu.memory_space<semaphore_mem>>, %arg26: memref<!tpu.dma_semaphore, #tpu.memory_space<semaphore_mem>>) attributes {dimension_semantics = [#tpu.dimension_semantics<core_parallel>, #tpu.dimension_semantics<subcore_parallel>], iteration_bounds = array<i64: 2, 16>, scalar_prefetch = 0 : i64, scratch_operands = 13 : i64, tpu.core_type = #tpu.core_type<sc_vector_subcore>, window_params = [{transform_indices = #map}, {transform_indices = #map1}, {transform_indices = #map1}, {transform_indices = #map1}, {transform_indices = #map1}, {transform_indices = #map1}, {transform_indices = #map}, {transform_indices = #map1}, {transform_indices = #map1}, {transform_indices = #map}, {transform_indices = #map}, {transform_indices = #map1}]} {
    %mul3A = arith.constant 2 : i32
    %mul3A_0 = arith.muli %arg1, %mul3A : i32
    %add3A = arith.addi %mul3A_0, %arg0 : i32
    %mul3A_1 = arith.constant 4 : i32
    %mul3A_2 = arith.muli %add3A, %mul3A_1 : i32
    %iota3A = tpu.iota {dimensions = array<i32: 0>} : vector<16xi32>
    tpu.enqueue_dma source(%arg2 : memref<912xi32, #tpu.memory_space<hbm>>) target(%arg14 : memref<912xi32, #tpu.memory_space<vmem>>) target_semaphore(%arg21 : memref<!tpu.dma_semaphore, #tpu.memory_space<semaphore_mem>>)
    %mul3A_3 = arith.constant 7680 : i32
    %mul3A_4 = arith.muli %mul3A_2, %mul3A_3 : i32
    %dma_start3A = tpu.memref_slice %arg8[%mul3A_4] : memref<983040xi32, #tpu.memory_space<hbm>> -> memref<30720xi32, #tpu.memory_space<hbm>>
    %dma_start3A_5 = tpu.memref_slice %arg8[%mul3A_4] : memref<983040xi32, #tpu.memory_space<hbm>> -> memref<30720xi32, #tpu.memory_space<hbm>>
    tpu.enqueue_dma source(%dma_start3A_5 : memref<30720xi32, #tpu.memory_space<hbm>>) target(%arg18 : memref<30720xi32, #tpu.memory_space<vmem>>) target_semaphore(%arg22 : memref<!tpu.dma_semaphore, #tpu.memory_space<semaphore_mem>>)
    tpu.wait_dma2 semaphore(%arg21 : memref<!tpu.dma_semaphore, #tpu.memory_space<semaphore_mem>>) src(%arg2 : memref<912xi32, #tpu.memory_space<hbm>>) dst(%arg14 : memref<912xi32, #tpu.memory_space<vmem>>)
    %add3A_6 = arith.constant 0 : i32
    %add3A_7 = arith.addi %add3A_6, %mul3A_2 : i32
    %get3A = arith.index_cast %add3A_7 : i32 to index
    %get3A_8 = tpu.vector_load %arg14[%get3A] {strides = array<i32>} : memref<912xi32, #tpu.memory_space<vmem>>, vector<16xi32>,
    %get3A_9 = vector.shape_cast %get3A_8 : vector<16xi32> to vector<16xi32>
    %add3A_10 = arith.constant 128 : i32
    %add3A_11 = arith.addi %add3A_10, %mul3A_2 : i32
    %get3A_12 = arith.index_cast %add3A_11 : i32 to index
    %get3A_13 = tpu.vector_load %arg14[%get3A_12] {strides = array<i32>} : memref<912xi32, #tpu.memory_space<vmem>>, vector<16xi32>,
    %get3A_14 = vector.shape_cast %get3A_13 : vector<16xi32> to vector<16xi32>
    %add3A_15 = arith.constant 256 : i32
    %add3A_16 = arith.addi %add3A_15, %mul3A_2 : i32
    %get3A_17 = arith.index_cast %add3A_16 : i32 to index
    %get3A_18 = tpu.vector_load %arg14[%get3A_17] {strides = array<i32>} : memref<912xi32, #tpu.memory_space<vmem>>, vector<16xi32>,
    %get3A_19 = vector.shape_cast %get3A_18 : vector<16xi32> to vector<16xi32>
    %add3A_20 = arith.constant 384 : i32
    %add3A_21 = arith.addi %add3A_20, %mul3A_2 : i32
    %get3A_22 = arith.index_cast %add3A_21 : i32 to index
    %get3A_23 = tpu.vector_load %arg14[%get3A_22] {strides = array<i32>} : memref<912xi32, #tpu.memory_space<vmem>>, vector<16xi32>,
    %get3A_24 = vector.shape_cast %get3A_23 : vector<16xi32> to vector<16xi32>
    %add3A_25 = arith.constant 512 : i32
    %add3A_26 = arith.addi %add3A_25, %mul3A_2 : i32
    %get3A_27 = arith.index_cast %add3A_26 : i32 to index
    %get3A_28 = tpu.vector_load %arg14[%get3A_27] {strides = array<i32>} : memref<912xi32, #tpu.memory_space<vmem>>, vector<16xi32>,
    %get3A_29 = vector.shape_cast %get3A_28 : vector<16xi32> to vector<16xi32>
    %add3A_30 = arith.constant 640 : i32
    %add3A_31 = arith.addi %add3A_30, %mul3A_2 : i32
    %get3A_32 = arith.index_cast %add3A_31 : i32 to index
    %get3A_33 = tpu.vector_load %arg14[%get3A_32] {strides = array<i32>} : memref<912xi32, #tpu.memory_space<vmem>>, vector<16xi32>,
    %get3A_34 = vector.shape_cast %get3A_33 : vector<16xi32> to vector<16xi32>
    %add3A_35 = arith.constant 768 : i32
    %add3A_36 = arith.addi %add3A_35, %mul3A_2 : i32
    %get3A_37 = arith.index_cast %add3A_36 : i32 to index
    %get3A_38 = tpu.vector_load %arg14[%get3A_37] {strides = array<i32>} : memref<912xi32, #tpu.memory_space<vmem>>, vector<16xi32>,
    %get3A_39 = vector.shape_cast %get3A_38 : vector<16xi32> to vector<16xi32>
    %max3A = arith.maxsi %get3A_9, %get3A_14 : vector<16xi32>
    %sub3A = arith.constant 1 : i32
    %sub3A_40 = vector.broadcast %sub3A : i32 to vector<16xi32>
    %sub3A_41 = arith.subi %sub3A_40, %max3A : vector<16xi32>
    %sub3A_42 = arith.constant 1 : i32
    %sub3A_43 = vector.broadcast %sub3A_42 : i32 to vector<16xi32>
    %sub3A_44 = arith.subi %sub3A_43, %get3A_9 : vector<16xi32>
    %mul3A_45 = arith.muli %get3A_24, %sub3A_44 : vector<16xi32>
    %add3A_46 = arith.addi %mul3A_45, %sub3A_41 : vector<16xi32>
    %add3A_47 = arith.addi %get3A_19, %sub3A_41 : vector<16xi32>
    %add3A_48 = arith.constant 1 : i32
    %add3A_49 = vector.broadcast %add3A_48 : i32 to vector<16xi32>
    %add3A_50 = arith.addi %get3A_39, %add3A_49 : vector<16xi32>
    %mul3A_51 = arith.muli %add3A_50, %sub3A_41 : vector<16xi32>
    %sub3A_52 = arith.constant 29 : i32
    %sub3A_53 = vector.broadcast %sub3A_52 : i32 to vector<16xi32>
    %sub3A_54 = arith.subi %add3A_46, %sub3A_53 : vector<16xi32>
    %min3A = arith.constant 1 : i32
    %min3A_55 = vector.broadcast %min3A : i32 to vector<16xi32>
    %min3A_56 = arith.minsi %sub3A_54, %min3A_55 : vector<16xi32>
    %max3A_57 = arith.constant 0 : i32
    %max3A_58 = vector.broadcast %max3A_57 : i32 to vector<16xi32>
    %max3A_59 = arith.maxsi %min3A_56, %max3A_58 : vector<16xi32>
    %add3A_60 = arith.addi %get3A_29, %max3A_59 : vector<16xi32>
    %sub3A_61 = arith.constant 1 : i32
    %sub3A_62 = vector.broadcast %sub3A_61 : i32 to vector<16xi32>
    %sub3A_63 = arith.subi %sub3A_62, %max3A_59 : vector<16xi32>
    %mul3A_64 = arith.muli %add3A_46, %sub3A_63 : vector<16xi32>
    %min3A_65 = arith.minsi %add3A_60, %get3A_34 : vector<16xi32>
    %add3A_66 = vector.broadcast %mul3A_2 : i32 to vector<16xi32>
    %add3A_67 = arith.addi %add3A_66, %iota3A : vector<16xi32>
    %mul3A_68 = arith.constant 256 : i32
    %mul3A_69 = vector.broadcast %mul3A_68 : i32 to vector<16xi32>
    %mul3A_70 = arith.muli %add3A_67, %mul3A_69 : vector<16xi32>
    %add3A_71 = arith.addi %mul3A_70, %min3A_65 : vector<16xi32>
    %slice3A = vector.extract_strided_slice %sub3A_41 {offsets = [0], sizes = [1], strides = [1]} : vector<16xi32> to vector<1xi32>
    %squeeze3A = vector.extract %slice3A[0] : i32 from vector<1xi32>
    %add3A_72 = arith.constant 0 : i32
    %add3A_73 = arith.addi %mul3A_2, %add3A_72 : i32
    %mul3A_74 = arith.constant 1024 : i32
    %mul3A_75 = arith.muli %add3A_73, %mul3A_74 : i32
    %multiple_of3A = tpu.assume_multiple %mul3A_75, 128 : i32
    %multiple_of3A_76 = arith.constant 0 : i32
    %multiple_of3A_77 = tpu.assume_multiple %multiple_of3A_76, 128 : i32
    %gt3A = arith.constant 0 : i32
    %gt3A_78 = arith.cmpi sgt, %squeeze3A, %gt3A : i32
    %convert_element_type3A = arith.extui %gt3A_78 : i1 to i32
    %cond3A = arith.constant 0 : i32
    %cond3A_79 = arith.cmpi ne, %convert_element_type3A, %cond3A : i32
    scf.if %cond3A_79 {
      %dma_start3A_739 = arith.constant 0 : i32
      %dma_start3A_740 = tpu.memref_slice %arg19[%dma_start3A_739, %multiple_of3A_77] : memref<2x4096xf32, #tpu.memory_space<vmem>> -> memref<2x1024xf32, #tpu.memory_space<vmem>>
      %dma_start3A_741 = arith.constant 0 : i32
      %dma_start3A_742 = tpu.memref_slice %arg4[%dma_start3A_741, %multiple_of3A] : memref<2x131072xf32, #tpu.memory_space<hbm>> -> memref<2x1024xf32, #tpu.memory_space<hbm>>
      %dma_start3A_743 = arith.constant 0 : i32
      %dma_start3A_744 = tpu.memref_slice %arg19[%dma_start3A_743, %multiple_of3A_77] : memref<2x4096xf32, #tpu.memory_space<vmem>> -> memref<2x1024xf32, #tpu.memory_space<vmem>>
      %dma_start3A_745 = arith.constant 0 : i32
      %dma_start3A_746 = tpu.memref_slice %arg4[%dma_start3A_745, %multiple_of3A] : memref<2x131072xf32, #tpu.memory_space<hbm>> -> memref<2x1024xf32, #tpu.memory_space<hbm>>
      tpu.enqueue_dma source(%dma_start3A_746 : memref<2x1024xf32, #tpu.memory_space<hbm>>) target(%dma_start3A_744 : memref<2x1024xf32, #tpu.memory_space<vmem>>) target_semaphore(%arg23 : memref<!tpu.dma_semaphore, #tpu.memory_space<semaphore_mem>>)
    } else {
    }
    %eq3A = arith.constant 0 : i32
    %eq3A_80 = arith.cmpi eq, %squeeze3A, %eq3A : i32
    %convert_element_type3A_81 = arith.extui %eq3A_80 : i1 to i32
    %cond3A_82 = arith.constant 0 : i32
    %cond3A_83 = arith.cmpi ne, %convert_element_type3A_81, %cond3A_82 : i32
    scf.if %cond3A_83 {
      %dma_start3A_739 = arith.constant 0 : i32
      %dma_start3A_740 = tpu.memref_slice %arg19[%dma_start3A_739, %multiple_of3A_77] : memref<2x4096xf32, #tpu.memory_space<vmem>> -> memref<2x1024xf32, #tpu.memory_space<vmem>>
      %dma_start3A_741 = arith.constant 0 : i32
      %dma_start3A_742 = tpu.memref_slice %arg6[%dma_start3A_741, %multiple_of3A] : memref<2x131072xf32, #tpu.memory_space<hbm>> -> memref<2x1024xf32, #tpu.memory_space<hbm>>
      %dma_start3A_743 = arith.constant 0 : i32
      %dma_start3A_744 = tpu.memref_slice %arg19[%dma_start3A_743, %multiple_of3A_77] : memref<2x4096xf32, #tpu.memory_space<vmem>> -> memref<2x1024xf32, #tpu.memory_space<vmem>>
      %dma_start3A_745 = arith.constant 0 : i32
      %dma_start3A_746 = tpu.memref_slice %arg6[%dma_start3A_745, %multiple_of3A] : memref<2x131072xf32, #tpu.memory_space<hbm>> -> memref<2x1024xf32, #tpu.memory_space<hbm>>
      tpu.enqueue_dma source(%dma_start3A_746 : memref<2x1024xf32, #tpu.memory_space<hbm>>) target(%dma_start3A_744 : memref<2x1024xf32, #tpu.memory_space<vmem>>) target_semaphore(%arg23 : memref<!tpu.dma_semaphore, #tpu.memory_space<semaphore_mem>>)
    } else {
    }
    %gt3A_84 = arith.constant 0 : i32
    %gt3A_85 = arith.cmpi sgt, %squeeze3A, %gt3A_84 : i32
    %convert_element_type3A_86 = arith.extui %gt3A_85 : i1 to i32
    %cond3A_87 = arith.constant 0 : i32
    %cond3A_88 = arith.cmpi ne, %convert_element_type3A_86, %cond3A_87 : i32
    scf.if %cond3A_88 {
      %dma_start3A_739 = arith.constant 0 : i32
      %dma_start3A_740 = tpu.memref_slice %arg20[%dma_start3A_739, %multiple_of3A_77] : memref<2x4096xf32, #tpu.memory_space<vmem>> -> memref<2x1024xf32, #tpu.memory_space<vmem>>
      %dma_start3A_741 = arith.constant 0 : i32
      %dma_start3A_742 = tpu.memref_slice %arg5[%dma_start3A_741, %multiple_of3A] : memref<2x131072xf32, #tpu.memory_space<hbm>> -> memref<2x1024xf32, #tpu.memory_space<hbm>>
      %dma_start3A_743 = arith.constant 0 : i32
      %dma_start3A_744 = tpu.memref_slice %arg20[%dma_start3A_743, %multiple_of3A_77] : memref<2x4096xf32, #tpu.memory_space<vmem>> -> memref<2x1024xf32, #tpu.memory_space<vmem>>
      %dma_start3A_745 = arith.constant 0 : i32
      %dma_start3A_746 = tpu.memref_slice %arg5[%dma_start3A_745, %multiple_of3A] : memref<2x131072xf32, #tpu.memory_space<hbm>> -> memref<2x1024xf32, #tpu.memory_space<hbm>>
      tpu.enqueue_dma source(%dma_start3A_746 : memref<2x1024xf32, #tpu.memory_space<hbm>>) target(%dma_start3A_744 : memref<2x1024xf32, #tpu.memory_space<vmem>>) target_semaphore(%arg24 : memref<!tpu.dma_semaphore, #tpu.memory_space<semaphore_mem>>)
    } else {
    }
    %eq3A_89 = arith.constant 0 : i32
    %eq3A_90 = arith.cmpi eq, %squeeze3A, %eq3A_89 : i32
    %convert_element_type3A_91 = arith.extui %eq3A_90 : i1 to i32
    %cond3A_92 = arith.constant 0 : i32
    %cond3A_93 = arith.cmpi ne, %convert_element_type3A_91, %cond3A_92 : i32
    scf.if %cond3A_93 {
      %dma_start3A_739 = arith.constant 0 : i32
      %dma_start3A_740 = tpu.memref_slice %arg20[%dma_start3A_739, %multiple_of3A_77] : memref<2x4096xf32, #tpu.memory_space<vmem>> -> memref<2x1024xf32, #tpu.memory_space<vmem>>
      %dma_start3A_741 = arith.constant 0 : i32
      %dma_start3A_742 = tpu.memref_slice %arg7[%dma_start3A_741, %multiple_of3A] : memref<2x131072xf32, #tpu.memory_space<hbm>> -> memref<2x1024xf32, #tpu.memory_space<hbm>>
      %dma_start3A_743 = arith.constant 0 : i32
      %dma_start3A_744 = tpu.memref_slice %arg20[%dma_start3A_743, %multiple_of3A_77] : memref<2x4096xf32, #tpu.memory_space<vmem>> -> memref<2x1024xf32, #tpu.memory_space<vmem>>
      %dma_start3A_745 = arith.constant 0 : i32
      %dma_start3A_746 = tpu.memref_slice %arg7[%dma_start3A_745, %multiple_of3A] : memref<2x131072xf32, #tpu.memory_space<hbm>> -> memref<2x1024xf32, #tpu.memory_space<hbm>>
      tpu.enqueue_dma source(%dma_start3A_746 : memref<2x1024xf32, #tpu.memory_space<hbm>>) target(%dma_start3A_744 : memref<2x1024xf32, #tpu.memory_space<vmem>>) target_semaphore(%arg24 : memref<!tpu.dma_semaphore, #tpu.memory_space<semaphore_mem>>)
    } else {
    }
    %slice3A_94 = vector.extract_strided_slice %sub3A_41 {offsets = [1], sizes = [1], strides = [1]} : vector<16xi32> to vector<1xi32>
    %squeeze3A_95 = vector.extract %slice3A_94[0] : i32 from vector<1xi32>
    %add3A_96 = arith.constant 1 : i32
    %add3A_97 = arith.addi %mul3A_2, %add3A_96 : i32
    %mul3A_98 = arith.constant 1024 : i32
    %mul3A_99 = arith.muli %add3A_97, %mul3A_98 : i32
    %multiple_of3A_100 = tpu.assume_multiple %mul3A_99, 128 : i32
    %multiple_of3A_101 = arith.constant 1024 : i32
    %multiple_of3A_102 = tpu.assume_multiple %multiple_of3A_101, 128 : i32
    %gt3A_103 = arith.constant 0 : i32
    %gt3A_104 = arith.cmpi sgt, %squeeze3A_95, %gt3A_103 : i32
    %convert_element_type3A_105 = arith.extui %gt3A_104 : i1 to i32
    %cond3A_106 = arith.constant 0 : i32
    %cond3A_107 = arith.cmpi ne, %convert_element_type3A_105, %cond3A_106 : i32
    scf.if %cond3A_107 {
      %dma_start3A_739 = arith.constant 0 : i32
      %dma_start3A_740 = tpu.memref_slice %arg19[%dma_start3A_739, %multiple_of3A_102] : memref<2x4096xf32, #tpu.memory_space<vmem>> -> memref<2x1024xf32, #tpu.memory_space<vmem>>
      %dma_start3A_741 = arith.constant 0 : i32
      %dma_start3A_742 = tpu.memref_slice %arg4[%dma_start3A_741, %multiple_of3A_100] : memref<2x131072xf32, #tpu.memory_space<hbm>> -> memref<2x1024xf32, #tpu.memory_space<hbm>>
      %dma_start3A_743 = arith.constant 0 : i32
      %dma_start3A_744 = tpu.memref_slice %arg19[%dma_start3A_743, %multiple_of3A_102] : memref<2x4096xf32, #tpu.memory_space<vmem>> -> memref<2x1024xf32, #tpu.memory_space<vmem>>
      %dma_start3A_745 = arith.constant 0 : i32
      %dma_start3A_746 = tpu.memref_slice %arg4[%dma_start3A_745, %multiple_of3A_100] : memref<2x131072xf32, #tpu.memory_space<hbm>> -> memref<2x1024xf32, #tpu.memory_space<hbm>>
      tpu.enqueue_dma source(%dma_start3A_746 : memref<2x1024xf32, #tpu.memory_space<hbm>>) target(%dma_start3A_744 : memref<2x1024xf32, #tpu.memory_space<vmem>>) target_semaphore(%arg23 : memref<!tpu.dma_semaphore, #tpu.memory_space<semaphore_mem>>)
    } else {
    }
    %eq3A_108 = arith.constant 0 : i32
    %eq3A_109 = arith.cmpi eq, %squeeze3A_95, %eq3A_108 : i32
    %convert_element_type3A_110 = arith.extui %eq3A_109 : i1 to i32
    %cond3A_111 = arith.constant 0 : i32
    %cond3A_112 = arith.cmpi ne, %convert_element_type3A_110, %cond3A_111 : i32
    scf.if %cond3A_112 {
      %dma_start3A_739 = arith.constant 0 : i32
      %dma_start3A_740 = tpu.memref_slice %arg19[%dma_start3A_739, %multiple_of3A_102] : memref<2x4096xf32, #tpu.memory_space<vmem>> -> memref<2x1024xf32, #tpu.memory_space<vmem>>
      %dma_start3A_741 = arith.constant 0 : i32
      %dma_start3A_742 = tpu.memref_slice %arg6[%dma_start3A_741, %multiple_of3A_100] : memref<2x131072xf32, #tpu.memory_space<hbm>> -> memref<2x1024xf32, #tpu.memory_space<hbm>>
      %dma_start3A_743 = arith.constant 0 : i32
      %dma_start3A_744 = tpu.memref_slice %arg19[%dma_start3A_743, %multiple_of3A_102] : memref<2x4096xf32, #tpu.memory_space<vmem>> -> memref<2x1024xf32, #tpu.memory_space<vmem>>
      %dma_start3A_745 = arith.constant 0 : i32
      %dma_start3A_746 = tpu.memref_slice %arg6[%dma_start3A_745, %multiple_of3A_100] : memref<2x131072xf32, #tpu.memory_space<hbm>> -> memref<2x1024xf32, #tpu.memory_space<hbm>>
      tpu.enqueue_dma source(%dma_start3A_746 : memref<2x1024xf32, #tpu.memory_space<hbm>>) target(%dma_start3A_744 : memref<2x1024xf32, #tpu.memory_space<vmem>>) target_semaphore(%arg23 : memref<!tpu.dma_semaphore, #tpu.memory_space<semaphore_mem>>)
    } else {
    }
    %gt3A_113 = arith.constant 0 : i32
    %gt3A_114 = arith.cmpi sgt, %squeeze3A_95, %gt3A_113 : i32
    %convert_element_type3A_115 = arith.extui %gt3A_114 : i1 to i32
    %cond3A_116 = arith.constant 0 : i32
    %cond3A_117 = arith.cmpi ne, %convert_element_type3A_115, %cond3A_116 : i32
    scf.if %cond3A_117 {
      %dma_start3A_739 = arith.constant 0 : i32
      %dma_start3A_740 = tpu.memref_slice %arg20[%dma_start3A_739, %multiple_of3A_102] : memref<2x4096xf32, #tpu.memory_space<vmem>> -> memref<2x1024xf32, #tpu.memory_space<vmem>>
      %dma_start3A_741 = arith.constant 0 : i32
      %dma_start3A_742 = tpu.memref_slice %arg5[%dma_start3A_741, %multiple_of3A_100] : memref<2x131072xf32, #tpu.memory_space<hbm>> -> memref<2x1024xf32, #tpu.memory_space<hbm>>
      %dma_start3A_743 = arith.constant 0 : i32
      %dma_start3A_744 = tpu.memref_slice %arg20[%dma_start3A_743, %multiple_of3A_102] : memref<2x4096xf32, #tpu.memory_space<vmem>> -> memref<2x1024xf32, #tpu.memory_space<vmem>>
      %dma_start3A_745 = arith.constant 0 : i32
      %dma_start3A_746 = tpu.memref_slice %arg5[%dma_start3A_745, %multiple_of3A_100] : memref<2x131072xf32, #tpu.memory_space<hbm>> -> memref<2x1024xf32, #tpu.memory_space<hbm>>
      tpu.enqueue_dma source(%dma_start3A_746 : memref<2x1024xf32, #tpu.memory_space<hbm>>) target(%dma_start3A_744 : memref<2x1024xf32, #tpu.memory_space<vmem>>) target_semaphore(%arg24 : memref<!tpu.dma_semaphore, #tpu.memory_space<semaphore_mem>>)
    } else {
    }
    %eq3A_118 = arith.constant 0 : i32
    %eq3A_119 = arith.cmpi eq, %squeeze3A_95, %eq3A_118 : i32
    %convert_element_type3A_120 = arith.extui %eq3A_119 : i1 to i32
    %cond3A_121 = arith.constant 0 : i32
    %cond3A_122 = arith.cmpi ne, %convert_element_type3A_120, %cond3A_121 : i32
    scf.if %cond3A_122 {
      %dma_start3A_739 = arith.constant 0 : i32
      %dma_start3A_740 = tpu.memref_slice %arg20[%dma_start3A_739, %multiple_of3A_102] : memref<2x4096xf32, #tpu.memory_space<vmem>> -> memref<2x1024xf32, #tpu.memory_space<vmem>>
      %dma_start3A_741 = arith.constant 0 : i32
      %dma_start3A_742 = tpu.memref_slice %arg7[%dma_start3A_741, %multiple_of3A_100] : memref<2x131072xf32, #tpu.memory_space<hbm>> -> memref<2x1024xf32, #tpu.memory_space<hbm>>
      %dma_start3A_743 = arith.constant 0 : i32
      %dma_start3A_744 = tpu.memref_slice %arg20[%dma_start3A_743, %multiple_of3A_102] : memref<2x4096xf32, #tpu.memory_space<vmem>> -> memref<2x1024xf32, #tpu.memory_space<vmem>>
      %dma_start3A_745 = arith.constant 0 : i32
      %dma_start3A_746 = tpu.memref_slice %arg7[%dma_start3A_745, %multiple_of3A_100] : memref<2x131072xf32, #tpu.memory_space<hbm>> -> memref<2x1024xf32, #tpu.memory_space<hbm>>
      tpu.enqueue_dma source(%dma_start3A_746 : memref<2x1024xf32, #tpu.memory_space<hbm>>) target(%dma_start3A_744 : memref<2x1024xf32, #tpu.memory_space<vmem>>) target_semaphore(%arg24 : memref<!tpu.dma_semaphore, #tpu.memory_space<semaphore_mem>>)
    } else {
    }
    %slice3A_123 = vector.extract_strided_slice %sub3A_41 {offsets = [2], sizes = [1], strides = [1]} : vector<16xi32> to vector<1xi32>
    %squeeze3A_124 = vector.extract %slice3A_123[0] : i32 from vector<1xi32>
    %add3A_125 = arith.constant 2 : i32
    %add3A_126 = arith.addi %mul3A_2, %add3A_125 : i32
    %mul3A_127 = arith.constant 1024 : i32
    %mul3A_128 = arith.muli %add3A_126, %mul3A_127 : i32
    %multiple_of3A_129 = tpu.assume_multiple %mul3A_128, 128 : i32
    %multiple_of3A_130 = arith.constant 2048 : i32
    %multiple_of3A_131 = tpu.assume_multiple %multiple_of3A_130, 128 : i32
    %gt3A_132 = arith.constant 0 : i32
    %gt3A_133 = arith.cmpi sgt, %squeeze3A_124, %gt3A_132 : i32
    %convert_element_type3A_134 = arith.extui %gt3A_133 : i1 to i32
    %cond3A_135 = arith.constant 0 : i32
    %cond3A_136 = arith.cmpi ne, %convert_element_type3A_134, %cond3A_135 : i32
    scf.if %cond3A_136 {
      %dma_start3A_739 = arith.constant 0 : i32
      %dma_start3A_740 = tpu.memref_slice %arg19[%dma_start3A_739, %multiple_of3A_131] : memref<2x4096xf32, #tpu.memory_space<vmem>> -> memref<2x1024xf32, #tpu.memory_space<vmem>>
      %dma_start3A_741 = arith.constant 0 : i32
      %dma_start3A_742 = tpu.memref_slice %arg4[%dma_start3A_741, %multiple_of3A_129] : memref<2x131072xf32, #tpu.memory_space<hbm>> -> memref<2x1024xf32, #tpu.memory_space<hbm>>
      %dma_start3A_743 = arith.constant 0 : i32
      %dma_start3A_744 = tpu.memref_slice %arg19[%dma_start3A_743, %multiple_of3A_131] : memref<2x4096xf32, #tpu.memory_space<vmem>> -> memref<2x1024xf32, #tpu.memory_space<vmem>>
      %dma_start3A_745 = arith.constant 0 : i32
      %dma_start3A_746 = tpu.memref_slice %arg4[%dma_start3A_745, %multiple_of3A_129] : memref<2x131072xf32, #tpu.memory_space<hbm>> -> memref<2x1024xf32, #tpu.memory_space<hbm>>
      tpu.enqueue_dma source(%dma_start3A_746 : memref<2x1024xf32, #tpu.memory_space<hbm>>) target(%dma_start3A_744 : memref<2x1024xf32, #tpu.memory_space<vmem>>) target_semaphore(%arg23 : memref<!tpu.dma_semaphore, #tpu.memory_space<semaphore_mem>>)
    } else {
    }
    %eq3A_137 = arith.constant 0 : i32
    %eq3A_138 = arith.cmpi eq, %squeeze3A_124, %eq3A_137 : i32
    %convert_element_type3A_139 = arith.extui %eq3A_138 : i1 to i32
    %cond3A_140 = arith.constant 0 : i32
    %cond3A_141 = arith.cmpi ne, %convert_element_type3A_139, %cond3A_140 : i32
    scf.if %cond3A_141 {
      %dma_start3A_739 = arith.constant 0 : i32
      %dma_start3A_740 = tpu.memref_slice %arg19[%dma_start3A_739, %multiple_of3A_131] : memref<2x4096xf32, #tpu.memory_space<vmem>> -> memref<2x1024xf32, #tpu.memory_space<vmem>>
      %dma_start3A_741 = arith.constant 0 : i32
      %dma_start3A_742 = tpu.memref_slice %arg6[%dma_start3A_741, %multiple_of3A_129] : memref<2x131072xf32, #tpu.memory_space<hbm>> -> memref<2x1024xf32, #tpu.memory_space<hbm>>
      %dma_start3A_743 = arith.constant 0 : i32
      %dma_start3A_744 = tpu.memref_slice %arg19[%dma_start3A_743, %multiple_of3A_131] : memref<2x4096xf32, #tpu.memory_space<vmem>> -> memref<2x1024xf32, #tpu.memory_space<vmem>>
      %dma_start3A_745 = arith.constant 0 : i32
      %dma_start3A_746 = tpu.memref_slice %arg6[%dma_start3A_745, %multiple_of3A_129] : memref<2x131072xf32, #tpu.memory_space<hbm>> -> memref<2x1024xf32, #tpu.memory_space<hbm>>
      tpu.enqueue_dma source(%dma_start3A_746 : memref<2x1024xf32, #tpu.memory_space<hbm>>) target(%dma_start3A_744 : memref<2x1024xf32, #tpu.memory_space<vmem>>) target_semaphore(%arg23 : memref<!tpu.dma_semaphore, #tpu.memory_space<semaphore_mem>>)
    } else {
    }
    %gt3A_142 = arith.constant 0 : i32
    %gt3A_143 = arith.cmpi sgt, %squeeze3A_124, %gt3A_142 : i32
    %convert_element_type3A_144 = arith.extui %gt3A_143 : i1 to i32
    %cond3A_145 = arith.constant 0 : i32
    %cond3A_146 = arith.cmpi ne, %convert_element_type3A_144, %cond3A_145 : i32
    scf.if %cond3A_146 {
      %dma_start3A_739 = arith.constant 0 : i32
      %dma_start3A_740 = tpu.memref_slice %arg20[%dma_start3A_739, %multiple_of3A_131] : memref<2x4096xf32, #tpu.memory_space<vmem>> -> memref<2x1024xf32, #tpu.memory_space<vmem>>
      %dma_start3A_741 = arith.constant 0 : i32
      %dma_start3A_742 = tpu.memref_slice %arg5[%dma_start3A_741, %multiple_of3A_129] : memref<2x131072xf32, #tpu.memory_space<hbm>> -> memref<2x1024xf32, #tpu.memory_space<hbm>>
      %dma_start3A_743 = arith.constant 0 : i32
      %dma_start3A_744 = tpu.memref_slice %arg20[%dma_start3A_743, %multiple_of3A_131] : memref<2x4096xf32, #tpu.memory_space<vmem>> -> memref<2x1024xf32, #tpu.memory_space<vmem>>
      %dma_start3A_745 = arith.constant 0 : i32
      %dma_start3A_746 = tpu.memref_slice %arg5[%dma_start3A_745, %multiple_of3A_129] : memref<2x131072xf32, #tpu.memory_space<hbm>> -> memref<2x1024xf32, #tpu.memory_space<hbm>>
      tpu.enqueue_dma source(%dma_start3A_746 : memref<2x1024xf32, #tpu.memory_space<hbm>>) target(%dma_start3A_744 : memref<2x1024xf32, #tpu.memory_space<vmem>>) target_semaphore(%arg24 : memref<!tpu.dma_semaphore, #tpu.memory_space<semaphore_mem>>)
    } else {
    }
    %eq3A_147 = arith.constant 0 : i32
    %eq3A_148 = arith.cmpi eq, %squeeze3A_124, %eq3A_147 : i32
    %convert_element_type3A_149 = arith.extui %eq3A_148 : i1 to i32
    %cond3A_150 = arith.constant 0 : i32
    %cond3A_151 = arith.cmpi ne, %convert_element_type3A_149, %cond3A_150 : i32
    scf.if %cond3A_151 {
      %dma_start3A_739 = arith.constant 0 : i32
      %dma_start3A_740 = tpu.memref_slice %arg20[%dma_start3A_739, %multiple_of3A_131] : memref<2x4096xf32, #tpu.memory_space<vmem>> -> memref<2x1024xf32, #tpu.memory_space<vmem>>
      %dma_start3A_741 = arith.constant 0 : i32
      %dma_start3A_742 = tpu.memref_slice %arg7[%dma_start3A_741, %multiple_of3A_129] : memref<2x131072xf32, #tpu.memory_space<hbm>> -> memref<2x1024xf32, #tpu.memory_space<hbm>>
      %dma_start3A_743 = arith.constant 0 : i32
      %dma_start3A_744 = tpu.memref_slice %arg20[%dma_start3A_743, %multiple_of3A_131] : memref<2x4096xf32, #tpu.memory_space<vmem>> -> memref<2x1024xf32, #tpu.memory_space<vmem>>
      %dma_start3A_745 = arith.constant 0 : i32
      %dma_start3A_746 = tpu.memref_slice %arg7[%dma_start3A_745, %multiple_of3A_129] : memref<2x131072xf32, #tpu.memory_space<hbm>> -> memref<2x1024xf32, #tpu.memory_space<hbm>>
      tpu.enqueue_dma source(%dma_start3A_746 : memref<2x1024xf32, #tpu.memory_space<hbm>>) target(%dma_start3A_744 : memref<2x1024xf32, #tpu.memory_space<vmem>>) target_semaphore(%arg24 : memref<!tpu.dma_semaphore, #tpu.memory_space<semaphore_mem>>)
    } else {
    }
    %slice3A_152 = vector.extract_strided_slice %sub3A_41 {offsets = [3], sizes = [1], strides = [1]} : vector<16xi32> to vector<1xi32>
    %squeeze3A_153 = vector.extract %slice3A_152[0] : i32 from vector<1xi32>
    %add3A_154 = arith.constant 3 : i32
    %add3A_155 = arith.addi %mul3A_2, %add3A_154 : i32
    %mul3A_156 = arith.constant 1024 : i32
    %mul3A_157 = arith.muli %add3A_155, %mul3A_156 : i32
    %multiple_of3A_158 = tpu.assume_multiple %mul3A_157, 128 : i32
    %multiple_of3A_159 = arith.constant 3072 : i32
    %multiple_of3A_160 = tpu.assume_multiple %multiple_of3A_159, 128 : i32
    %gt3A_161 = arith.constant 0 : i32
    %gt3A_162 = arith.cmpi sgt, %squeeze3A_153, %gt3A_161 : i32
    %convert_element_type3A_163 = arith.extui %gt3A_162 : i1 to i32
    %cond3A_164 = arith.constant 0 : i32
    %cond3A_165 = arith.cmpi ne, %convert_element_type3A_163, %cond3A_164 : i32
    scf.if %cond3A_165 {
      %dma_start3A_739 = arith.constant 0 : i32
      %dma_start3A_740 = tpu.memref_slice %arg19[%dma_start3A_739, %multiple_of3A_160] : memref<2x4096xf32, #tpu.memory_space<vmem>> -> memref<2x1024xf32, #tpu.memory_space<vmem>>
      %dma_start3A_741 = arith.constant 0 : i32
      %dma_start3A_742 = tpu.memref_slice %arg4[%dma_start3A_741, %multiple_of3A_158] : memref<2x131072xf32, #tpu.memory_space<hbm>> -> memref<2x1024xf32, #tpu.memory_space<hbm>>
      %dma_start3A_743 = arith.constant 0 : i32
      %dma_start3A_744 = tpu.memref_slice %arg19[%dma_start3A_743, %multiple_of3A_160] : memref<2x4096xf32, #tpu.memory_space<vmem>> -> memref<2x1024xf32, #tpu.memory_space<vmem>>
      %dma_start3A_745 = arith.constant 0 : i32
      %dma_start3A_746 = tpu.memref_slice %arg4[%dma_start3A_745, %multiple_of3A_158] : memref<2x131072xf32, #tpu.memory_space<hbm>> -> memref<2x1024xf32, #tpu.memory_space<hbm>>
      tpu.enqueue_dma source(%dma_start3A_746 : memref<2x1024xf32, #tpu.memory_space<hbm>>) target(%dma_start3A_744 : memref<2x1024xf32, #tpu.memory_space<vmem>>) target_semaphore(%arg23 : memref<!tpu.dma_semaphore, #tpu.memory_space<semaphore_mem>>)
    } else {
    }
    %eq3A_166 = arith.constant 0 : i32
    %eq3A_167 = arith.cmpi eq, %squeeze3A_153, %eq3A_166 : i32
    %convert_element_type3A_168 = arith.extui %eq3A_167 : i1 to i32
    %cond3A_169 = arith.constant 0 : i32
    %cond3A_170 = arith.cmpi ne, %convert_element_type3A_168, %cond3A_169 : i32
    scf.if %cond3A_170 {
      %dma_start3A_739 = arith.constant 0 : i32
      %dma_start3A_740 = tpu.memref_slice %arg19[%dma_start3A_739, %multiple_of3A_160] : memref<2x4096xf32, #tpu.memory_space<vmem>> -> memref<2x1024xf32, #tpu.memory_space<vmem>>
      %dma_start3A_741 = arith.constant 0 : i32
      %dma_start3A_742 = tpu.memref_slice %arg6[%dma_start3A_741, %multiple_of3A_158] : memref<2x131072xf32, #tpu.memory_space<hbm>> -> memref<2x1024xf32, #tpu.memory_space<hbm>>
      %dma_start3A_743 = arith.constant 0 : i32
      %dma_start3A_744 = tpu.memref_slice %arg19[%dma_start3A_743, %multiple_of3A_160] : memref<2x4096xf32, #tpu.memory_space<vmem>> -> memref<2x1024xf32, #tpu.memory_space<vmem>>
      %dma_start3A_745 = arith.constant 0 : i32
      %dma_start3A_746 = tpu.memref_slice %arg6[%dma_start3A_745, %multiple_of3A_158] : memref<2x131072xf32, #tpu.memory_space<hbm>> -> memref<2x1024xf32, #tpu.memory_space<hbm>>
      tpu.enqueue_dma source(%dma_start3A_746 : memref<2x1024xf32, #tpu.memory_space<hbm>>) target(%dma_start3A_744 : memref<2x1024xf32, #tpu.memory_space<vmem>>) target_semaphore(%arg23 : memref<!tpu.dma_semaphore, #tpu.memory_space<semaphore_mem>>)
    } else {
    }
    %gt3A_171 = arith.constant 0 : i32
    %gt3A_172 = arith.cmpi sgt, %squeeze3A_153, %gt3A_171 : i32
    %convert_element_type3A_173 = arith.extui %gt3A_172 : i1 to i32
    %cond3A_174 = arith.constant 0 : i32
    %cond3A_175 = arith.cmpi ne, %convert_element_type3A_173, %cond3A_174 : i32
    scf.if %cond3A_175 {
      %dma_start3A_739 = arith.constant 0 : i32
      %dma_start3A_740 = tpu.memref_slice %arg20[%dma_start3A_739, %multiple_of3A_160] : memref<2x4096xf32, #tpu.memory_space<vmem>> -> memref<2x1024xf32, #tpu.memory_space<vmem>>
      %dma_start3A_741 = arith.constant 0 : i32
      %dma_start3A_742 = tpu.memref_slice %arg5[%dma_start3A_741, %multiple_of3A_158] : memref<2x131072xf32, #tpu.memory_space<hbm>> -> memref<2x1024xf32, #tpu.memory_space<hbm>>
      %dma_start3A_743 = arith.constant 0 : i32
      %dma_start3A_744 = tpu.memref_slice %arg20[%dma_start3A_743, %multiple_of3A_160] : memref<2x4096xf32, #tpu.memory_space<vmem>> -> memref<2x1024xf32, #tpu.memory_space<vmem>>
      %dma_start3A_745 = arith.constant 0 : i32
      %dma_start3A_746 = tpu.memref_slice %arg5[%dma_start3A_745, %multiple_of3A_158] : memref<2x131072xf32, #tpu.memory_space<hbm>> -> memref<2x1024xf32, #tpu.memory_space<hbm>>
      tpu.enqueue_dma source(%dma_start3A_746 : memref<2x1024xf32, #tpu.memory_space<hbm>>) target(%dma_start3A_744 : memref<2x1024xf32, #tpu.memory_space<vmem>>) target_semaphore(%arg24 : memref<!tpu.dma_semaphore, #tpu.memory_space<semaphore_mem>>)
    } else {
    }
    %eq3A_176 = arith.constant 0 : i32
    %eq3A_177 = arith.cmpi eq, %squeeze3A_153, %eq3A_176 : i32
    %convert_element_type3A_178 = arith.extui %eq3A_177 : i1 to i32
    %cond3A_179 = arith.constant 0 : i32
    %cond3A_180 = arith.cmpi ne, %convert_element_type3A_178, %cond3A_179 : i32
    scf.if %cond3A_180 {
      %dma_start3A_739 = arith.constant 0 : i32
      %dma_start3A_740 = tpu.memref_slice %arg20[%dma_start3A_739, %multiple_of3A_160] : memref<2x4096xf32, #tpu.memory_space<vmem>> -> memref<2x1024xf32, #tpu.memory_space<vmem>>
      %dma_start3A_741 = arith.constant 0 : i32
      %dma_start3A_742 = tpu.memref_slice %arg7[%dma_start3A_741, %multiple_of3A_158] : memref<2x131072xf32, #tpu.memory_space<hbm>> -> memref<2x1024xf32, #tpu.memory_space<hbm>>
      %dma_start3A_743 = arith.constant 0 : i32
      %dma_start3A_744 = tpu.memref_slice %arg20[%dma_start3A_743, %multiple_of3A_160] : memref<2x4096xf32, #tpu.memory_space<vmem>> -> memref<2x1024xf32, #tpu.memory_space<vmem>>
      %dma_start3A_745 = arith.constant 0 : i32
      %dma_start3A_746 = tpu.memref_slice %arg7[%dma_start3A_745, %multiple_of3A_158] : memref<2x131072xf32, #tpu.memory_space<hbm>> -> memref<2x1024xf32, #tpu.memory_space<hbm>>
      tpu.enqueue_dma source(%dma_start3A_746 : memref<2x1024xf32, #tpu.memory_space<hbm>>) target(%dma_start3A_744 : memref<2x1024xf32, #tpu.memory_space<vmem>>) target_semaphore(%arg24 : memref<!tpu.dma_semaphore, #tpu.memory_space<semaphore_mem>>)
    } else {
    }
    %mul3A_181 = arith.constant 8 : i32
    %mul3A_182 = arith.muli %arg0, %mul3A_181 : i32
    %jit3A = arith.constant 2 : i32
    %div3A = arith.divsi %arg1, %jit3A : i32
    %sign3A = arith.constant 0 : i32
    %sign3A_183 = arith.cmpi sgt, %arg1, %sign3A : i32
    %sign3A_184 = arith.extui %sign3A_183 : i1 to i32
    %sign3A_185 = arith.constant 0 : i32
    %sign3A_186 = arith.cmpi slt, %arg1, %sign3A_185 : i32
    %sign3A_187 = arith.extui %sign3A_186 : i1 to i32
    %sign3A_188 = arith.subi %sign3A_184, %sign3A_187 : i32
    %sign3A_189 = arith.constant 0 : i32
    %sign3A_190 = arith.cmpi sgt, %jit3A, %sign3A_189 : i32
    %sign3A_191 = arith.extui %sign3A_190 : i1 to i32
    %sign3A_192 = arith.constant 0 : i32
    %sign3A_193 = arith.cmpi slt, %jit3A, %sign3A_192 : i32
    %sign3A_194 = arith.extui %sign3A_193 : i1 to i32
    %sign3A_195 = arith.subi %sign3A_191, %sign3A_194 : i32
    %ne3A = arith.cmpi ne, %sign3A_188, %sign3A_195 : i32
    %rem3A = arith.remsi %arg1, %jit3A : i32
    %ne3A_196 = arith.constant 0 : i32
    %ne3A_197 = arith.cmpi ne, %rem3A, %ne3A_196 : i32
    %and3A = arith.andi %ne3A, %ne3A_197 : i1
    %sub3A_198 = arith.constant 1 : i32
    %sub3A_199 = arith.subi %div3A, %sub3A_198 : i32
    %select_n3A = arith.select %and3A, %sub3A_199, %div3A : i32
    %add3A_200 = arith.addi %mul3A_182, %select_n3A : i32
    %mul3A_201 = arith.constant 8 : i32
    %mul3A_202 = arith.muli %add3A_200, %mul3A_201 : i32
    %add3A_203 = arith.constant 0 : i32
    %add3A_204 = arith.addi %add3A_203, %mul3A_202 : i32
    %get3A_205 = arith.index_cast %add3A_204 : i32 to index
    %get3A_206 = tpu.vector_load %arg14[%get3A_205] {strides = array<i32>} : memref<912xi32, #tpu.memory_space<vmem>>, vector<16xi32>,
    %get3A_207 = vector.shape_cast %get3A_206 : vector<16xi32> to vector<16xi32>
    %add3A_208 = arith.constant 128 : i32
    %add3A_209 = arith.addi %add3A_208, %mul3A_202 : i32
    %get3A_210 = arith.index_cast %add3A_209 : i32 to index
    %get3A_211 = tpu.vector_load %arg14[%get3A_210] {strides = array<i32>} : memref<912xi32, #tpu.memory_space<vmem>>, vector<16xi32>,
    %get3A_212 = vector.shape_cast %get3A_211 : vector<16xi32> to vector<16xi32>
    %add3A_213 = arith.constant 256 : i32
    %add3A_214 = arith.addi %add3A_213, %mul3A_202 : i32
    %get3A_215 = arith.index_cast %add3A_214 : i32 to index
    %get3A_216 = tpu.vector_load %arg14[%get3A_215] {strides = array<i32>} : memref<912xi32, #tpu.memory_space<vmem>>, vector<16xi32>,
    %get3A_217 = vector.shape_cast %get3A_216 : vector<16xi32> to vector<16xi32>
    %add3A_218 = arith.constant 384 : i32
    %add3A_219 = arith.addi %add3A_218, %mul3A_202 : i32
    %get3A_220 = arith.index_cast %add3A_219 : i32 to index
    %get3A_221 = tpu.vector_load %arg14[%get3A_220] {strides = array<i32>} : memref<912xi32, #tpu.memory_space<vmem>>, vector<16xi32>,
    %get3A_222 = vector.shape_cast %get3A_221 : vector<16xi32> to vector<16xi32>
    %add3A_223 = arith.constant 512 : i32
    %add3A_224 = arith.addi %add3A_223, %mul3A_202 : i32
    %get3A_225 = arith.index_cast %add3A_224 : i32 to index
    %get3A_226 = tpu.vector_load %arg14[%get3A_225] {strides = array<i32>} : memref<912xi32, #tpu.memory_space<vmem>>, vector<16xi32>,
    %get3A_227 = vector.shape_cast %get3A_226 : vector<16xi32> to vector<16xi32>
    %add3A_228 = arith.constant 640 : i32
    %add3A_229 = arith.addi %add3A_228, %mul3A_202 : i32
    %get3A_230 = arith.index_cast %add3A_229 : i32 to index
    %get3A_231 = tpu.vector_load %arg14[%get3A_230] {strides = array<i32>} : memref<912xi32, #tpu.memory_space<vmem>>, vector<16xi32>,
    %get3A_232 = vector.shape_cast %get3A_231 : vector<16xi32> to vector<16xi32>
    %add3A_233 = arith.constant 768 : i32
    %add3A_234 = arith.addi %add3A_233, %mul3A_202 : i32
    %get3A_235 = arith.index_cast %add3A_234 : i32 to index
    %get3A_236 = tpu.vector_load %arg14[%get3A_235] {strides = array<i32>} : memref<912xi32, #tpu.memory_space<vmem>>, vector<16xi32>,
    %get3A_237 = vector.shape_cast %get3A_236 : vector<16xi32> to vector<16xi32>
    %max3A_238 = arith.maxsi %get3A_207, %get3A_212 : vector<16xi32>
    %sub3A_239 = arith.constant 1 : i32
    %sub3A_240 = vector.broadcast %sub3A_239 : i32 to vector<16xi32>
    %sub3A_241 = arith.subi %sub3A_240, %max3A_238 : vector<16xi32>
    %sub3A_242 = arith.constant 1 : i32
    %sub3A_243 = vector.broadcast %sub3A_242 : i32 to vector<16xi32>
    %sub3A_244 = arith.subi %sub3A_243, %get3A_207 : vector<16xi32>
    %mul3A_245 = arith.muli %get3A_222, %sub3A_244 : vector<16xi32>
    %add3A_246 = arith.addi %mul3A_245, %sub3A_241 : vector<16xi32>
    %add3A_247 = arith.addi %get3A_217, %sub3A_241 : vector<16xi32>
    %add3A_248 = arith.constant 1 : i32
    %add3A_249 = vector.broadcast %add3A_248 : i32 to vector<16xi32>
    %add3A_250 = arith.addi %get3A_237, %add3A_249 : vector<16xi32>
    %mul3A_251 = arith.muli %add3A_250, %sub3A_241 : vector<16xi32>
    %sub3A_252 = arith.constant 29 : i32
    %sub3A_253 = vector.broadcast %sub3A_252 : i32 to vector<16xi32>
    %sub3A_254 = arith.subi %add3A_246, %sub3A_253 : vector<16xi32>
    %min3A_255 = arith.constant 1 : i32
    %min3A_256 = vector.broadcast %min3A_255 : i32 to vector<16xi32>
    %min3A_257 = arith.minsi %sub3A_254, %min3A_256 : vector<16xi32>
    %max3A_258 = arith.constant 0 : i32
    %max3A_259 = vector.broadcast %max3A_258 : i32 to vector<16xi32>
    %max3A_260 = arith.maxsi %min3A_257, %max3A_259 : vector<16xi32>
    %add3A_261 = arith.addi %get3A_227, %max3A_260 : vector<16xi32>
    %sub3A_262 = arith.constant 1 : i32
    %sub3A_263 = vector.broadcast %sub3A_262 : i32 to vector<16xi32>
    %sub3A_264 = arith.subi %sub3A_263, %max3A_260 : vector<16xi32>
    %mul3A_265 = arith.muli %add3A_246, %sub3A_264 : vector<16xi32>
    %min3A_266 = arith.minsi %add3A_261, %get3A_232 : vector<16xi32>
    %add3A_267 = vector.broadcast %mul3A_202 : i32 to vector<16xi32>
    %add3A_268 = arith.addi %add3A_267, %iota3A : vector<16xi32>
    %mul3A_269 = arith.constant 256 : i32
    %mul3A_270 = vector.broadcast %mul3A_269 : i32 to vector<16xi32>
    %mul3A_271 = arith.muli %add3A_268, %mul3A_270 : vector<16xi32>
    %add3A_272 = arith.addi %mul3A_271, %min3A_266 : vector<16xi32>
    %max3A_273 = arith.constant 0 : i32
    %max3A_274 = vector.broadcast %max3A_273 : i32 to vector<16xi32>
    %max3A_275 = arith.maxsi %add3A_272, %max3A_274 : vector<16xi32>
    %min3A_276 = arith.constant 32767 : i32
    %min3A_277 = vector.broadcast %min3A_276 : i32 to vector<16xi32>
    %min3A_278 = arith.minsi %max3A_275, %min3A_277 : vector<16xi32>
    %swap3A = arith.constant 0 : index
    %swap3A_279 = tpu.vector_load %arg16[%swap3A] {strides = array<i32>} : memref<16xi32, #tpu.memory_space<vmem>>, vector<16xi32>,
    %swap3A_280 = vector.shape_cast %swap3A_279 : vector<16xi32> to vector<16xi32>
    %swap3A_281 = vector.shape_cast %min3A_278 : vector<16xi32> to vector<16xi32>
    tpu.vector_store %arg16[%swap3A], %swap3A_281 {strides = array<i32>} : memref<16xi32, #tpu.memory_space<vmem>>, vector<16xi32>,
    %jit3A_282 = arith.constant 2 : i32
    %eq3A_283 = arith.constant 0 : i32
    %eq3A_284 = arith.cmpi eq, %jit3A_282, %eq3A_283 : i32
    %jit3A_285 = arith.constant 1 : i32
    %select_n3A_286 = arith.select %eq3A_284, %jit3A_285, %jit3A_282 : i32
    %rem3A_287 = arith.remsi %arg1, %select_n3A_286 : i32
    %ne3A_288 = arith.constant 0 : i32
    %ne3A_289 = arith.cmpi ne, %rem3A_287, %ne3A_288 : i32
    %lt3A = arith.constant 0 : i32
    %lt3A_290 = arith.cmpi slt, %rem3A_287, %lt3A : i32
    %lt3A_291 = arith.constant 0 : i32
    %lt3A_292 = arith.cmpi slt, %select_n3A_286, %lt3A_291 : i32
    %ne3A_293 = arith.xori %lt3A_290, %lt3A_292 : i1
    %and3A_294 = arith.andi %ne3A_293, %ne3A_289 : i1
    %add3A_295 = arith.addi %rem3A_287, %select_n3A_286 : i32
    %select_n3A_296 = arith.select %and3A_294, %add3A_295, %rem3A_287 : i32
    %eq3A_297 = arith.constant 0 : i32
    %eq3A_298 = arith.cmpi eq, %select_n3A_296, %eq3A_297 : i32
    %convert_element_type3A_299 = arith.extui %eq3A_298 : i1 to i32
    %cond3A_300 = arith.constant 0 : i32
    %cond3A_301 = arith.cmpi ne, %convert_element_type3A_299, %cond3A_300 : i32
    scf.if %cond3A_301 {
      %dma_start3A_739 = arith.constant 0 : i32
      %dma_start3A_740 = tpu.memref_slice %arg16[%dma_start3A_739] : memref<16xi32, #tpu.memory_space<vmem>> -> memref<8xi32, #tpu.memory_space<vmem>>
      %dma_start3A_741 = arith.constant 0 : i32
      %dma_start3A_742 = arith.constant 0 : i32
      %dma_start3A_743 = tpu.memref_slice %arg3[%dma_start3A_741, %dma_start3A_742] : memref<32768x1024xf32, #tpu.memory_space<hbm>> -> memref<32768x1024xf32, #tpu.memory_space<hbm>>
      tpu.enqueue_indirect_dma source(%dma_start3A_743 : memref<32768x1024xf32, #tpu.memory_space<hbm>>) target(%arg17 : memref<8x1024xf32, #tpu.memory_space<vmem>>) offsets(%dma_start3A_740 : memref<8xi32, #tpu.memory_space<vmem>>) semaphore(%arg25 : memref<!tpu.dma_semaphore, #tpu.memory_space<semaphore_mem>>)
    } else {
    }
    %dma_wait3A = tpu.memref_slice %arg8[%mul3A_4] : memref<983040xi32, #tpu.memory_space<hbm>> -> memref<30720xi32, #tpu.memory_space<hbm>>
    %dma_wait3A_302 = tpu.memref_slice %arg8[%mul3A_4] : memref<983040xi32, #tpu.memory_space<hbm>> -> memref<30720xi32, #tpu.memory_space<hbm>>
    tpu.wait_dma2 semaphore(%arg22 : memref<!tpu.dma_semaphore, #tpu.memory_space<semaphore_mem>>) src(%dma_wait3A_302 : memref<30720xi32, #tpu.memory_space<hbm>>) dst(%arg18 : memref<30720xi32, #tpu.memory_space<vmem>>)
    %slice3A_303 = vector.extract_strided_slice %add3A_47 {offsets = [0], sizes = [1], strides = [1]} : vector<16xi32> to vector<1xi32>
    %squeeze3A_304 = vector.extract %slice3A_303[0] : i32 from vector<1xi32>
    %jit3A_305 = arith.constant 8 : i32
    %div3A_306 = arith.divsi %squeeze3A_304, %jit3A_305 : i32
    %sign3A_307 = arith.constant 0 : i32
    %sign3A_308 = arith.cmpi sgt, %squeeze3A_304, %sign3A_307 : i32
    %sign3A_309 = arith.extui %sign3A_308 : i1 to i32
    %sign3A_310 = arith.constant 0 : i32
    %sign3A_311 = arith.cmpi slt, %squeeze3A_304, %sign3A_310 : i32
    %sign3A_312 = arith.extui %sign3A_311 : i1 to i32
    %sign3A_313 = arith.subi %sign3A_309, %sign3A_312 : i32
    %sign3A_314 = arith.constant 0 : i32
    %sign3A_315 = arith.cmpi sgt, %jit3A_305, %sign3A_314 : i32
    %sign3A_316 = arith.extui %sign3A_315 : i1 to i32
    %sign3A_317 = arith.constant 0 : i32
    %sign3A_318 = arith.cmpi slt, %jit3A_305, %sign3A_317 : i32
    %sign3A_319 = arith.extui %sign3A_318 : i1 to i32
    %sign3A_320 = arith.subi %sign3A_316, %sign3A_319 : i32
    %ne3A_321 = arith.cmpi ne, %sign3A_313, %sign3A_320 : i32
    %rem3A_322 = arith.remsi %squeeze3A_304, %jit3A_305 : i32
    %ne3A_323 = arith.constant 0 : i32
    %ne3A_324 = arith.cmpi ne, %rem3A_322, %ne3A_323 : i32
    %and3A_325 = arith.andi %ne3A_321, %ne3A_324 : i1
    %sub3A_326 = arith.constant 1 : i32
    %sub3A_327 = arith.subi %div3A_306, %sub3A_326 : i32
    %select_n3A_328 = arith.select %and3A_325, %sub3A_327, %div3A_306 : i32
    %mul3A_329 = arith.constant 8 : i32
    %mul3A_330 = arith.muli %select_n3A_328, %mul3A_329 : i32
    %min3A_331 = arith.constant 7664 : i32
    %min3A_332 = arith.minsi %mul3A_330, %min3A_331 : i32
    %add3A_333 = arith.constant 0 : i32
    %add3A_334 = arith.addi %add3A_333, %min3A_332 : i32
    %multiple_of3A_335 = tpu.assume_multiple %add3A_334, 8 : i32
    %get3A_336 = arith.index_cast %multiple_of3A_335 : i32 to index
    %get3A_337 = tpu.vector_load %arg18[%get3A_336] {strides = array<i32>} : memref<30720xi32, #tpu.memory_space<vmem>>, vector<16xi32>,
    %get3A_338 = vector.shape_cast %get3A_337 : vector<16xi32> to vector<16xi32>
    %sub3A_339 = arith.subi %squeeze3A_304, %min3A_332 : i32
    %sub3A_340 = vector.broadcast %sub3A_339 : i32 to vector<16xi32>
    %sub3A_341 = arith.subi %iota3A, %sub3A_340 : vector<16xi32>
    %abs3A = math.absi %sub3A_341 : vector<16xi32>
    %min3A_342 = arith.constant 1 : i32
    %min3A_343 = vector.broadcast %min3A_342 : i32 to vector<16xi32>
    %min3A_344 = arith.minsi %abs3A, %min3A_343 : vector<16xi32>
    %sub3A_345 = arith.constant 1 : i32
    %sub3A_346 = vector.broadcast %sub3A_345 : i32 to vector<16xi32>
    %sub3A_347 = arith.subi %sub3A_346, %min3A_344 : vector<16xi32>
    %slice3A_348 = vector.extract_strided_slice %mul3A_51 {offsets = [0], sizes = [1], strides = [1]} : vector<16xi32> to vector<1xi32>
    %squeeze3A_349 = vector.extract %slice3A_348[0] : i32 from vector<1xi32>
    %mul3A_350 = vector.broadcast %squeeze3A_349 : i32 to vector<16xi32>
    %mul3A_351 = arith.muli %sub3A_347, %mul3A_350 : vector<16xi32>
    %add3A_352 = arith.addi %get3A_338, %mul3A_351 : vector<16xi32>
    %swap3A_353 = arith.index_cast %multiple_of3A_335 : i32 to index
    %swap3A_354 = tpu.vector_load %arg18[%swap3A_353] {strides = array<i32>} : memref<30720xi32, #tpu.memory_space<vmem>>, vector<16xi32>,
    %swap3A_355 = vector.shape_cast %swap3A_354 : vector<16xi32> to vector<16xi32>
    %swap3A_356 = vector.shape_cast %add3A_352 : vector<16xi32> to vector<16xi32>
    tpu.vector_store %arg18[%swap3A_353], %swap3A_356 {strides = array<i32>} : memref<30720xi32, #tpu.memory_space<vmem>>, vector<16xi32>,
    %slice3A_357 = vector.extract_strided_slice %add3A_47 {offsets = [1], sizes = [1], strides = [1]} : vector<16xi32> to vector<1xi32>
    %squeeze3A_358 = vector.extract %slice3A_357[0] : i32 from vector<1xi32>
    %jit3A_359 = arith.constant 8 : i32
    %div3A_360 = arith.divsi %squeeze3A_358, %jit3A_359 : i32
    %sign3A_361 = arith.constant 0 : i32
    %sign3A_362 = arith.cmpi sgt, %squeeze3A_358, %sign3A_361 : i32
    %sign3A_363 = arith.extui %sign3A_362 : i1 to i32
    %sign3A_364 = arith.constant 0 : i32
    %sign3A_365 = arith.cmpi slt, %squeeze3A_358, %sign3A_364 : i32
    %sign3A_366 = arith.extui %sign3A_365 : i1 to i32
    %sign3A_367 = arith.subi %sign3A_363, %sign3A_366 : i32
    %sign3A_368 = arith.constant 0 : i32
    %sign3A_369 = arith.cmpi sgt, %jit3A_359, %sign3A_368 : i32
    %sign3A_370 = arith.extui %sign3A_369 : i1 to i32
    %sign3A_371 = arith.constant 0 : i32
    %sign3A_372 = arith.cmpi slt, %jit3A_359, %sign3A_371 : i32
    %sign3A_373 = arith.extui %sign3A_372 : i1 to i32
    %sign3A_374 = arith.subi %sign3A_370, %sign3A_373 : i32
    %ne3A_375 = arith.cmpi ne, %sign3A_367, %sign3A_374 : i32
    %rem3A_376 = arith.remsi %squeeze3A_358, %jit3A_359 : i32
    %ne3A_377 = arith.constant 0 : i32
    %ne3A_378 = arith.cmpi ne, %rem3A_376, %ne3A_377 : i32
    %and3A_379 = arith.andi %ne3A_375, %ne3A_378 : i1
    %sub3A_380 = arith.constant 1 : i32
    %sub3A_381 = arith.subi %div3A_360, %sub3A_380 : i32
    %select_n3A_382 = arith.select %and3A_379, %sub3A_381, %div3A_360 : i32
    %mul3A_383 = arith.constant 8 : i32
    %mul3A_384 = arith.muli %select_n3A_382, %mul3A_383 : i32
    %min3A_385 = arith.constant 7664 : i32
    %min3A_386 = arith.minsi %mul3A_384, %min3A_385 : i32
    %add3A_387 = arith.constant 7680 : i32
    %add3A_388 = arith.addi %add3A_387, %min3A_386 : i32
    %multiple_of3A_389 = tpu.assume_multiple %add3A_388, 8 : i32
    %get3A_390 = arith.index_cast %multiple_of3A_389 : i32 to index
    %get3A_391 = tpu.vector_load %arg18[%get3A_390] {strides = array<i32>} : memref<30720xi32, #tpu.memory_space<vmem>>, vector<16xi32>,
    %get3A_392 = vector.shape_cast %get3A_391 : vector<16xi32> to vector<16xi32>
    %sub3A_393 = arith.subi %squeeze3A_358, %min3A_386 : i32
    %sub3A_394 = vector.broadcast %sub3A_393 : i32 to vector<16xi32>
    %sub3A_395 = arith.subi %iota3A, %sub3A_394 : vector<16xi32>
    %abs3A_396 = math.absi %sub3A_395 : vector<16xi32>
    %min3A_397 = arith.constant 1 : i32
    %min3A_398 = vector.broadcast %min3A_397 : i32 to vector<16xi32>
    %min3A_399 = arith.minsi %abs3A_396, %min3A_398 : vector<16xi32>
    %sub3A_400 = arith.constant 1 : i32
    %sub3A_401 = vector.broadcast %sub3A_400 : i32 to vector<16xi32>
    %sub3A_402 = arith.subi %sub3A_401, %min3A_399 : vector<16xi32>
    %slice3A_403 = vector.extract_strided_slice %mul3A_51 {offsets = [1], sizes = [1], strides = [1]} : vector<16xi32> to vector<1xi32>
    %squeeze3A_404 = vector.extract %slice3A_403[0] : i32 from vector<1xi32>
    %mul3A_405 = vector.broadcast %squeeze3A_404 : i32 to vector<16xi32>
    %mul3A_406 = arith.muli %sub3A_402, %mul3A_405 : vector<16xi32>
    %add3A_407 = arith.addi %get3A_392, %mul3A_406 : vector<16xi32>
    %swap3A_408 = arith.index_cast %multiple_of3A_389 : i32 to index
    %swap3A_409 = tpu.vector_load %arg18[%swap3A_408] {strides = array<i32>} : memref<30720xi32, #tpu.memory_space<vmem>>, vector<16xi32>,
    %swap3A_410 = vector.shape_cast %swap3A_409 : vector<16xi32> to vector<16xi32>
    %swap3A_411 = vector.shape_cast %add3A_407 : vector<16xi32> to vector<16xi32>
    tpu.vector_store %arg18[%swap3A_408], %swap3A_411 {strides = array<i32>} : memref<30720xi32, #tpu.memory_space<vmem>>, vector<16xi32>,
    %slice3A_412 = vector.extract_strided_slice %add3A_47 {offsets = [2], sizes = [1], strides = [1]} : vector<16xi32> to vector<1xi32>
    %squeeze3A_413 = vector.extract %slice3A_412[0] : i32 from vector<1xi32>
    %jit3A_414 = arith.constant 8 : i32
    %div3A_415 = arith.divsi %squeeze3A_413, %jit3A_414 : i32
    %sign3A_416 = arith.constant 0 : i32
    %sign3A_417 = arith.cmpi sgt, %squeeze3A_413, %sign3A_416 : i32
    %sign3A_418 = arith.extui %sign3A_417 : i1 to i32
    %sign3A_419 = arith.constant 0 : i32
    %sign3A_420 = arith.cmpi slt, %squeeze3A_413, %sign3A_419 : i32
    %sign3A_421 = arith.extui %sign3A_420 : i1 to i32
    %sign3A_422 = arith.subi %sign3A_418, %sign3A_421 : i32
    %sign3A_423 = arith.constant 0 : i32
    %sign3A_424 = arith.cmpi sgt, %jit3A_414, %sign3A_423 : i32
    %sign3A_425 = arith.extui %sign3A_424 : i1 to i32
    %sign3A_426 = arith.constant 0 : i32
    %sign3A_427 = arith.cmpi slt, %jit3A_414, %sign3A_426 : i32
    %sign3A_428 = arith.extui %sign3A_427 : i1 to i32
    %sign3A_429 = arith.subi %sign3A_425, %sign3A_428 : i32
    %ne3A_430 = arith.cmpi ne, %sign3A_422, %sign3A_429 : i32
    %rem3A_431 = arith.remsi %squeeze3A_413, %jit3A_414 : i32
    %ne3A_432 = arith.constant 0 : i32
    %ne3A_433 = arith.cmpi ne, %rem3A_431, %ne3A_432 : i32
    %and3A_434 = arith.andi %ne3A_430, %ne3A_433 : i1
    %sub3A_435 = arith.constant 1 : i32
    %sub3A_436 = arith.subi %div3A_415, %sub3A_435 : i32
    %select_n3A_437 = arith.select %and3A_434, %sub3A_436, %div3A_415 : i32
    %mul3A_438 = arith.constant 8 : i32
    %mul3A_439 = arith.muli %select_n3A_437, %mul3A_438 : i32
    %min3A_440 = arith.constant 7664 : i32
    %min3A_441 = arith.minsi %mul3A_439, %min3A_440 : i32
    %add3A_442 = arith.constant 15360 : i32
    %add3A_443 = arith.addi %add3A_442, %min3A_441 : i32
    %multiple_of3A_444 = tpu.assume_multiple %add3A_443, 8 : i32
    %get3A_445 = arith.index_cast %multiple_of3A_444 : i32 to index
    %get3A_446 = tpu.vector_load %arg18[%get3A_445] {strides = array<i32>} : memref<30720xi32, #tpu.memory_space<vmem>>, vector<16xi32>,
    %get3A_447 = vector.shape_cast %get3A_446 : vector<16xi32> to vector<16xi32>
    %sub3A_448 = arith.subi %squeeze3A_413, %min3A_441 : i32
    %sub3A_449 = vector.broadcast %sub3A_448 : i32 to vector<16xi32>
    %sub3A_450 = arith.subi %iota3A, %sub3A_449 : vector<16xi32>
    %abs3A_451 = math.absi %sub3A_450 : vector<16xi32>
    %min3A_452 = arith.constant 1 : i32
    %min3A_453 = vector.broadcast %min3A_452 : i32 to vector<16xi32>
    %min3A_454 = arith.minsi %abs3A_451, %min3A_453 : vector<16xi32>
    %sub3A_455 = arith.constant 1 : i32
    %sub3A_456 = vector.broadcast %sub3A_455 : i32 to vector<16xi32>
    %sub3A_457 = arith.subi %sub3A_456, %min3A_454 : vector<16xi32>
    %slice3A_458 = vector.extract_strided_slice %mul3A_51 {offsets = [2], sizes = [1], strides = [1]} : vector<16xi32> to vector<1xi32>
    %squeeze3A_459 = vector.extract %slice3A_458[0] : i32 from vector<1xi32>
    %mul3A_460 = vector.broadcast %squeeze3A_459 : i32 to vector<16xi32>
    %mul3A_461 = arith.muli %sub3A_457, %mul3A_460 : vector<16xi32>
    %add3A_462 = arith.addi %get3A_447, %mul3A_461 : vector<16xi32>
    %swap3A_463 = arith.index_cast %multiple_of3A_444 : i32 to index
    %swap3A_464 = tpu.vector_load %arg18[%swap3A_463] {strides = array<i32>} : memref<30720xi32, #tpu.memory_space<vmem>>, vector<16xi32>,
    %swap3A_465 = vector.shape_cast %swap3A_464 : vector<16xi32> to vector<16xi32>
    %swap3A_466 = vector.shape_cast %add3A_462 : vector<16xi32> to vector<16xi32>
    tpu.vector_store %arg18[%swap3A_463], %swap3A_466 {strides = array<i32>} : memref<30720xi32, #tpu.memory_space<vmem>>, vector<16xi32>,
    %slice3A_467 = vector.extract_strided_slice %add3A_47 {offsets = [3], sizes = [1], strides = [1]} : vector<16xi32> to vector<1xi32>
    %squeeze3A_468 = vector.extract %slice3A_467[0] : i32 from vector<1xi32>
    %jit3A_469 = arith.constant 8 : i32
    %div3A_470 = arith.divsi %squeeze3A_468, %jit3A_469 : i32
    %sign3A_471 = arith.constant 0 : i32
    %sign3A_472 = arith.cmpi sgt, %squeeze3A_468, %sign3A_471 : i32
    %sign3A_473 = arith.extui %sign3A_472 : i1 to i32
    %sign3A_474 = arith.constant 0 : i32
    %sign3A_475 = arith.cmpi slt, %squeeze3A_468, %sign3A_474 : i32
    %sign3A_476 = arith.extui %sign3A_475 : i1 to i32
    %sign3A_477 = arith.subi %sign3A_473, %sign3A_476 : i32
    %sign3A_478 = arith.constant 0 : i32
    %sign3A_479 = arith.cmpi sgt, %jit3A_469, %sign3A_478 : i32
    %sign3A_480 = arith.extui %sign3A_479 : i1 to i32
    %sign3A_481 = arith.constant 0 : i32
    %sign3A_482 = arith.cmpi slt, %jit3A_469, %sign3A_481 : i32
    %sign3A_483 = arith.extui %sign3A_482 : i1 to i32
    %sign3A_484 = arith.subi %sign3A_480, %sign3A_483 : i32
    %ne3A_485 = arith.cmpi ne, %sign3A_477, %sign3A_484 : i32
    %rem3A_486 = arith.remsi %squeeze3A_468, %jit3A_469 : i32
    %ne3A_487 = arith.constant 0 : i32
    %ne3A_488 = arith.cmpi ne, %rem3A_486, %ne3A_487 : i32
    %and3A_489 = arith.andi %ne3A_485, %ne3A_488 : i1
    %sub3A_490 = arith.constant 1 : i32
    %sub3A_491 = arith.subi %div3A_470, %sub3A_490 : i32
    %select_n3A_492 = arith.select %and3A_489, %sub3A_491, %div3A_470 : i32
    %mul3A_493 = arith.constant 8 : i32
    %mul3A_494 = arith.muli %select_n3A_492, %mul3A_493 : i32
    %min3A_495 = arith.constant 7664 : i32
    %min3A_496 = arith.minsi %mul3A_494, %min3A_495 : i32
    %add3A_497 = arith.constant 23040 : i32
    %add3A_498 = arith.addi %add3A_497, %min3A_496 : i32
    %multiple_of3A_499 = tpu.assume_multiple %add3A_498, 8 : i32
    %get3A_500 = arith.index_cast %multiple_of3A_499 : i32 to index
    %get3A_501 = tpu.vector_load %arg18[%get3A_500] {strides = array<i32>} : memref<30720xi32, #tpu.memory_space<vmem>>, vector<16xi32>,
    %get3A_502 = vector.shape_cast %get3A_501 : vector<16xi32> to vector<16xi32>
    %sub3A_503 = arith.subi %squeeze3A_468, %min3A_496 : i32
    %sub3A_504 = vector.broadcast %sub3A_503 : i32 to vector<16xi32>
    %sub3A_505 = arith.subi %iota3A, %sub3A_504 : vector<16xi32>
    %abs3A_506 = math.absi %sub3A_505 : vector<16xi32>
    %min3A_507 = arith.constant 1 : i32
    %min3A_508 = vector.broadcast %min3A_507 : i32 to vector<16xi32>
    %min3A_509 = arith.minsi %abs3A_506, %min3A_508 : vector<16xi32>
    %sub3A_510 = arith.constant 1 : i32
    %sub3A_511 = vector.broadcast %sub3A_510 : i32 to vector<16xi32>
    %sub3A_512 = arith.subi %sub3A_511, %min3A_509 : vector<16xi32>
    %slice3A_513 = vector.extract_strided_slice %mul3A_51 {offsets = [3], sizes = [1], strides = [1]} : vector<16xi32> to vector<1xi32>
    %squeeze3A_514 = vector.extract %slice3A_513[0] : i32 from vector<1xi32>
    %mul3A_515 = vector.broadcast %squeeze3A_514 : i32 to vector<16xi32>
    %mul3A_516 = arith.muli %sub3A_512, %mul3A_515 : vector<16xi32>
    %add3A_517 = arith.addi %get3A_502, %mul3A_516 : vector<16xi32>
    %swap3A_518 = arith.index_cast %multiple_of3A_499 : i32 to index
    %swap3A_519 = tpu.vector_load %arg18[%swap3A_518] {strides = array<i32>} : memref<30720xi32, #tpu.memory_space<vmem>>, vector<16xi32>,
    %swap3A_520 = vector.shape_cast %swap3A_519 : vector<16xi32> to vector<16xi32>
    %swap3A_521 = vector.shape_cast %add3A_517 : vector<16xi32> to vector<16xi32>
    tpu.vector_store %arg18[%swap3A_518], %swap3A_521 {strides = array<i32>} : memref<30720xi32, #tpu.memory_space<vmem>>, vector<16xi32>,
    %mul3A_522 = arith.constant 7680 : i32
    %mul3A_523 = arith.muli %mul3A_2, %mul3A_522 : i32
    %dma_start3A_524 = tpu.memref_slice %arg11[%mul3A_523] : memref<983040xi32, #tpu.memory_space<hbm>> -> memref<30720xi32, #tpu.memory_space<hbm>>
    %dma_start3A_525 = tpu.memref_slice %arg11[%mul3A_523] : memref<983040xi32, #tpu.memory_space<hbm>> -> memref<30720xi32, #tpu.memory_space<hbm>>
    tpu.enqueue_dma source(%arg18 : memref<30720xi32, #tpu.memory_space<vmem>>) target(%dma_start3A_525 : memref<30720xi32, #tpu.memory_space<hbm>>) target_semaphore(%arg22 : memref<!tpu.dma_semaphore, #tpu.memory_space<semaphore_mem>>)
    %eq3A_526 = arith.constant 1 : i32
    %eq3A_527 = arith.cmpi eq, %add3A, %eq3A_526 : i32
    %convert_element_type3A_528 = arith.extui %eq3A_527 : i1 to i32
    %cond3A_529 = arith.constant 0 : i32
    %cond3A_530 = arith.cmpi ne, %convert_element_type3A_528, %cond3A_529 : i32
    scf.if %cond3A_530 {
      %multiple_of3A_739 = arith.constant 0 : i32
      %multiple_of3A_740 = tpu.assume_multiple %multiple_of3A_739, 16 : i32
      %add3A_741 = arith.constant 0 : i32
      %add3A_742 = arith.addi %add3A_741, %multiple_of3A_740 : i32
      %get3A_743 = arith.index_cast %add3A_742 : i32 to index
      %get3A_744 = tpu.vector_load %arg14[%get3A_743] {strides = array<i32>} : memref<912xi32, #tpu.memory_space<vmem>>, vector<16xi32>,
      %get3A_745 = vector.shape_cast %get3A_744 : vector<16xi32> to vector<16xi32>
      %add3A_746 = arith.constant 128 : i32
      %add3A_747 = arith.addi %add3A_746, %multiple_of3A_740 : i32
      %get3A_748 = arith.index_cast %add3A_747 : i32 to index
      %get3A_749 = tpu.vector_load %arg14[%get3A_748] {strides = array<i32>} : memref<912xi32, #tpu.memory_space<vmem>>, vector<16xi32>,
      %get3A_750 = vector.shape_cast %get3A_749 : vector<16xi32> to vector<16xi32>
      %add3A_751 = arith.constant 256 : i32
      %add3A_752 = arith.addi %add3A_751, %multiple_of3A_740 : i32
      %get3A_753 = arith.index_cast %add3A_752 : i32 to index
      %get3A_754 = tpu.vector_load %arg14[%get3A_753] {strides = array<i32>} : memref<912xi32, #tpu.memory_space<vmem>>, vector<16xi32>,
      %get3A_755 = vector.shape_cast %get3A_754 : vector<16xi32> to vector<16xi32>
      %add3A_756 = arith.constant 384 : i32
      %add3A_757 = arith.addi %add3A_756, %multiple_of3A_740 : i32
      %get3A_758 = arith.index_cast %add3A_757 : i32 to index
      %get3A_759 = tpu.vector_load %arg14[%get3A_758] {strides = array<i32>} : memref<912xi32, #tpu.memory_space<vmem>>, vector<16xi32>,
      %get3A_760 = vector.shape_cast %get3A_759 : vector<16xi32> to vector<16xi32>
      %add3A_761 = arith.constant 512 : i32
      %add3A_762 = arith.addi %add3A_761, %multiple_of3A_740 : i32
      %get3A_763 = arith.index_cast %add3A_762 : i32 to index
      %get3A_764 = tpu.vector_load %arg14[%get3A_763] {strides = array<i32>} : memref<912xi32, #tpu.memory_space<vmem>>, vector<16xi32>,
      %get3A_765 = vector.shape_cast %get3A_764 : vector<16xi32> to vector<16xi32>
      %add3A_766 = arith.constant 640 : i32
      %add3A_767 = arith.addi %add3A_766, %multiple_of3A_740 : i32
      %get3A_768 = arith.index_cast %add3A_767 : i32 to index
      %get3A_769 = tpu.vector_load %arg14[%get3A_768] {strides = array<i32>} : memref<912xi32, #tpu.memory_space<vmem>>, vector<16xi32>,
      %get3A_770 = vector.shape_cast %get3A_769 : vector<16xi32> to vector<16xi32>
      %add3A_771 = arith.constant 768 : i32
      %add3A_772 = arith.addi %add3A_771, %multiple_of3A_740 : i32
      %get3A_773 = arith.index_cast %add3A_772 : i32 to index
      %get3A_774 = tpu.vector_load %arg14[%get3A_773] {strides = array<i32>} : memref<912xi32, #tpu.memory_space<vmem>>, vector<16xi32>,
      %get3A_775 = vector.shape_cast %get3A_774 : vector<16xi32> to vector<16xi32>
      %max3A_776 = arith.maxsi %get3A_745, %get3A_750 : vector<16xi32>
      %sub3A_777 = arith.constant 1 : i32
      %sub3A_778 = vector.broadcast %sub3A_777 : i32 to vector<16xi32>
      %sub3A_779 = arith.subi %sub3A_778, %max3A_776 : vector<16xi32>
      %sub3A_780 = arith.constant 1 : i32
      %sub3A_781 = vector.broadcast %sub3A_780 : i32 to vector<16xi32>
      %sub3A_782 = arith.subi %sub3A_781, %get3A_745 : vector<16xi32>
      %mul3A_783 = arith.muli %get3A_760, %sub3A_782 : vector<16xi32>
      %add3A_784 = arith.addi %mul3A_783, %sub3A_779 : vector<16xi32>
      %add3A_785 = arith.addi %get3A_755, %sub3A_779 : vector<16xi32>
      %add3A_786 = arith.constant 1 : i32
      %add3A_787 = vector.broadcast %add3A_786 : i32 to vector<16xi32>
      %add3A_788 = arith.addi %get3A_775, %add3A_787 : vector<16xi32>
      %mul3A_789 = arith.muli %add3A_788, %sub3A_779 : vector<16xi32>
      %sub3A_790 = arith.constant 29 : i32
      %sub3A_791 = vector.broadcast %sub3A_790 : i32 to vector<16xi32>
      %sub3A_792 = arith.subi %add3A_784, %sub3A_791 : vector<16xi32>
      %min3A_793 = arith.constant 1 : i32
      %min3A_794 = vector.broadcast %min3A_793 : i32 to vector<16xi32>
      %min3A_795 = arith.minsi %sub3A_792, %min3A_794 : vector<16xi32>
      %max3A_796 = arith.constant 0 : i32
      %max3A_797 = vector.broadcast %max3A_796 : i32 to vector<16xi32>
      %max3A_798 = arith.maxsi %min3A_795, %max3A_797 : vector<16xi32>
      %add3A_799 = arith.addi %get3A_765, %max3A_798 : vector<16xi32>
      %sub3A_800 = arith.constant 1 : i32
      %sub3A_801 = vector.broadcast %sub3A_800 : i32 to vector<16xi32>
      %sub3A_802 = arith.subi %sub3A_801, %max3A_798 : vector<16xi32>
      %mul3A_803 = arith.muli %add3A_784, %sub3A_802 : vector<16xi32>
      %min3A_804 = arith.minsi %add3A_799, %get3A_770 : vector<16xi32>
      %add3A_805 = arith.constant 0 : i32
      %add3A_806 = vector.broadcast %add3A_805 : i32 to vector<16xi32>
      %add3A_807 = arith.addi %add3A_806, %iota3A : vector<16xi32>
      %mul3A_808 = arith.constant 256 : i32
      %mul3A_809 = vector.broadcast %mul3A_808 : i32 to vector<16xi32>
      %mul3A_810 = arith.muli %add3A_807, %mul3A_809 : vector<16xi32>
      %add3A_811 = arith.addi %mul3A_810, %min3A_804 : vector<16xi32>
      %swap3A_812 = arith.index_cast %multiple_of3A_740 : i32 to index
      %swap3A_813 = tpu.vector_load %arg15[%swap3A_812] {strides = array<i32>} : memref<128xi32, #tpu.memory_space<vmem>>, vector<16xi32>,
      %swap3A_814 = vector.shape_cast %swap3A_813 : vector<16xi32> to vector<16xi32>
      %swap3A_815 = vector.shape_cast %add3A_785 : vector<16xi32> to vector<16xi32>
      tpu.vector_store %arg15[%swap3A_812], %swap3A_815 {strides = array<i32>} : memref<128xi32, #tpu.memory_space<vmem>>, vector<16xi32>,
      %multiple_of3A_816 = arith.constant 16 : i32
      %multiple_of3A_817 = tpu.assume_multiple %multiple_of3A_816, 16 : i32
      %add3A_818 = arith.constant 0 : i32
      %add3A_819 = arith.addi %add3A_818, %multiple_of3A_817 : i32
      %get3A_820 = arith.index_cast %add3A_819 : i32 to index
      %get3A_821 = tpu.vector_load %arg14[%get3A_820] {strides = array<i32>} : memref<912xi32, #tpu.memory_space<vmem>>, vector<16xi32>,
      %get3A_822 = vector.shape_cast %get3A_821 : vector<16xi32> to vector<16xi32>
      %add3A_823 = arith.constant 128 : i32
      %add3A_824 = arith.addi %add3A_823, %multiple_of3A_817 : i32
      %get3A_825 = arith.index_cast %add3A_824 : i32 to index
      %get3A_826 = tpu.vector_load %arg14[%get3A_825] {strides = array<i32>} : memref<912xi32, #tpu.memory_space<vmem>>, vector<16xi32>,
      %get3A_827 = vector.shape_cast %get3A_826 : vector<16xi32> to vector<16xi32>
      %add3A_828 = arith.constant 256 : i32
      %add3A_829 = arith.addi %add3A_828, %multiple_of3A_817 : i32
      %get3A_830 = arith.index_cast %add3A_829 : i32 to index
      %get3A_831 = tpu.vector_load %arg14[%get3A_830] {strides = array<i32>} : memref<912xi32, #tpu.memory_space<vmem>>, vector<16xi32>,
      %get3A_832 = vector.shape_cast %get3A_831 : vector<16xi32> to vector<16xi32>
      %add3A_833 = arith.constant 384 : i32
      %add3A_834 = arith.addi %add3A_833, %multiple_of3A_817 : i32
      %get3A_835 = arith.index_cast %add3A_834 : i32 to index
      %get3A_836 = tpu.vector_load %arg14[%get3A_835] {strides = array<i32>} : memref<912xi32, #tpu.memory_space<vmem>>, vector<16xi32>,
      %get3A_837 = vector.shape_cast %get3A_836 : vector<16xi32> to vector<16xi32>
      %add3A_838 = arith.constant 512 : i32
      %add3A_839 = arith.addi %add3A_838, %multiple_of3A_817 : i32
      %get3A_840 = arith.index_cast %add3A_839 : i32 to index
      %get3A_841 = tpu.vector_load %arg14[%get3A_840] {strides = array<i32>} : memref<912xi32, #tpu.memory_space<vmem>>, vector<16xi32>,
      %get3A_842 = vector.shape_cast %get3A_841 : vector<16xi32> to vector<16xi32>
      %add3A_843 = arith.constant 640 : i32
      %add3A_844 = arith.addi %add3A_843, %multiple_of3A_817 : i32
      %get3A_845 = arith.index_cast %add3A_844 : i32 to index
      %get3A_846 = tpu.vector_load %arg14[%get3A_845] {strides = array<i32>} : memref<912xi32, #tpu.memory_space<vmem>>, vector<16xi32>,
      %get3A_847 = vector.shape_cast %get3A_846 : vector<16xi32> to vector<16xi32>
      %add3A_848 = arith.constant 768 : i32
      %add3A_849 = arith.addi %add3A_848, %multiple_of3A_817 : i32
      %get3A_850 = arith.index_cast %add3A_849 : i32 to index
      %get3A_851 = tpu.vector_load %arg14[%get3A_850] {strides = array<i32>} : memref<912xi32, #tpu.memory_space<vmem>>, vector<16xi32>,
      %get3A_852 = vector.shape_cast %get3A_851 : vector<16xi32> to vector<16xi32>
      %max3A_853 = arith.maxsi %get3A_822, %get3A_827 : vector<16xi32>
      %sub3A_854 = arith.constant 1 : i32
      %sub3A_855 = vector.broadcast %sub3A_854 : i32 to vector<16xi32>
      %sub3A_856 = arith.subi %sub3A_855, %max3A_853 : vector<16xi32>
      %sub3A_857 = arith.constant 1 : i32
      %sub3A_858 = vector.broadcast %sub3A_857 : i32 to vector<16xi32>
      %sub3A_859 = arith.subi %sub3A_858, %get3A_822 : vector<16xi32>
      %mul3A_860 = arith.muli %get3A_837, %sub3A_859 : vector<16xi32>
      %add3A_861 = arith.addi %mul3A_860, %sub3A_856 : vector<16xi32>
      %add3A_862 = arith.addi %get3A_832, %sub3A_856 : vector<16xi32>
      %add3A_863 = arith.constant 1 : i32
      %add3A_864 = vector.broadcast %add3A_863 : i32 to vector<16xi32>
      %add3A_865 = arith.addi %get3A_852, %add3A_864 : vector<16xi32>
      %mul3A_866 = arith.muli %add3A_865, %sub3A_856 : vector<16xi32>
      %sub3A_867 = arith.constant 29 : i32
      %sub3A_868 = vector.broadcast %sub3A_867 : i32 to vector<16xi32>
      %sub3A_869 = arith.subi %add3A_861, %sub3A_868 : vector<16xi32>
      %min3A_870 = arith.constant 1 : i32
      %min3A_871 = vector.broadcast %min3A_870 : i32 to vector<16xi32>
      %min3A_872 = arith.minsi %sub3A_869, %min3A_871 : vector<16xi32>
      %max3A_873 = arith.constant 0 : i32
      %max3A_874 = vector.broadcast %max3A_873 : i32 to vector<16xi32>
      %max3A_875 = arith.maxsi %min3A_872, %max3A_874 : vector<16xi32>
      %add3A_876 = arith.addi %get3A_842, %max3A_875 : vector<16xi32>
      %sub3A_877 = arith.constant 1 : i32
      %sub3A_878 = vector.broadcast %sub3A_877 : i32 to vector<16xi32>
      %sub3A_879 = arith.subi %sub3A_878, %max3A_875 : vector<16xi32>
      %mul3A_880 = arith.muli %add3A_861, %sub3A_879 : vector<16xi32>
      %min3A_881 = arith.minsi %add3A_876, %get3A_847 : vector<16xi32>
      %add3A_882 = arith.constant 0 : i32
      %add3A_883 = vector.broadcast %add3A_882 : i32 to vector<16xi32>
      %add3A_884 = arith.addi %add3A_883, %iota3A : vector<16xi32>
      %mul3A_885 = arith.constant 256 : i32
      %mul3A_886 = vector.broadcast %mul3A_885 : i32 to vector<16xi32>
      %mul3A_887 = arith.muli %add3A_884, %mul3A_886 : vector<16xi32>
      %add3A_888 = arith.addi %mul3A_887, %min3A_881 : vector<16xi32>
      %swap3A_889 = arith.index_cast %multiple_of3A_817 : i32 to index
      %swap3A_890 = tpu.vector_load %arg15[%swap3A_889] {strides = array<i32>} : memref<128xi32, #tpu.memory_space<vmem>>, vector<16xi32>,
      %swap3A_891 = vector.shape_cast %swap3A_890 : vector<16xi32> to vector<16xi32>
      %swap3A_892 = vector.shape_cast %add3A_862 : vector<16xi32> to vector<16xi32>
      tpu.vector_store %arg15[%swap3A_889], %swap3A_892 {strides = array<i32>} : memref<128xi32, #tpu.memory_space<vmem>>, vector<16xi32>,
      %multiple_of3A_893 = arith.constant 32 : i32
      %multiple_of3A_894 = tpu.assume_multiple %multiple_of3A_893, 16 : i32
      %add3A_895 = arith.constant 0 : i32
      %add3A_896 = arith.addi %add3A_895, %multiple_of3A_894 : i32
      %get3A_897 = arith.index_cast %add3A_896 : i32 to index
      %get3A_898 = tpu.vector_load %arg14[%get3A_897] {strides = array<i32>} : memref<912xi32, #tpu.memory_space<vmem>>, vector<16xi32>,
      %get3A_899 = vector.shape_cast %get3A_898 : vector<16xi32> to vector<16xi32>
      %add3A_900 = arith.constant 128 : i32
      %add3A_901 = arith.addi %add3A_900, %multiple_of3A_894 : i32
      %get3A_902 = arith.index_cast %add3A_901 : i32 to index
      %get3A_903 = tpu.vector_load %arg14[%get3A_902] {strides = array<i32>} : memref<912xi32, #tpu.memory_space<vmem>>, vector<16xi32>,
      %get3A_904 = vector.shape_cast %get3A_903 : vector<16xi32> to vector<16xi32>
      %add3A_905 = arith.constant 256 : i32
      %add3A_906 = arith.addi %add3A_905, %multiple_of3A_894 : i32
      %get3A_907 = arith.index_cast %add3A_906 : i32 to index
      %get3A_908 = tpu.vector_load %arg14[%get3A_907] {strides = array<i32>} : memref<912xi32, #tpu.memory_space<vmem>>, vector<16xi32>,
      %get3A_909 = vector.shape_cast %get3A_908 : vector<16xi32> to vector<16xi32>
      %add3A_910 = arith.constant 384 : i32
      %add3A_911 = arith.addi %add3A_910, %multiple_of3A_894 : i32
      %get3A_912 = arith.index_cast %add3A_911 : i32 to index
      %get3A_913 = tpu.vector_load %arg14[%get3A_912] {strides = array<i32>} : memref<912xi32, #tpu.memory_space<vmem>>, vector<16xi32>,
      %get3A_914 = vector.shape_cast %get3A_913 : vector<16xi32> to vector<16xi32>
      %add3A_915 = arith.constant 512 : i32
      %add3A_916 = arith.addi %add3A_915, %multiple_of3A_894 : i32
      %get3A_917 = arith.index_cast %add3A_916 : i32 to index
      %get3A_918 = tpu.vector_load %arg14[%get3A_917] {strides = array<i32>} : memref<912xi32, #tpu.memory_space<vmem>>, vector<16xi32>,
      %get3A_919 = vector.shape_cast %get3A_918 : vector<16xi32> to vector<16xi32>
      %add3A_920 = arith.constant 640 : i32
      %add3A_921 = arith.addi %add3A_920, %multiple_of3A_894 : i32
      %get3A_922 = arith.index_cast %add3A_921 : i32 to index
      %get3A_923 = tpu.vector_load %arg14[%get3A_922] {strides = array<i32>} : memref<912xi32, #tpu.memory_space<vmem>>, vector<16xi32>,
      %get3A_924 = vector.shape_cast %get3A_923 : vector<16xi32> to vector<16xi32>
      %add3A_925 = arith.constant 768 : i32
      %add3A_926 = arith.addi %add3A_925, %multiple_of3A_894 : i32
      %get3A_927 = arith.index_cast %add3A_926 : i32 to index
      %get3A_928 = tpu.vector_load %arg14[%get3A_927] {strides = array<i32>} : memref<912xi32, #tpu.memory_space<vmem>>, vector<16xi32>,
      %get3A_929 = vector.shape_cast %get3A_928 : vector<16xi32> to vector<16xi32>
      %max3A_930 = arith.maxsi %get3A_899, %get3A_904 : vector<16xi32>
      %sub3A_931 = arith.constant 1 : i32
      %sub3A_932 = vector.broadcast %sub3A_931 : i32 to vector<16xi32>
      %sub3A_933 = arith.subi %sub3A_932, %max3A_930 : vector<16xi32>
      %sub3A_934 = arith.constant 1 : i32
      %sub3A_935 = vector.broadcast %sub3A_934 : i32 to vector<16xi32>
      %sub3A_936 = arith.subi %sub3A_935, %get3A_899 : vector<16xi32>
      %mul3A_937 = arith.muli %get3A_914, %sub3A_936 : vector<16xi32>
      %add3A_938 = arith.addi %mul3A_937, %sub3A_933 : vector<16xi32>
      %add3A_939 = arith.addi %get3A_909, %sub3A_933 : vector<16xi32>
      %add3A_940 = arith.constant 1 : i32
      %add3A_941 = vector.broadcast %add3A_940 : i32 to vector<16xi32>
      %add3A_942 = arith.addi %get3A_929, %add3A_941 : vector<16xi32>
      %mul3A_943 = arith.muli %add3A_942, %sub3A_933 : vector<16xi32>
      %sub3A_944 = arith.constant 29 : i32
      %sub3A_945 = vector.broadcast %sub3A_944 : i32 to vector<16xi32>
      %sub3A_946 = arith.subi %add3A_938, %sub3A_945 : vector<16xi32>
      %min3A_947 = arith.constant 1 : i32
      %min3A_948 = vector.broadcast %min3A_947 : i32 to vector<16xi32>
      %min3A_949 = arith.minsi %sub3A_946, %min3A_948 : vector<16xi32>
      %max3A_950 = arith.constant 0 : i32
      %max3A_951 = vector.broadcast %max3A_950 : i32 to vector<16xi32>
      %max3A_952 = arith.maxsi %min3A_949, %max3A_951 : vector<16xi32>
      %add3A_953 = arith.addi %get3A_919, %max3A_952 : vector<16xi32>
      %sub3A_954 = arith.constant 1 : i32
      %sub3A_955 = vector.broadcast %sub3A_954 : i32 to vector<16xi32>
      %sub3A_956 = arith.subi %sub3A_955, %max3A_952 : vector<16xi32>
      %mul3A_957 = arith.muli %add3A_938, %sub3A_956 : vector<16xi32>
      %min3A_958 = arith.minsi %add3A_953, %get3A_924 : vector<16xi32>
      %add3A_959 = arith.constant 0 : i32
      %add3A_960 = vector.broadcast %add3A_959 : i32 to vector<16xi32>
      %add3A_961 = arith.addi %add3A_960, %iota3A : vector<16xi32>
      %mul3A_962 = arith.constant 256 : i32
      %mul3A_963 = vector.broadcast %mul3A_962 : i32 to vector<16xi32>
      %mul3A_964 = arith.muli %add3A_961, %mul3A_963 : vector<16xi32>
      %add3A_965 = arith.addi %mul3A_964, %min3A_958 : vector<16xi32>
      %swap3A_966 = arith.index_cast %multiple_of3A_894 : i32 to index
      %swap3A_967 = tpu.vector_load %arg15[%swap3A_966] {strides = array<i32>} : memref<128xi32, #tpu.memory_space<vmem>>, vector<16xi32>,
      %swap3A_968 = vector.shape_cast %swap3A_967 : vector<16xi32> to vector<16xi32>
      %swap3A_969 = vector.shape_cast %add3A_939 : vector<16xi32> to vector<16xi32>
      tpu.vector_store %arg15[%swap3A_966], %swap3A_969 {strides = array<i32>} : memref<128xi32, #tpu.memory_space<vmem>>, vector<16xi32>,
      %multiple_of3A_970 = arith.constant 48 : i32
      %multiple_of3A_971 = tpu.assume_multiple %multiple_of3A_970, 16 : i32
      %add3A_972 = arith.constant 0 : i32
      %add3A_973 = arith.addi %add3A_972, %multiple_of3A_971 : i32
      %get3A_974 = arith.index_cast %add3A_973 : i32 to index
      %get3A_975 = tpu.vector_load %arg14[%get3A_974] {strides = array<i32>} : memref<912xi32, #tpu.memory_space<vmem>>, vector<16xi32>,
      %get3A_976 = vector.shape_cast %get3A_975 : vector<16xi32> to vector<16xi32>
      %add3A_977 = arith.constant 128 : i32
      %add3A_978 = arith.addi %add3A_977, %multiple_of3A_971 : i32
      %get3A_979 = arith.index_cast %add3A_978 : i32 to index
      %get3A_980 = tpu.vector_load %arg14[%get3A_979] {strides = array<i32>} : memref<912xi32, #tpu.memory_space<vmem>>, vector<16xi32>,
      %get3A_981 = vector.shape_cast %get3A_980 : vector<16xi32> to vector<16xi32>
      %add3A_982 = arith.constant 256 : i32
      %add3A_983 = arith.addi %add3A_982, %multiple_of3A_971 : i32
      %get3A_984 = arith.index_cast %add3A_983 : i32 to index
      %get3A_985 = tpu.vector_load %arg14[%get3A_984] {strides = array<i32>} : memref<912xi32, #tpu.memory_space<vmem>>, vector<16xi32>,
      %get3A_986 = vector.shape_cast %get3A_985 : vector<16xi32> to vector<16xi32>
      %add3A_987 = arith.constant 384 : i32
      %add3A_988 = arith.addi %add3A_987, %multiple_of3A_971 : i32
      %get3A_989 = arith.index_cast %add3A_988 : i32 to index
      %get3A_990 = tpu.vector_load %arg14[%get3A_989] {strides = array<i32>} : memref<912xi32, #tpu.memory_space<vmem>>, vector<16xi32>,
      %get3A_991 = vector.shape_cast %get3A_990 : vector<16xi32> to vector<16xi32>
      %add3A_992 = arith.constant 512 : i32
      %add3A_993 = arith.addi %add3A_992, %multiple_of3A_971 : i32
      %get3A_994 = arith.index_cast %add3A_993 : i32 to index
      %get3A_995 = tpu.vector_load %arg14[%get3A_994] {strides = array<i32>} : memref<912xi32, #tpu.memory_space<vmem>>, vector<16xi32>,
      %get3A_996 = vector.shape_cast %get3A_995 : vector<16xi32> to vector<16xi32>
      %add3A_997 = arith.constant 640 : i32
      %add3A_998 = arith.addi %add3A_997, %multiple_of3A_971 : i32
      %get3A_999 = arith.index_cast %add3A_998 : i32 to index
      %get3A_1000 = tpu.vector_load %arg14[%get3A_999] {strides = array<i32>} : memref<912xi32, #tpu.memory_space<vmem>>, vector<16xi32>,
      %get3A_1001 = vector.shape_cast %get3A_1000 : vector<16xi32> to vector<16xi32>
      %add3A_1002 = arith.constant 768 : i32
      %add3A_1003 = arith.addi %add3A_1002, %multiple_of3A_971 : i32
      %get3A_1004 = arith.index_cast %add3A_1003 : i32 to index
      %get3A_1005 = tpu.vector_load %arg14[%get3A_1004] {strides = array<i32>} : memref<912xi32, #tpu.memory_space<vmem>>, vector<16xi32>,
      %get3A_1006 = vector.shape_cast %get3A_1005 : vector<16xi32> to vector<16xi32>
      %max3A_1007 = arith.maxsi %get3A_976, %get3A_981 : vector<16xi32>
      %sub3A_1008 = arith.constant 1 : i32
      %sub3A_1009 = vector.broadcast %sub3A_1008 : i32 to vector<16xi32>
      %sub3A_1010 = arith.subi %sub3A_1009, %max3A_1007 : vector<16xi32>
      %sub3A_1011 = arith.constant 1 : i32
      %sub3A_1012 = vector.broadcast %sub3A_1011 : i32 to vector<16xi32>
      %sub3A_1013 = arith.subi %sub3A_1012, %get3A_976 : vector<16xi32>
      %mul3A_1014 = arith.muli %get3A_991, %sub3A_1013 : vector<16xi32>
      %add3A_1015 = arith.addi %mul3A_1014, %sub3A_1010 : vector<16xi32>
      %add3A_1016 = arith.addi %get3A_986, %sub3A_1010 : vector<16xi32>
      %add3A_1017 = arith.constant 1 : i32
      %add3A_1018 = vector.broadcast %add3A_1017 : i32 to vector<16xi32>
      %add3A_1019 = arith.addi %get3A_1006, %add3A_1018 : vector<16xi32>
      %mul3A_1020 = arith.muli %add3A_1019, %sub3A_1010 : vector<16xi32>
      %sub3A_1021 = arith.constant 29 : i32
      %sub3A_1022 = vector.broadcast %sub3A_1021 : i32 to vector<16xi32>
      %sub3A_1023 = arith.subi %add3A_1015, %sub3A_1022 : vector<16xi32>
      %min3A_1024 = arith.constant 1 : i32
      %min3A_1025 = vector.broadcast %min3A_1024 : i32 to vector<16xi32>
      %min3A_1026 = arith.minsi %sub3A_1023, %min3A_1025 : vector<16xi32>
      %max3A_1027 = arith.constant 0 : i32
      %max3A_1028 = vector.broadcast %max3A_1027 : i32 to vector<16xi32>
      %max3A_1029 = arith.maxsi %min3A_1026, %max3A_1028 : vector<16xi32>
      %add3A_1030 = arith.addi %get3A_996, %max3A_1029 : vector<16xi32>
      %sub3A_1031 = arith.constant 1 : i32
      %sub3A_1032 = vector.broadcast %sub3A_1031 : i32 to vector<16xi32>
      %sub3A_1033 = arith.subi %sub3A_1032, %max3A_1029 : vector<16xi32>
      %mul3A_1034 = arith.muli %add3A_1015, %sub3A_1033 : vector<16xi32>
      %min3A_1035 = arith.minsi %add3A_1030, %get3A_1001 : vector<16xi32>
      %add3A_1036 = arith.constant 0 : i32
      %add3A_1037 = vector.broadcast %add3A_1036 : i32 to vector<16xi32>
      %add3A_1038 = arith.addi %add3A_1037, %iota3A : vector<16xi32>
      %mul3A_1039 = arith.constant 256 : i32
      %mul3A_1040 = vector.broadcast %mul3A_1039 : i32 to vector<16xi32>
      %mul3A_1041 = arith.muli %add3A_1038, %mul3A_1040 : vector<16xi32>
      %add3A_1042 = arith.addi %mul3A_1041, %min3A_1035 : vector<16xi32>
      %swap3A_1043 = arith.index_cast %multiple_of3A_971 : i32 to index
      %swap3A_1044 = tpu.vector_load %arg15[%swap3A_1043] {strides = array<i32>} : memref<128xi32, #tpu.memory_space<vmem>>, vector<16xi32>,
      %swap3A_1045 = vector.shape_cast %swap3A_1044 : vector<16xi32> to vector<16xi32>
      %swap3A_1046 = vector.shape_cast %add3A_1016 : vector<16xi32> to vector<16xi32>
      tpu.vector_store %arg15[%swap3A_1043], %swap3A_1046 {strides = array<i32>} : memref<128xi32, #tpu.memory_space<vmem>>, vector<16xi32>,
      %multiple_of3A_1047 = arith.constant 64 : i32
      %multiple_of3A_1048 = tpu.assume_multiple %multiple_of3A_1047, 16 : i32
      %add3A_1049 = arith.constant 0 : i32
      %add3A_1050 = arith.addi %add3A_1049, %multiple_of3A_1048 : i32
      %get3A_1051 = arith.index_cast %add3A_1050 : i32 to index
      %get3A_1052 = tpu.vector_load %arg14[%get3A_1051] {strides = array<i32>} : memref<912xi32, #tpu.memory_space<vmem>>, vector<16xi32>,
      %get3A_1053 = vector.shape_cast %get3A_1052 : vector<16xi32> to vector<16xi32>
      %add3A_1054 = arith.constant 128 : i32
      %add3A_1055 = arith.addi %add3A_1054, %multiple_of3A_1048 : i32
      %get3A_1056 = arith.index_cast %add3A_1055 : i32 to index
      %get3A_1057 = tpu.vector_load %arg14[%get3A_1056] {strides = array<i32>} : memref<912xi32, #tpu.memory_space<vmem>>, vector<16xi32>,
      %get3A_1058 = vector.shape_cast %get3A_1057 : vector<16xi32> to vector<16xi32>
      %add3A_1059 = arith.constant 256 : i32
      %add3A_1060 = arith.addi %add3A_1059, %multiple_of3A_1048 : i32
      %get3A_1061 = arith.index_cast %add3A_1060 : i32 to index
      %get3A_1062 = tpu.vector_load %arg14[%get3A_1061] {strides = array<i32>} : memref<912xi32, #tpu.memory_space<vmem>>, vector<16xi32>,
      %get3A_1063 = vector.shape_cast %get3A_1062 : vector<16xi32> to vector<16xi32>
      %add3A_1064 = arith.constant 384 : i32
      %add3A_1065 = arith.addi %add3A_1064, %multiple_of3A_1048 : i32
      %get3A_1066 = arith.index_cast %add3A_1065 : i32 to index
      %get3A_1067 = tpu.vector_load %arg14[%get3A_1066] {strides = array<i32>} : memref<912xi32, #tpu.memory_space<vmem>>, vector<16xi32>,
      %get3A_1068 = vector.shape_cast %get3A_1067 : vector<16xi32> to vector<16xi32>
      %add3A_1069 = arith.constant 512 : i32
      %add3A_1070 = arith.addi %add3A_1069, %multiple_of3A_1048 : i32
      %get3A_1071 = arith.index_cast %add3A_1070 : i32 to index
      %get3A_1072 = tpu.vector_load %arg14[%get3A_1071] {strides = array<i32>} : memref<912xi32, #tpu.memory_space<vmem>>, vector<16xi32>,
      %get3A_1073 = vector.shape_cast %get3A_1072 : vector<16xi32> to vector<16xi32>
      %add3A_1074 = arith.constant 640 : i32
      %add3A_1075 = arith.addi %add3A_1074, %multiple_of3A_1048 : i32
      %get3A_1076 = arith.index_cast %add3A_1075 : i32 to index
      %get3A_1077 = tpu.vector_load %arg14[%get3A_1076] {strides = array<i32>} : memref<912xi32, #tpu.memory_space<vmem>>, vector<16xi32>,
      %get3A_1078 = vector.shape_cast %get3A_1077 : vector<16xi32> to vector<16xi32>
      %add3A_1079 = arith.constant 768 : i32
      %add3A_1080 = arith.addi %add3A_1079, %multiple_of3A_1048 : i32
      %get3A_1081 = arith.index_cast %add3A_1080 : i32 to index
      %get3A_1082 = tpu.vector_load %arg14[%get3A_1081] {strides = array<i32>} : memref<912xi32, #tpu.memory_space<vmem>>, vector<16xi32>,
      %get3A_1083 = vector.shape_cast %get3A_1082 : vector<16xi32> to vector<16xi32>
      %max3A_1084 = arith.maxsi %get3A_1053, %get3A_1058 : vector<16xi32>
      %sub3A_1085 = arith.constant 1 : i32
      %sub3A_1086 = vector.broadcast %sub3A_1085 : i32 to vector<16xi32>
      %sub3A_1087 = arith.subi %sub3A_1086, %max3A_1084 : vector<16xi32>
      %sub3A_1088 = arith.constant 1 : i32
      %sub3A_1089 = vector.broadcast %sub3A_1088 : i32 to vector<16xi32>
      %sub3A_1090 = arith.subi %sub3A_1089, %get3A_1053 : vector<16xi32>
      %mul3A_1091 = arith.muli %get3A_1068, %sub3A_1090 : vector<16xi32>
      %add3A_1092 = arith.addi %mul3A_1091, %sub3A_1087 : vector<16xi32>
      %add3A_1093 = arith.addi %get3A_1063, %sub3A_1087 : vector<16xi32>
      %add3A_1094 = arith.constant 1 : i32
      %add3A_1095 = vector.broadcast %add3A_1094 : i32 to vector<16xi32>
      %add3A_1096 = arith.addi %get3A_1083, %add3A_1095 : vector<16xi32>
      %mul3A_1097 = arith.muli %add3A_1096, %sub3A_1087 : vector<16xi32>
      %sub3A_1098 = arith.constant 29 : i32
      %sub3A_1099 = vector.broadcast %sub3A_1098 : i32 to vector<16xi32>
      %sub3A_1100 = arith.subi %add3A_1092, %sub3A_1099 : vector<16xi32>
      %min3A_1101 = arith.constant 1 : i32
      %min3A_1102 = vector.broadcast %min3A_1101 : i32 to vector<16xi32>
      %min3A_1103 = arith.minsi %sub3A_1100, %min3A_1102 : vector<16xi32>
      %max3A_1104 = arith.constant 0 : i32
      %max3A_1105 = vector.broadcast %max3A_1104 : i32 to vector<16xi32>
      %max3A_1106 = arith.maxsi %min3A_1103, %max3A_1105 : vector<16xi32>
      %add3A_1107 = arith.addi %get3A_1073, %max3A_1106 : vector<16xi32>
      %sub3A_1108 = arith.constant 1 : i32
      %sub3A_1109 = vector.broadcast %sub3A_1108 : i32 to vector<16xi32>
      %sub3A_1110 = arith.subi %sub3A_1109, %max3A_1106 : vector<16xi32>
      %mul3A_1111 = arith.muli %add3A_1092, %sub3A_1110 : vector<16xi32>
      %min3A_1112 = arith.minsi %add3A_1107, %get3A_1078 : vector<16xi32>
      %add3A_1113 = arith.constant 0 : i32
      %add3A_1114 = vector.broadcast %add3A_1113 : i32 to vector<16xi32>
      %add3A_1115 = arith.addi %add3A_1114, %iota3A : vector<16xi32>
      %mul3A_1116 = arith.constant 256 : i32
      %mul3A_1117 = vector.broadcast %mul3A_1116 : i32 to vector<16xi32>
      %mul3A_1118 = arith.muli %add3A_1115, %mul3A_1117 : vector<16xi32>
      %add3A_1119 = arith.addi %mul3A_1118, %min3A_1112 : vector<16xi32>
      %swap3A_1120 = arith.index_cast %multiple_of3A_1048 : i32 to index
      %swap3A_1121 = tpu.vector_load %arg15[%swap3A_1120] {strides = array<i32>} : memref<128xi32, #tpu.memory_space<vmem>>, vector<16xi32>,
      %swap3A_1122 = vector.shape_cast %swap3A_1121 : vector<16xi32> to vector<16xi32>
      %swap3A_1123 = vector.shape_cast %add3A_1093 : vector<16xi32> to vector<16xi32>
      tpu.vector_store %arg15[%swap3A_1120], %swap3A_1123 {strides = array<i32>} : memref<128xi32, #tpu.memory_space<vmem>>, vector<16xi32>,
      %multiple_of3A_1124 = arith.constant 80 : i32
      %multiple_of3A_1125 = tpu.assume_multiple %multiple_of3A_1124, 16 : i32
      %add3A_1126 = arith.constant 0 : i32
      %add3A_1127 = arith.addi %add3A_1126, %multiple_of3A_1125 : i32
      %get3A_1128 = arith.index_cast %add3A_1127 : i32 to index
      %get3A_1129 = tpu.vector_load %arg14[%get3A_1128] {strides = array<i32>} : memref<912xi32, #tpu.memory_space<vmem>>, vector<16xi32>,
      %get3A_1130 = vector.shape_cast %get3A_1129 : vector<16xi32> to vector<16xi32>
      %add3A_1131 = arith.constant 128 : i32
      %add3A_1132 = arith.addi %add3A_1131, %multiple_of3A_1125 : i32
      %get3A_1133 = arith.index_cast %add3A_1132 : i32 to index
      %get3A_1134 = tpu.vector_load %arg14[%get3A_1133] {strides = array<i32>} : memref<912xi32, #tpu.memory_space<vmem>>, vector<16xi32>,
      %get3A_1135 = vector.shape_cast %get3A_1134 : vector<16xi32> to vector<16xi32>
      %add3A_1136 = arith.constant 256 : i32
      %add3A_1137 = arith.addi %add3A_1136, %multiple_of3A_1125 : i32
      %get3A_1138 = arith.index_cast %add3A_1137 : i32 to index
      %get3A_1139 = tpu.vector_load %arg14[%get3A_1138] {strides = array<i32>} : memref<912xi32, #tpu.memory_space<vmem>>, vector<16xi32>,
      %get3A_1140 = vector.shape_cast %get3A_1139 : vector<16xi32> to vector<16xi32>
      %add3A_1141 = arith.constant 384 : i32
      %add3A_1142 = arith.addi %add3A_1141, %multiple_of3A_1125 : i32
      %get3A_1143 = arith.index_cast %add3A_1142 : i32 to index
      %get3A_1144 = tpu.vector_load %arg14[%get3A_1143] {strides = array<i32>} : memref<912xi32, #tpu.memory_space<vmem>>, vector<16xi32>,
      %get3A_1145 = vector.shape_cast %get3A_1144 : vector<16xi32> to vector<16xi32>
      %add3A_1146 = arith.constant 512 : i32
      %add3A_1147 = arith.addi %add3A_1146, %multiple_of3A_1125 : i32
      %get3A_1148 = arith.index_cast %add3A_1147 : i32 to index
      %get3A_1149 = tpu.vector_load %arg14[%get3A_1148] {strides = array<i32>} : memref<912xi32, #tpu.memory_space<vmem>>, vector<16xi32>,
      %get3A_1150 = vector.shape_cast %get3A_1149 : vector<16xi32> to vector<16xi32>
      %add3A_1151 = arith.constant 640 : i32
      %add3A_1152 = arith.addi %add3A_1151, %multiple_of3A_1125 : i32
      %get3A_1153 = arith.index_cast %add3A_1152 : i32 to index
      %get3A_1154 = tpu.vector_load %arg14[%get3A_1153] {strides = array<i32>} : memref<912xi32, #tpu.memory_space<vmem>>, vector<16xi32>,
      %get3A_1155 = vector.shape_cast %get3A_1154 : vector<16xi32> to vector<16xi32>
      %add3A_1156 = arith.constant 768 : i32
      %add3A_1157 = arith.addi %add3A_1156, %multiple_of3A_1125 : i32
      %get3A_1158 = arith.index_cast %add3A_1157 : i32 to index
      %get3A_1159 = tpu.vector_load %arg14[%get3A_1158] {strides = array<i32>} : memref<912xi32, #tpu.memory_space<vmem>>, vector<16xi32>,
      %get3A_1160 = vector.shape_cast %get3A_1159 : vector<16xi32> to vector<16xi32>
      %max3A_1161 = arith.maxsi %get3A_1130, %get3A_1135 : vector<16xi32>
      %sub3A_1162 = arith.constant 1 : i32
      %sub3A_1163 = vector.broadcast %sub3A_1162 : i32 to vector<16xi32>
      %sub3A_1164 = arith.subi %sub3A_1163, %max3A_1161 : vector<16xi32>
      %sub3A_1165 = arith.constant 1 : i32
      %sub3A_1166 = vector.broadcast %sub3A_1165 : i32 to vector<16xi32>
      %sub3A_1167 = arith.subi %sub3A_1166, %get3A_1130 : vector<16xi32>
      %mul3A_1168 = arith.muli %get3A_1145, %sub3A_1167 : vector<16xi32>
      %add3A_1169 = arith.addi %mul3A_1168, %sub3A_1164 : vector<16xi32>
      %add3A_1170 = arith.addi %get3A_1140, %sub3A_1164 : vector<16xi32>
      %add3A_1171 = arith.constant 1 : i32
      %add3A_1172 = vector.broadcast %add3A_1171 : i32 to vector<16xi32>
      %add3A_1173 = arith.addi %get3A_1160, %add3A_1172 : vector<16xi32>
      %mul3A_1174 = arith.muli %add3A_1173, %sub3A_1164 : vector<16xi32>
      %sub3A_1175 = arith.constant 29 : i32
      %sub3A_1176 = vector.broadcast %sub3A_1175 : i32 to vector<16xi32>
      %sub3A_1177 = arith.subi %add3A_1169, %sub3A_1176 : vector<16xi32>
      %min3A_1178 = arith.constant 1 : i32
      %min3A_1179 = vector.broadcast %min3A_1178 : i32 to vector<16xi32>
      %min3A_1180 = arith.minsi %sub3A_1177, %min3A_1179 : vector<16xi32>
      %max3A_1181 = arith.constant 0 : i32
      %max3A_1182 = vector.broadcast %max3A_1181 : i32 to vector<16xi32>
      %max3A_1183 = arith.maxsi %min3A_1180, %max3A_1182 : vector<16xi32>
      %add3A_1184 = arith.addi %get3A_1150, %max3A_1183 : vector<16xi32>
      %sub3A_1185 = arith.constant 1 : i32
      %sub3A_1186 = vector.broadcast %sub3A_1185 : i32 to vector<16xi32>
      %sub3A_1187 = arith.subi %sub3A_1186, %max3A_1183 : vector<16xi32>
      %mul3A_1188 = arith.muli %add3A_1169, %sub3A_1187 : vector<16xi32>
      %min3A_1189 = arith.minsi %add3A_1184, %get3A_1155 : vector<16xi32>
      %add3A_1190 = arith.constant 0 : i32
      %add3A_1191 = vector.broadcast %add3A_1190 : i32 to vector<16xi32>
      %add3A_1192 = arith.addi %add3A_1191, %iota3A : vector<16xi32>
      %mul3A_1193 = arith.constant 256 : i32
      %mul3A_1194 = vector.broadcast %mul3A_1193 : i32 to vector<16xi32>
      %mul3A_1195 = arith.muli %add3A_1192, %mul3A_1194 : vector<16xi32>
      %add3A_1196 = arith.addi %mul3A_1195, %min3A_1189 : vector<16xi32>
      %swap3A_1197 = arith.index_cast %multiple_of3A_1125 : i32 to index
      %swap3A_1198 = tpu.vector_load %arg15[%swap3A_1197] {strides = array<i32>} : memref<128xi32, #tpu.memory_space<vmem>>, vector<16xi32>,
      %swap3A_1199 = vector.shape_cast %swap3A_1198 : vector<16xi32> to vector<16xi32>
      %swap3A_1200 = vector.shape_cast %add3A_1170 : vector<16xi32> to vector<16xi32>
      tpu.vector_store %arg15[%swap3A_1197], %swap3A_1200 {strides = array<i32>} : memref<128xi32, #tpu.memory_space<vmem>>, vector<16xi32>,
      %multiple_of3A_1201 = arith.constant 96 : i32
      %multiple_of3A_1202 = tpu.assume_multiple %multiple_of3A_1201, 16 : i32
      %add3A_1203 = arith.constant 0 : i32
      %add3A_1204 = arith.addi %add3A_1203, %multiple_of3A_1202 : i32
      %get3A_1205 = arith.index_cast %add3A_1204 : i32 to index
      %get3A_1206 = tpu.vector_load %arg14[%get3A_1205] {strides = array<i32>} : memref<912xi32, #tpu.memory_space<vmem>>, vector<16xi32>,
      %get3A_1207 = vector.shape_cast %get3A_1206 : vector<16xi32> to vector<16xi32>
      %add3A_1208 = arith.constant 128 : i32
      %add3A_1209 = arith.addi %add3A_1208, %multiple_of3A_1202 : i32
      %get3A_1210 = arith.index_cast %add3A_1209 : i32 to index
      %get3A_1211 = tpu.vector_load %arg14[%get3A_1210] {strides = array<i32>} : memref<912xi32, #tpu.memory_space<vmem>>, vector<16xi32>,
      %get3A_1212 = vector.shape_cast %get3A_1211 : vector<16xi32> to vector<16xi32>
      %add3A_1213 = arith.constant 256 : i32
      %add3A_1214 = arith.addi %add3A_1213, %multiple_of3A_1202 : i32
      %get3A_1215 = arith.index_cast %add3A_1214 : i32 to index
      %get3A_1216 = tpu.vector_load %arg14[%get3A_1215] {strides = array<i32>} : memref<912xi32, #tpu.memory_space<vmem>>, vector<16xi32>,
      %get3A_1217 = vector.shape_cast %get3A_1216 : vector<16xi32> to vector<16xi32>
      %add3A_1218 = arith.constant 384 : i32
      %add3A_1219 = arith.addi %add3A_1218, %multiple_of3A_1202 : i32
      %get3A_1220 = arith.index_cast %add3A_1219 : i32 to index
      %get3A_1221 = tpu.vector_load %arg14[%get3A_1220] {strides = array<i32>} : memref<912xi32, #tpu.memory_space<vmem>>, vector<16xi32>,
      %get3A_1222 = vector.shape_cast %get3A_1221 : vector<16xi32> to vector<16xi32>
      %add3A_1223 = arith.constant 512 : i32
      %add3A_1224 = arith.addi %add3A_1223, %multiple_of3A_1202 : i32
      %get3A_1225 = arith.index_cast %add3A_1224 : i32 to index
      %get3A_1226 = tpu.vector_load %arg14[%get3A_1225] {strides = array<i32>} : memref<912xi32, #tpu.memory_space<vmem>>, vector<16xi32>,
      %get3A_1227 = vector.shape_cast %get3A_1226 : vector<16xi32> to vector<16xi32>
      %add3A_1228 = arith.constant 640 : i32
      %add3A_1229 = arith.addi %add3A_1228, %multiple_of3A_1202 : i32
      %get3A_1230 = arith.index_cast %add3A_1229 : i32 to index
      %get3A_1231 = tpu.vector_load %arg14[%get3A_1230] {strides = array<i32>} : memref<912xi32, #tpu.memory_space<vmem>>, vector<16xi32>,
      %get3A_1232 = vector.shape_cast %get3A_1231 : vector<16xi32> to vector<16xi32>
      %add3A_1233 = arith.constant 768 : i32
      %add3A_1234 = arith.addi %add3A_1233, %multiple_of3A_1202 : i32
      %get3A_1235 = arith.index_cast %add3A_1234 : i32 to index
      %get3A_1236 = tpu.vector_load %arg14[%get3A_1235] {strides = array<i32>} : memref<912xi32, #tpu.memory_space<vmem>>, vector<16xi32>,
      %get3A_1237 = vector.shape_cast %get3A_1236 : vector<16xi32> to vector<16xi32>
      %max3A_1238 = arith.maxsi %get3A_1207, %get3A_1212 : vector<16xi32>
      %sub3A_1239 = arith.constant 1 : i32
      %sub3A_1240 = vector.broadcast %sub3A_1239 : i32 to vector<16xi32>
      %sub3A_1241 = arith.subi %sub3A_1240, %max3A_1238 : vector<16xi32>
      %sub3A_1242 = arith.constant 1 : i32
      %sub3A_1243 = vector.broadcast %sub3A_1242 : i32 to vector<16xi32>
      %sub3A_1244 = arith.subi %sub3A_1243, %get3A_1207 : vector<16xi32>
      %mul3A_1245 = arith.muli %get3A_1222, %sub3A_1244 : vector<16xi32>
      %add3A_1246 = arith.addi %mul3A_1245, %sub3A_1241 : vector<16xi32>
      %add3A_1247 = arith.addi %get3A_1217, %sub3A_1241 : vector<16xi32>
      %add3A_1248 = arith.constant 1 : i32
      %add3A_1249 = vector.broadcast %add3A_1248 : i32 to vector<16xi32>
      %add3A_1250 = arith.addi %get3A_1237, %add3A_1249 : vector<16xi32>
      %mul3A_1251 = arith.muli %add3A_1250, %sub3A_1241 : vector<16xi32>
      %sub3A_1252 = arith.constant 29 : i32
      %sub3A_1253 = vector.broadcast %sub3A_1252 : i32 to vector<16xi32>
      %sub3A_1254 = arith.subi %add3A_1246, %sub3A_1253 : vector<16xi32>
      %min3A_1255 = arith.constant 1 : i32
      %min3A_1256 = vector.broadcast %min3A_1255 : i32 to vector<16xi32>
      %min3A_1257 = arith.minsi %sub3A_1254, %min3A_1256 : vector<16xi32>
      %max3A_1258 = arith.constant 0 : i32
      %max3A_1259 = vector.broadcast %max3A_1258 : i32 to vector<16xi32>
      %max3A_1260 = arith.maxsi %min3A_1257, %max3A_1259 : vector<16xi32>
      %add3A_1261 = arith.addi %get3A_1227, %max3A_1260 : vector<16xi32>
      %sub3A_1262 = arith.constant 1 : i32
      %sub3A_1263 = vector.broadcast %sub3A_1262 : i32 to vector<16xi32>
      %sub3A_1264 = arith.subi %sub3A_1263, %max3A_1260 : vector<16xi32>
      %mul3A_1265 = arith.muli %add3A_1246, %sub3A_1264 : vector<16xi32>
      %min3A_1266 = arith.minsi %add3A_1261, %get3A_1232 : vector<16xi32>
      %add3A_1267 = arith.constant 0 : i32
      %add3A_1268 = vector.broadcast %add3A_1267 : i32 to vector<16xi32>
      %add3A_1269 = arith.addi %add3A_1268, %iota3A : vector<16xi32>
      %mul3A_1270 = arith.constant 256 : i32
      %mul3A_1271 = vector.broadcast %mul3A_1270 : i32 to vector<16xi32>
      %mul3A_1272 = arith.muli %add3A_1269, %mul3A_1271 : vector<16xi32>
      %add3A_1273 = arith.addi %mul3A_1272, %min3A_1266 : vector<16xi32>
      %swap3A_1274 = arith.index_cast %multiple_of3A_1202 : i32 to index
      %swap3A_1275 = tpu.vector_load %arg15[%swap3A_1274] {strides = array<i32>} : memref<128xi32, #tpu.memory_space<vmem>>, vector<16xi32>,
      %swap3A_1276 = vector.shape_cast %swap3A_1275 : vector<16xi32> to vector<16xi32>
      %swap3A_1277 = vector.shape_cast %add3A_1247 : vector<16xi32> to vector<16xi32>
      tpu.vector_store %arg15[%swap3A_1274], %swap3A_1277 {strides = array<i32>} : memref<128xi32, #tpu.memory_space<vmem>>, vector<16xi32>,
      %multiple_of3A_1278 = arith.constant 112 : i32
      %multiple_of3A_1279 = tpu.assume_multiple %multiple_of3A_1278, 16 : i32
      %add3A_1280 = arith.constant 0 : i32
      %add3A_1281 = arith.addi %add3A_1280, %multiple_of3A_1279 : i32
      %get3A_1282 = arith.index_cast %add3A_1281 : i32 to index
      %get3A_1283 = tpu.vector_load %arg14[%get3A_1282] {strides = array<i32>} : memref<912xi32, #tpu.memory_space<vmem>>, vector<16xi32>,
      %get3A_1284 = vector.shape_cast %get3A_1283 : vector<16xi32> to vector<16xi32>
      %add3A_1285 = arith.constant 128 : i32
      %add3A_1286 = arith.addi %add3A_1285, %multiple_of3A_1279 : i32
      %get3A_1287 = arith.index_cast %add3A_1286 : i32 to index
      %get3A_1288 = tpu.vector_load %arg14[%get3A_1287] {strides = array<i32>} : memref<912xi32, #tpu.memory_space<vmem>>, vector<16xi32>,
      %get3A_1289 = vector.shape_cast %get3A_1288 : vector<16xi32> to vector<16xi32>
      %add3A_1290 = arith.constant 256 : i32
      %add3A_1291 = arith.addi %add3A_1290, %multiple_of3A_1279 : i32
      %get3A_1292 = arith.index_cast %add3A_1291 : i32 to index
      %get3A_1293 = tpu.vector_load %arg14[%get3A_1292] {strides = array<i32>} : memref<912xi32, #tpu.memory_space<vmem>>, vector<16xi32>,
      %get3A_1294 = vector.shape_cast %get3A_1293 : vector<16xi32> to vector<16xi32>
      %add3A_1295 = arith.constant 384 : i32
      %add3A_1296 = arith.addi %add3A_1295, %multiple_of3A_1279 : i32
      %get3A_1297 = arith.index_cast %add3A_1296 : i32 to index
      %get3A_1298 = tpu.vector_load %arg14[%get3A_1297] {strides = array<i32>} : memref<912xi32, #tpu.memory_space<vmem>>, vector<16xi32>,
      %get3A_1299 = vector.shape_cast %get3A_1298 : vector<16xi32> to vector<16xi32>
      %add3A_1300 = arith.constant 512 : i32
      %add3A_1301 = arith.addi %add3A_1300, %multiple_of3A_1279 : i32
      %get3A_1302 = arith.index_cast %add3A_1301 : i32 to index
      %get3A_1303 = tpu.vector_load %arg14[%get3A_1302] {strides = array<i32>} : memref<912xi32, #tpu.memory_space<vmem>>, vector<16xi32>,
      %get3A_1304 = vector.shape_cast %get3A_1303 : vector<16xi32> to vector<16xi32>
      %add3A_1305 = arith.constant 640 : i32
      %add3A_1306 = arith.addi %add3A_1305, %multiple_of3A_1279 : i32
      %get3A_1307 = arith.index_cast %add3A_1306 : i32 to index
      %get3A_1308 = tpu.vector_load %arg14[%get3A_1307] {strides = array<i32>} : memref<912xi32, #tpu.memory_space<vmem>>, vector<16xi32>,
      %get3A_1309 = vector.shape_cast %get3A_1308 : vector<16xi32> to vector<16xi32>
      %add3A_1310 = arith.constant 768 : i32
      %add3A_1311 = arith.addi %add3A_1310, %multiple_of3A_1279 : i32
      %get3A_1312 = arith.index_cast %add3A_1311 : i32 to index
      %get3A_1313 = tpu.vector_load %arg14[%get3A_1312] {strides = array<i32>} : memref<912xi32, #tpu.memory_space<vmem>>, vector<16xi32>,
      %get3A_1314 = vector.shape_cast %get3A_1313 : vector<16xi32> to vector<16xi32>
      %max3A_1315 = arith.maxsi %get3A_1284, %get3A_1289 : vector<16xi32>
      %sub3A_1316 = arith.constant 1 : i32
      %sub3A_1317 = vector.broadcast %sub3A_1316 : i32 to vector<16xi32>
      %sub3A_1318 = arith.subi %sub3A_1317, %max3A_1315 : vector<16xi32>
      %sub3A_1319 = arith.constant 1 : i32
      %sub3A_1320 = vector.broadcast %sub3A_1319 : i32 to vector<16xi32>
      %sub3A_1321 = arith.subi %sub3A_1320, %get3A_1284 : vector<16xi32>
      %mul3A_1322 = arith.muli %get3A_1299, %sub3A_1321 : vector<16xi32>
      %add3A_1323 = arith.addi %mul3A_1322, %sub3A_1318 : vector<16xi32>
      %add3A_1324 = arith.addi %get3A_1294, %sub3A_1318 : vector<16xi32>
      %add3A_1325 = arith.constant 1 : i32
      %add3A_1326 = vector.broadcast %add3A_1325 : i32 to vector<16xi32>
      %add3A_1327 = arith.addi %get3A_1314, %add3A_1326 : vector<16xi32>
      %mul3A_1328 = arith.muli %add3A_1327, %sub3A_1318 : vector<16xi32>
      %sub3A_1329 = arith.constant 29 : i32
      %sub3A_1330 = vector.broadcast %sub3A_1329 : i32 to vector<16xi32>
      %sub3A_1331 = arith.subi %add3A_1323, %sub3A_1330 : vector<16xi32>
      %min3A_1332 = arith.constant 1 : i32
      %min3A_1333 = vector.broadcast %min3A_1332 : i32 to vector<16xi32>
      %min3A_1334 = arith.minsi %sub3A_1331, %min3A_1333 : vector<16xi32>
      %max3A_1335 = arith.constant 0 : i32
      %max3A_1336 = vector.broadcast %max3A_1335 : i32 to vector<16xi32>
      %max3A_1337 = arith.maxsi %min3A_1334, %max3A_1336 : vector<16xi32>
      %add3A_1338 = arith.addi %get3A_1304, %max3A_1337 : vector<16xi32>
      %sub3A_1339 = arith.constant 1 : i32
      %sub3A_1340 = vector.broadcast %sub3A_1339 : i32 to vector<16xi32>
      %sub3A_1341 = arith.subi %sub3A_1340, %max3A_1337 : vector<16xi32>
      %mul3A_1342 = arith.muli %add3A_1323, %sub3A_1341 : vector<16xi32>
      %min3A_1343 = arith.minsi %add3A_1338, %get3A_1309 : vector<16xi32>
      %add3A_1344 = arith.constant 0 : i32
      %add3A_1345 = vector.broadcast %add3A_1344 : i32 to vector<16xi32>
      %add3A_1346 = arith.addi %add3A_1345, %iota3A : vector<16xi32>
      %mul3A_1347 = arith.constant 256 : i32
      %mul3A_1348 = vector.broadcast %mul3A_1347 : i32 to vector<16xi32>
      %mul3A_1349 = arith.muli %add3A_1346, %mul3A_1348 : vector<16xi32>
      %add3A_1350 = arith.addi %mul3A_1349, %min3A_1343 : vector<16xi32>
      %swap3A_1351 = arith.index_cast %multiple_of3A_1279 : i32 to index
      %swap3A_1352 = tpu.vector_load %arg15[%swap3A_1351] {strides = array<i32>} : memref<128xi32, #tpu.memory_space<vmem>>, vector<16xi32>,
      %swap3A_1353 = vector.shape_cast %swap3A_1352 : vector<16xi32> to vector<16xi32>
      %swap3A_1354 = vector.shape_cast %add3A_1324 : vector<16xi32> to vector<16xi32>
      tpu.vector_store %arg15[%swap3A_1351], %swap3A_1354 {strides = array<i32>} : memref<128xi32, #tpu.memory_space<vmem>>, vector<16xi32>,
      %dma_start3A_1355 = arith.constant 0 : i32
      %dma_start3A_1356 = tpu.memref_slice %arg12[%dma_start3A_1355] : memref<384xi32, #tpu.memory_space<hbm>> -> memref<128xi32, #tpu.memory_space<hbm>>
      %dma_start3A_1357 = arith.constant 0 : i32
      %dma_start3A_1358 = tpu.memref_slice %arg12[%dma_start3A_1357] : memref<384xi32, #tpu.memory_space<hbm>> -> memref<128xi32, #tpu.memory_space<hbm>>
      tpu.enqueue_dma source(%arg15 : memref<128xi32, #tpu.memory_space<vmem>>) target(%dma_start3A_1358 : memref<128xi32, #tpu.memory_space<hbm>>) target_semaphore(%arg26 : memref<!tpu.dma_semaphore, #tpu.memory_space<semaphore_mem>>)
    } else {
    }
    %eq3A_531 = arith.constant 2 : i32
    %eq3A_532 = arith.cmpi eq, %add3A, %eq3A_531 : i32
    %convert_element_type3A_533 = arith.extui %eq3A_532 : i1 to i32
    %cond3A_534 = arith.constant 0 : i32
    %cond3A_535 = arith.cmpi ne, %convert_element_type3A_533, %cond3A_534 : i32
    scf.if %cond3A_535 {
      %multiple_of3A_739 = arith.constant 0 : i32
      %multiple_of3A_740 = tpu.assume_multiple %multiple_of3A_739, 16 : i32
      %add3A_741 = arith.constant 0 : i32
      %add3A_742 = arith.addi %add3A_741, %multiple_of3A_740 : i32
      %get3A_743 = arith.index_cast %add3A_742 : i32 to index
      %get3A_744 = tpu.vector_load %arg14[%get3A_743] {strides = array<i32>} : memref<912xi32, #tpu.memory_space<vmem>>, vector<16xi32>,
      %get3A_745 = vector.shape_cast %get3A_744 : vector<16xi32> to vector<16xi32>
      %add3A_746 = arith.constant 128 : i32
      %add3A_747 = arith.addi %add3A_746, %multiple_of3A_740 : i32
      %get3A_748 = arith.index_cast %add3A_747 : i32 to index
      %get3A_749 = tpu.vector_load %arg14[%get3A_748] {strides = array<i32>} : memref<912xi32, #tpu.memory_space<vmem>>, vector<16xi32>,
      %get3A_750 = vector.shape_cast %get3A_749 : vector<16xi32> to vector<16xi32>
      %add3A_751 = arith.constant 256 : i32
      %add3A_752 = arith.addi %add3A_751, %multiple_of3A_740 : i32
      %get3A_753 = arith.index_cast %add3A_752 : i32 to index
      %get3A_754 = tpu.vector_load %arg14[%get3A_753] {strides = array<i32>} : memref<912xi32, #tpu.memory_space<vmem>>, vector<16xi32>,
      %get3A_755 = vector.shape_cast %get3A_754 : vector<16xi32> to vector<16xi32>
      %add3A_756 = arith.constant 384 : i32
      %add3A_757 = arith.addi %add3A_756, %multiple_of3A_740 : i32
      %get3A_758 = arith.index_cast %add3A_757 : i32 to index
      %get3A_759 = tpu.vector_load %arg14[%get3A_758] {strides = array<i32>} : memref<912xi32, #tpu.memory_space<vmem>>, vector<16xi32>,
      %get3A_760 = vector.shape_cast %get3A_759 : vector<16xi32> to vector<16xi32>
      %add3A_761 = arith.constant 512 : i32
      %add3A_762 = arith.addi %add3A_761, %multiple_of3A_740 : i32
      %get3A_763 = arith.index_cast %add3A_762 : i32 to index
      %get3A_764 = tpu.vector_load %arg14[%get3A_763] {strides = array<i32>} : memref<912xi32, #tpu.memory_space<vmem>>, vector<16xi32>,
      %get3A_765 = vector.shape_cast %get3A_764 : vector<16xi32> to vector<16xi32>
      %add3A_766 = arith.constant 640 : i32
      %add3A_767 = arith.addi %add3A_766, %multiple_of3A_740 : i32
      %get3A_768 = arith.index_cast %add3A_767 : i32 to index
      %get3A_769 = tpu.vector_load %arg14[%get3A_768] {strides = array<i32>} : memref<912xi32, #tpu.memory_space<vmem>>, vector<16xi32>,
      %get3A_770 = vector.shape_cast %get3A_769 : vector<16xi32> to vector<16xi32>
      %add3A_771 = arith.constant 768 : i32
      %add3A_772 = arith.addi %add3A_771, %multiple_of3A_740 : i32
      %get3A_773 = arith.index_cast %add3A_772 : i32 to index
      %get3A_774 = tpu.vector_load %arg14[%get3A_773] {strides = array<i32>} : memref<912xi32, #tpu.memory_space<vmem>>, vector<16xi32>,
      %get3A_775 = vector.shape_cast %get3A_774 : vector<16xi32> to vector<16xi32>
      %max3A_776 = arith.maxsi %get3A_745, %get3A_750 : vector<16xi32>
      %sub3A_777 = arith.constant 1 : i32
      %sub3A_778 = vector.broadcast %sub3A_777 : i32 to vector<16xi32>
      %sub3A_779 = arith.subi %sub3A_778, %max3A_776 : vector<16xi32>
      %sub3A_780 = arith.constant 1 : i32
      %sub3A_781 = vector.broadcast %sub3A_780 : i32 to vector<16xi32>
      %sub3A_782 = arith.subi %sub3A_781, %get3A_745 : vector<16xi32>
      %mul3A_783 = arith.muli %get3A_760, %sub3A_782 : vector<16xi32>
      %add3A_784 = arith.addi %mul3A_783, %sub3A_779 : vector<16xi32>
      %add3A_785 = arith.addi %get3A_755, %sub3A_779 : vector<16xi32>
      %add3A_786 = arith.constant 1 : i32
      %add3A_787 = vector.broadcast %add3A_786 : i32 to vector<16xi32>
      %add3A_788 = arith.addi %get3A_775, %add3A_787 : vector<16xi32>
      %mul3A_789 = arith.muli %add3A_788, %sub3A_779 : vector<16xi32>
      %sub3A_790 = arith.constant 29 : i32
      %sub3A_791 = vector.broadcast %sub3A_790 : i32 to vector<16xi32>
      %sub3A_792 = arith.subi %add3A_784, %sub3A_791 : vector<16xi32>
      %min3A_793 = arith.constant 1 : i32
      %min3A_794 = vector.broadcast %min3A_793 : i32 to vector<16xi32>
      %min3A_795 = arith.minsi %sub3A_792, %min3A_794 : vector<16xi32>
      %max3A_796 = arith.constant 0 : i32
      %max3A_797 = vector.broadcast %max3A_796 : i32 to vector<16xi32>
      %max3A_798 = arith.maxsi %min3A_795, %max3A_797 : vector<16xi32>
      %add3A_799 = arith.addi %get3A_765, %max3A_798 : vector<16xi32>
      %sub3A_800 = arith.constant 1 : i32
      %sub3A_801 = vector.broadcast %sub3A_800 : i32 to vector<16xi32>
      %sub3A_802 = arith.subi %sub3A_801, %max3A_798 : vector<16xi32>
      %mul3A_803 = arith.muli %add3A_784, %sub3A_802 : vector<16xi32>
      %min3A_804 = arith.minsi %add3A_799, %get3A_770 : vector<16xi32>
      %add3A_805 = arith.constant 0 : i32
      %add3A_806 = vector.broadcast %add3A_805 : i32 to vector<16xi32>
      %add3A_807 = arith.addi %add3A_806, %iota3A : vector<16xi32>
      %mul3A_808 = arith.constant 256 : i32
      %mul3A_809 = vector.broadcast %mul3A_808 : i32 to vector<16xi32>
      %mul3A_810 = arith.muli %add3A_807, %mul3A_809 : vector<16xi32>
      %add3A_811 = arith.addi %mul3A_810, %min3A_804 : vector<16xi32>
      %swap3A_812 = arith.index_cast %multiple_of3A_740 : i32 to index
      %swap3A_813 = tpu.vector_load %arg15[%swap3A_812] {strides = array<i32>} : memref<128xi32, #tpu.memory_space<vmem>>, vector<16xi32>,
      %swap3A_814 = vector.shape_cast %swap3A_813 : vector<16xi32> to vector<16xi32>
      %swap3A_815 = vector.shape_cast %add3A_799 : vector<16xi32> to vector<16xi32>
      tpu.vector_store %arg15[%swap3A_812], %swap3A_815 {strides = array<i32>} : memref<128xi32, #tpu.memory_space<vmem>>, vector<16xi32>,
      %multiple_of3A_816 = arith.constant 16 : i32
      %multiple_of3A_817 = tpu.assume_multiple %multiple_of3A_816, 16 : i32
      %add3A_818 = arith.constant 0 : i32
      %add3A_819 = arith.addi %add3A_818, %multiple_of3A_817 : i32
      %get3A_820 = arith.index_cast %add3A_819 : i32 to index
      %get3A_821 = tpu.vector_load %arg14[%get3A_820] {strides = array<i32>} : memref<912xi32, #tpu.memory_space<vmem>>, vector<16xi32>,
      %get3A_822 = vector.shape_cast %get3A_821 : vector<16xi32> to vector<16xi32>
      %add3A_823 = arith.constant 128 : i32
      %add3A_824 = arith.addi %add3A_823, %multiple_of3A_817 : i32
      %get3A_825 = arith.index_cast %add3A_824 : i32 to index
      %get3A_826 = tpu.vector_load %arg14[%get3A_825] {strides = array<i32>} : memref<912xi32, #tpu.memory_space<vmem>>, vector<16xi32>,
      %get3A_827 = vector.shape_cast %get3A_826 : vector<16xi32> to vector<16xi32>
      %add3A_828 = arith.constant 256 : i32
      %add3A_829 = arith.addi %add3A_828, %multiple_of3A_817 : i32
      %get3A_830 = arith.index_cast %add3A_829 : i32 to index
      %get3A_831 = tpu.vector_load %arg14[%get3A_830] {strides = array<i32>} : memref<912xi32, #tpu.memory_space<vmem>>, vector<16xi32>,
      %get3A_832 = vector.shape_cast %get3A_831 : vector<16xi32> to vector<16xi32>
      %add3A_833 = arith.constant 384 : i32
      %add3A_834 = arith.addi %add3A_833, %multiple_of3A_817 : i32
      %get3A_835 = arith.index_cast %add3A_834 : i32 to index
      %get3A_836 = tpu.vector_load %arg14[%get3A_835] {strides = array<i32>} : memref<912xi32, #tpu.memory_space<vmem>>, vector<16xi32>,
      %get3A_837 = vector.shape_cast %get3A_836 : vector<16xi32> to vector<16xi32>
      %add3A_838 = arith.constant 512 : i32
      %add3A_839 = arith.addi %add3A_838, %multiple_of3A_817 : i32
      %get3A_840 = arith.index_cast %add3A_839 : i32 to index
      %get3A_841 = tpu.vector_load %arg14[%get3A_840] {strides = array<i32>} : memref<912xi32, #tpu.memory_space<vmem>>, vector<16xi32>,
      %get3A_842 = vector.shape_cast %get3A_841 : vector<16xi32> to vector<16xi32>
      %add3A_843 = arith.constant 640 : i32
      %add3A_844 = arith.addi %add3A_843, %multiple_of3A_817 : i32
      %get3A_845 = arith.index_cast %add3A_844 : i32 to index
      %get3A_846 = tpu.vector_load %arg14[%get3A_845] {strides = array<i32>} : memref<912xi32, #tpu.memory_space<vmem>>, vector<16xi32>,
      %get3A_847 = vector.shape_cast %get3A_846 : vector<16xi32> to vector<16xi32>
      %add3A_848 = arith.constant 768 : i32
      %add3A_849 = arith.addi %add3A_848, %multiple_of3A_817 : i32
      %get3A_850 = arith.index_cast %add3A_849 : i32 to index
      %get3A_851 = tpu.vector_load %arg14[%get3A_850] {strides = array<i32>} : memref<912xi32, #tpu.memory_space<vmem>>, vector<16xi32>,
      %get3A_852 = vector.shape_cast %get3A_851 : vector<16xi32> to vector<16xi32>
      %max3A_853 = arith.maxsi %get3A_822, %get3A_827 : vector<16xi32>
      %sub3A_854 = arith.constant 1 : i32
      %sub3A_855 = vector.broadcast %sub3A_854 : i32 to vector<16xi32>
      %sub3A_856 = arith.subi %sub3A_855, %max3A_853 : vector<16xi32>
      %sub3A_857 = arith.constant 1 : i32
      %sub3A_858 = vector.broadcast %sub3A_857 : i32 to vector<16xi32>
      %sub3A_859 = arith.subi %sub3A_858, %get3A_822 : vector<16xi32>
      %mul3A_860 = arith.muli %get3A_837, %sub3A_859 : vector<16xi32>
      %add3A_861 = arith.addi %mul3A_860, %sub3A_856 : vector<16xi32>
      %add3A_862 = arith.addi %get3A_832, %sub3A_856 : vector<16xi32>
      %add3A_863 = arith.constant 1 : i32
      %add3A_864 = vector.broadcast %add3A_863 : i32 to vector<16xi32>
      %add3A_865 = arith.addi %get3A_852, %add3A_864 : vector<16xi32>
      %mul3A_866 = arith.muli %add3A_865, %sub3A_856 : vector<16xi32>
      %sub3A_867 = arith.constant 29 : i32
      %sub3A_868 = vector.broadcast %sub3A_867 : i32 to vector<16xi32>
      %sub3A_869 = arith.subi %add3A_861, %sub3A_868 : vector<16xi32>
      %min3A_870 = arith.constant 1 : i32
      %min3A_871 = vector.broadcast %min3A_870 : i32 to vector<16xi32>
      %min3A_872 = arith.minsi %sub3A_869, %min3A_871 : vector<16xi32>
      %max3A_873 = arith.constant 0 : i32
      %max3A_874 = vector.broadcast %max3A_873 : i32 to vector<16xi32>
      %max3A_875 = arith.maxsi %min3A_872, %max3A_874 : vector<16xi32>
      %add3A_876 = arith.addi %get3A_842, %max3A_875 : vector<16xi32>
      %sub3A_877 = arith.constant 1 : i32
      %sub3A_878 = vector.broadcast %sub3A_877 : i32 to vector<16xi32>
      %sub3A_879 = arith.subi %sub3A_878, %max3A_875 : vector<16xi32>
      %mul3A_880 = arith.muli %add3A_861, %sub3A_879 : vector<16xi32>
      %min3A_881 = arith.minsi %add3A_876, %get3A_847 : vector<16xi32>
      %add3A_882 = arith.constant 0 : i32
      %add3A_883 = vector.broadcast %add3A_882 : i32 to vector<16xi32>
      %add3A_884 = arith.addi %add3A_883, %iota3A : vector<16xi32>
      %mul3A_885 = arith.constant 256 : i32
      %mul3A_886 = vector.broadcast %mul3A_885 : i32 to vector<16xi32>
      %mul3A_887 = arith.muli %add3A_884, %mul3A_886 : vector<16xi32>
      %add3A_888 = arith.addi %mul3A_887, %min3A_881 : vector<16xi32>
      %swap3A_889 = arith.index_cast %multiple_of3A_817 : i32 to index
      %swap3A_890 = tpu.vector_load %arg15[%swap3A_889] {strides = array<i32>} : memref<128xi32, #tpu.memory_space<vmem>>, vector<16xi32>,
      %swap3A_891 = vector.shape_cast %swap3A_890 : vector<16xi32> to vector<16xi32>
      %swap3A_892 = vector.shape_cast %add3A_876 : vector<16xi32> to vector<16xi32>
      tpu.vector_store %arg15[%swap3A_889], %swap3A_892 {strides = array<i32>} : memref<128xi32, #tpu.memory_space<vmem>>, vector<16xi32>,
      %multiple_of3A_893 = arith.constant 32 : i32
      %multiple_of3A_894 = tpu.assume_multiple %multiple_of3A_893, 16 : i32
      %add3A_895 = arith.constant 0 : i32
      %add3A_896 = arith.addi %add3A_895, %multiple_of3A_894 : i32
      %get3A_897 = arith.index_cast %add3A_896 : i32 to index
      %get3A_898 = tpu.vector_load %arg14[%get3A_897] {strides = array<i32>} : memref<912xi32, #tpu.memory_space<vmem>>, vector<16xi32>,
      %get3A_899 = vector.shape_cast %get3A_898 : vector<16xi32> to vector<16xi32>
      %add3A_900 = arith.constant 128 : i32
      %add3A_901 = arith.addi %add3A_900, %multiple_of3A_894 : i32
      %get3A_902 = arith.index_cast %add3A_901 : i32 to index
      %get3A_903 = tpu.vector_load %arg14[%get3A_902] {strides = array<i32>} : memref<912xi32, #tpu.memory_space<vmem>>, vector<16xi32>,
      %get3A_904 = vector.shape_cast %get3A_903 : vector<16xi32> to vector<16xi32>
      %add3A_905 = arith.constant 256 : i32
      %add3A_906 = arith.addi %add3A_905, %multiple_of3A_894 : i32
      %get3A_907 = arith.index_cast %add3A_906 : i32 to index
      %get3A_908 = tpu.vector_load %arg14[%get3A_907] {strides = array<i32>} : memref<912xi32, #tpu.memory_space<vmem>>, vector<16xi32>,
      %get3A_909 = vector.shape_cast %get3A_908 : vector<16xi32> to vector<16xi32>
      %add3A_910 = arith.constant 384 : i32
      %add3A_911 = arith.addi %add3A_910, %multiple_of3A_894 : i32
      %get3A_912 = arith.index_cast %add3A_911 : i32 to index
      %get3A_913 = tpu.vector_load %arg14[%get3A_912] {strides = array<i32>} : memref<912xi32, #tpu.memory_space<vmem>>, vector<16xi32>,
      %get3A_914 = vector.shape_cast %get3A_913 : vector<16xi32> to vector<16xi32>
      %add3A_915 = arith.constant 512 : i32
      %add3A_916 = arith.addi %add3A_915, %multiple_of3A_894 : i32
      %get3A_917 = arith.index_cast %add3A_916 : i32 to index
      %get3A_918 = tpu.vector_load %arg14[%get3A_917] {strides = array<i32>} : memref<912xi32, #tpu.memory_space<vmem>>, vector<16xi32>,
      %get3A_919 = vector.shape_cast %get3A_918 : vector<16xi32> to vector<16xi32>
      %add3A_920 = arith.constant 640 : i32
      %add3A_921 = arith.addi %add3A_920, %multiple_of3A_894 : i32
      %get3A_922 = arith.index_cast %add3A_921 : i32 to index
      %get3A_923 = tpu.vector_load %arg14[%get3A_922] {strides = array<i32>} : memref<912xi32, #tpu.memory_space<vmem>>, vector<16xi32>,
      %get3A_924 = vector.shape_cast %get3A_923 : vector<16xi32> to vector<16xi32>
      %add3A_925 = arith.constant 768 : i32
      %add3A_926 = arith.addi %add3A_925, %multiple_of3A_894 : i32
      %get3A_927 = arith.index_cast %add3A_926 : i32 to index
      %get3A_928 = tpu.vector_load %arg14[%get3A_927] {strides = array<i32>} : memref<912xi32, #tpu.memory_space<vmem>>, vector<16xi32>,
      %get3A_929 = vector.shape_cast %get3A_928 : vector<16xi32> to vector<16xi32>
      %max3A_930 = arith.maxsi %get3A_899, %get3A_904 : vector<16xi32>
      %sub3A_931 = arith.constant 1 : i32
      %sub3A_932 = vector.broadcast %sub3A_931 : i32 to vector<16xi32>
      %sub3A_933 = arith.subi %sub3A_932, %max3A_930 : vector<16xi32>
      %sub3A_934 = arith.constant 1 : i32
      %sub3A_935 = vector.broadcast %sub3A_934 : i32 to vector<16xi32>
      %sub3A_936 = arith.subi %sub3A_935, %get3A_899 : vector<16xi32>
      %mul3A_937 = arith.muli %get3A_914, %sub3A_936 : vector<16xi32>
      %add3A_938 = arith.addi %mul3A_937, %sub3A_933 : vector<16xi32>
      %add3A_939 = arith.addi %get3A_909, %sub3A_933 : vector<16xi32>
      %add3A_940 = arith.constant 1 : i32
      %add3A_941 = vector.broadcast %add3A_940 : i32 to vector<16xi32>
      %add3A_942 = arith.addi %get3A_929, %add3A_941 : vector<16xi32>
      %mul3A_943 = arith.muli %add3A_942, %sub3A_933 : vector<16xi32>
      %sub3A_944 = arith.constant 29 : i32
      %sub3A_945 = vector.broadcast %sub3A_944 : i32 to vector<16xi32>
      %sub3A_946 = arith.subi %add3A_938, %sub3A_945 : vector<16xi32>
      %min3A_947 = arith.constant 1 : i32
      %min3A_948 = vector.broadcast %min3A_947 : i32 to vector<16xi32>
      %min3A_949 = arith.minsi %sub3A_946, %min3A_948 : vector<16xi32>
      %max3A_950 = arith.constant 0 : i32
      %max3A_951 = vector.broadcast %max3A_950 : i32 to vector<16xi32>
      %max3A_952 = arith.maxsi %min3A_949, %max3A_951 : vector<16xi32>
      %add3A_953 = arith.addi %get3A_919, %max3A_952 : vector<16xi32>
      %sub3A_954 = arith.constant 1 : i32
      %sub3A_955 = vector.broadcast %sub3A_954 : i32 to vector<16xi32>
      %sub3A_956 = arith.subi %sub3A_955, %max3A_952 : vector<16xi32>
      %mul3A_957 = arith.muli %add3A_938, %sub3A_956 : vector<16xi32>
      %min3A_958 = arith.minsi %add3A_953, %get3A_924 : vector<16xi32>
      %add3A_959 = arith.constant 0 : i32
      %add3A_960 = vector.broadcast %add3A_959 : i32 to vector<16xi32>
      %add3A_961 = arith.addi %add3A_960, %iota3A : vector<16xi32>
      %mul3A_962 = arith.constant 256 : i32
      %mul3A_963 = vector.broadcast %mul3A_962 : i32 to vector<16xi32>
      %mul3A_964 = arith.muli %add3A_961, %mul3A_963 : vector<16xi32>
      %add3A_965 = arith.addi %mul3A_964, %min3A_958 : vector<16xi32>
      %swap3A_966 = arith.index_cast %multiple_of3A_894 : i32 to index
      %swap3A_967 = tpu.vector_load %arg15[%swap3A_966] {strides = array<i32>} : memref<128xi32, #tpu.memory_space<vmem>>, vector<16xi32>,
      %swap3A_968 = vector.shape_cast %swap3A_967 : vector<16xi32> to vector<16xi32>
      %swap3A_969 = vector.shape_cast %add3A_953 : vector<16xi32> to vector<16xi32>
      tpu.vector_store %arg15[%swap3A_966], %swap3A_969 {strides = array<i32>} : memref<128xi32, #tpu.memory_space<vmem>>, vector<16xi32>,
      %multiple_of3A_970 = arith.constant 48 : i32
      %multiple_of3A_971 = tpu.assume_multiple %multiple_of3A_970, 16 : i32
      %add3A_972 = arith.constant 0 : i32
      %add3A_973 = arith.addi %add3A_972, %multiple_of3A_971 : i32
      %get3A_974 = arith.index_cast %add3A_973 : i32 to index
      %get3A_975 = tpu.vector_load %arg14[%get3A_974] {strides = array<i32>} : memref<912xi32, #tpu.memory_space<vmem>>, vector<16xi32>,
      %get3A_976 = vector.shape_cast %get3A_975 : vector<16xi32> to vector<16xi32>
      %add3A_977 = arith.constant 128 : i32
      %add3A_978 = arith.addi %add3A_977, %multiple_of3A_971 : i32
      %get3A_979 = arith.index_cast %add3A_978 : i32 to index
      %get3A_980 = tpu.vector_load %arg14[%get3A_979] {strides = array<i32>} : memref<912xi32, #tpu.memory_space<vmem>>, vector<16xi32>,
      %get3A_981 = vector.shape_cast %get3A_980 : vector<16xi32> to vector<16xi32>
      %add3A_982 = arith.constant 256 : i32
      %add3A_983 = arith.addi %add3A_982, %multiple_of3A_971 : i32
      %get3A_984 = arith.index_cast %add3A_983 : i32 to index
      %get3A_985 = tpu.vector_load %arg14[%get3A_984] {strides = array<i32>} : memref<912xi32, #tpu.memory_space<vmem>>, vector<16xi32>,
      %get3A_986 = vector.shape_cast %get3A_985 : vector<16xi32> to vector<16xi32>
      %add3A_987 = arith.constant 384 : i32
      %add3A_988 = arith.addi %add3A_987, %multiple_of3A_971 : i32
      %get3A_989 = arith.index_cast %add3A_988 : i32 to index
      %get3A_990 = tpu.vector_load %arg14[%get3A_989] {strides = array<i32>} : memref<912xi32, #tpu.memory_space<vmem>>, vector<16xi32>,
      %get3A_991 = vector.shape_cast %get3A_990 : vector<16xi32> to vector<16xi32>
      %add3A_992 = arith.constant 512 : i32
      %add3A_993 = arith.addi %add3A_992, %multiple_of3A_971 : i32
      %get3A_994 = arith.index_cast %add3A_993 : i32 to index
      %get3A_995 = tpu.vector_load %arg14[%get3A_994] {strides = array<i32>} : memref<912xi32, #tpu.memory_space<vmem>>, vector<16xi32>,
      %get3A_996 = vector.shape_cast %get3A_995 : vector<16xi32> to vector<16xi32>
      %add3A_997 = arith.constant 640 : i32
      %add3A_998 = arith.addi %add3A_997, %multiple_of3A_971 : i32
      %get3A_999 = arith.index_cast %add3A_998 : i32 to index
      %get3A_1000 = tpu.vector_load %arg14[%get3A_999] {strides = array<i32>} : memref<912xi32, #tpu.memory_space<vmem>>, vector<16xi32>,
      %get3A_1001 = vector.shape_cast %get3A_1000 : vector<16xi32> to vector<16xi32>
      %add3A_1002 = arith.constant 768 : i32
      %add3A_1003 = arith.addi %add3A_1002, %multiple_of3A_971 : i32
      %get3A_1004 = arith.index_cast %add3A_1003 : i32 to index
      %get3A_1005 = tpu.vector_load %arg14[%get3A_1004] {strides = array<i32>} : memref<912xi32, #tpu.memory_space<vmem>>, vector<16xi32>,
      %get3A_1006 = vector.shape_cast %get3A_1005 : vector<16xi32> to vector<16xi32>
      %max3A_1007 = arith.maxsi %get3A_976, %get3A_981 : vector<16xi32>
      %sub3A_1008 = arith.constant 1 : i32
      %sub3A_1009 = vector.broadcast %sub3A_1008 : i32 to vector<16xi32>
      %sub3A_1010 = arith.subi %sub3A_1009, %max3A_1007 : vector<16xi32>
      %sub3A_1011 = arith.constant 1 : i32
      %sub3A_1012 = vector.broadcast %sub3A_1011 : i32 to vector<16xi32>
      %sub3A_1013 = arith.subi %sub3A_1012, %get3A_976 : vector<16xi32>
      %mul3A_1014 = arith.muli %get3A_991, %sub3A_1013 : vector<16xi32>
      %add3A_1015 = arith.addi %mul3A_1014, %sub3A_1010 : vector<16xi32>
      %add3A_1016 = arith.addi %get3A_986, %sub3A_1010 : vector<16xi32>
      %add3A_1017 = arith.constant 1 : i32
      %add3A_1018 = vector.broadcast %add3A_1017 : i32 to vector<16xi32>
      %add3A_1019 = arith.addi %get3A_1006, %add3A_1018 : vector<16xi32>
      %mul3A_1020 = arith.muli %add3A_1019, %sub3A_1010 : vector<16xi32>
      %sub3A_1021 = arith.constant 29 : i32
      %sub3A_1022 = vector.broadcast %sub3A_1021 : i32 to vector<16xi32>
      %sub3A_1023 = arith.subi %add3A_1015, %sub3A_1022 : vector<16xi32>
      %min3A_1024 = arith.constant 1 : i32
      %min3A_1025 = vector.broadcast %min3A_1024 : i32 to vector<16xi32>
      %min3A_1026 = arith.minsi %sub3A_1023, %min3A_1025 : vector<16xi32>
      %max3A_1027 = arith.constant 0 : i32
      %max3A_1028 = vector.broadcast %max3A_1027 : i32 to vector<16xi32>
      %max3A_1029 = arith.maxsi %min3A_1026, %max3A_1028 : vector<16xi32>
      %add3A_1030 = arith.addi %get3A_996, %max3A_1029 : vector<16xi32>
      %sub3A_1031 = arith.constant 1 : i32
      %sub3A_1032 = vector.broadcast %sub3A_1031 : i32 to vector<16xi32>
      %sub3A_1033 = arith.subi %sub3A_1032, %max3A_1029 : vector<16xi32>
      %mul3A_1034 = arith.muli %add3A_1015, %sub3A_1033 : vector<16xi32>
      %min3A_1035 = arith.minsi %add3A_1030, %get3A_1001 : vector<16xi32>
      %add3A_1036 = arith.constant 0 : i32
      %add3A_1037 = vector.broadcast %add3A_1036 : i32 to vector<16xi32>
      %add3A_1038 = arith.addi %add3A_1037, %iota3A : vector<16xi32>
      %mul3A_1039 = arith.constant 256 : i32
      %mul3A_1040 = vector.broadcast %mul3A_1039 : i32 to vector<16xi32>
      %mul3A_1041 = arith.muli %add3A_1038, %mul3A_1040 : vector<16xi32>
      %add3A_1042 = arith.addi %mul3A_1041, %min3A_1035 : vector<16xi32>
      %swap3A_1043 = arith.index_cast %multiple_of3A_971 : i32 to index
      %swap3A_1044 = tpu.vector_load %arg15[%swap3A_1043] {strides = array<i32>} : memref<128xi32, #tpu.memory_space<vmem>>, vector<16xi32>,
      %swap3A_1045 = vector.shape_cast %swap3A_1044 : vector<16xi32> to vector<16xi32>
      %swap3A_1046 = vector.shape_cast %add3A_1030 : vector<16xi32> to vector<16xi32>
      tpu.vector_store %arg15[%swap3A_1043], %swap3A_1046 {strides = array<i32>} : memref<128xi32, #tpu.memory_space<vmem>>, vector<16xi32>,
      %multiple_of3A_1047 = arith.constant 64 : i32
      %multiple_of3A_1048 = tpu.assume_multiple %multiple_of3A_1047, 16 : i32
      %add3A_1049 = arith.constant 0 : i32
      %add3A_1050 = arith.addi %add3A_1049, %multiple_of3A_1048 : i32
      %get3A_1051 = arith.index_cast %add3A_1050 : i32 to index
      %get3A_1052 = tpu.vector_load %arg14[%get3A_1051] {strides = array<i32>} : memref<912xi32, #tpu.memory_space<vmem>>, vector<16xi32>,
      %get3A_1053 = vector.shape_cast %get3A_1052 : vector<16xi32> to vector<16xi32>
      %add3A_1054 = arith.constant 128 : i32
      %add3A_1055 = arith.addi %add3A_1054, %multiple_of3A_1048 : i32
      %get3A_1056 = arith.index_cast %add3A_1055 : i32 to index
      %get3A_1057 = tpu.vector_load %arg14[%get3A_1056] {strides = array<i32>} : memref<912xi32, #tpu.memory_space<vmem>>, vector<16xi32>,
      %get3A_1058 = vector.shape_cast %get3A_1057 : vector<16xi32> to vector<16xi32>
      %add3A_1059 = arith.constant 256 : i32
      %add3A_1060 = arith.addi %add3A_1059, %multiple_of3A_1048 : i32
      %get3A_1061 = arith.index_cast %add3A_1060 : i32 to index
      %get3A_1062 = tpu.vector_load %arg14[%get3A_1061] {strides = array<i32>} : memref<912xi32, #tpu.memory_space<vmem>>, vector<16xi32>,
      %get3A_1063 = vector.shape_cast %get3A_1062 : vector<16xi32> to vector<16xi32>
      %add3A_1064 = arith.constant 384 : i32
      %add3A_1065 = arith.addi %add3A_1064, %multiple_of3A_1048 : i32
      %get3A_1066 = arith.index_cast %add3A_1065 : i32 to index
      %get3A_1067 = tpu.vector_load %arg14[%get3A_1066] {strides = array<i32>} : memref<912xi32, #tpu.memory_space<vmem>>, vector<16xi32>,
      %get3A_1068 = vector.shape_cast %get3A_1067 : vector<16xi32> to vector<16xi32>
      %add3A_1069 = arith.constant 512 : i32
      %add3A_1070 = arith.addi %add3A_1069, %multiple_of3A_1048 : i32
      %get3A_1071 = arith.index_cast %add3A_1070 : i32 to index
      %get3A_1072 = tpu.vector_load %arg14[%get3A_1071] {strides = array<i32>} : memref<912xi32, #tpu.memory_space<vmem>>, vector<16xi32>,
      %get3A_1073 = vector.shape_cast %get3A_1072 : vector<16xi32> to vector<16xi32>
      %add3A_1074 = arith.constant 640 : i32
      %add3A_1075 = arith.addi %add3A_1074, %multiple_of3A_1048 : i32
      %get3A_1076 = arith.index_cast %add3A_1075 : i32 to index
      %get3A_1077 = tpu.vector_load %arg14[%get3A_1076] {strides = array<i32>} : memref<912xi32, #tpu.memory_space<vmem>>, vector<16xi32>,
      %get3A_1078 = vector.shape_cast %get3A_1077 : vector<16xi32> to vector<16xi32>
      %add3A_1079 = arith.constant 768 : i32
      %add3A_1080 = arith.addi %add3A_1079, %multiple_of3A_1048 : i32
      %get3A_1081 = arith.index_cast %add3A_1080 : i32 to index
      %get3A_1082 = tpu.vector_load %arg14[%get3A_1081] {strides = array<i32>} : memref<912xi32, #tpu.memory_space<vmem>>, vector<16xi32>,
      %get3A_1083 = vector.shape_cast %get3A_1082 : vector<16xi32> to vector<16xi32>
      %max3A_1084 = arith.maxsi %get3A_1053, %get3A_1058 : vector<16xi32>
      %sub3A_1085 = arith.constant 1 : i32
      %sub3A_1086 = vector.broadcast %sub3A_1085 : i32 to vector<16xi32>
      %sub3A_1087 = arith.subi %sub3A_1086, %max3A_1084 : vector<16xi32>
      %sub3A_1088 = arith.constant 1 : i32
      %sub3A_1089 = vector.broadcast %sub3A_1088 : i32 to vector<16xi32>
      %sub3A_1090 = arith.subi %sub3A_1089, %get3A_1053 : vector<16xi32>
      %mul3A_1091 = arith.muli %get3A_1068, %sub3A_1090 : vector<16xi32>
      %add3A_1092 = arith.addi %mul3A_1091, %sub3A_1087 : vector<16xi32>
      %add3A_1093 = arith.addi %get3A_1063, %sub3A_1087 : vector<16xi32>
      %add3A_1094 = arith.constant 1 : i32
      %add3A_1095 = vector.broadcast %add3A_1094 : i32 to vector<16xi32>
      %add3A_1096 = arith.addi %get3A_1083, %add3A_1095 : vector<16xi32>
      %mul3A_1097 = arith.muli %add3A_1096, %sub3A_1087 : vector<16xi32>
      %sub3A_1098 = arith.constant 29 : i32
      %sub3A_1099 = vector.broadcast %sub3A_1098 : i32 to vector<16xi32>
      %sub3A_1100 = arith.subi %add3A_1092, %sub3A_1099 : vector<16xi32>
      %min3A_1101 = arith.constant 1 : i32
      %min3A_1102 = vector.broadcast %min3A_1101 : i32 to vector<16xi32>
      %min3A_1103 = arith.minsi %sub3A_1100, %min3A_1102 : vector<16xi32>
      %max3A_1104 = arith.constant 0 : i32
      %max3A_1105 = vector.broadcast %max3A_1104 : i32 to vector<16xi32>
      %max3A_1106 = arith.maxsi %min3A_1103, %max3A_1105 : vector<16xi32>
      %add3A_1107 = arith.addi %get3A_1073, %max3A_1106 : vector<16xi32>
      %sub3A_1108 = arith.constant 1 : i32
      %sub3A_1109 = vector.broadcast %sub3A_1108 : i32 to vector<16xi32>
      %sub3A_1110 = arith.subi %sub3A_1109, %max3A_1106 : vector<16xi32>
      %mul3A_1111 = arith.muli %add3A_1092, %sub3A_1110 : vector<16xi32>
      %min3A_1112 = arith.minsi %add3A_1107, %get3A_1078 : vector<16xi32>
      %add3A_1113 = arith.constant 0 : i32
      %add3A_1114 = vector.broadcast %add3A_1113 : i32 to vector<16xi32>
      %add3A_1115 = arith.addi %add3A_1114, %iota3A : vector<16xi32>
      %mul3A_1116 = arith.constant 256 : i32
      %mul3A_1117 = vector.broadcast %mul3A_1116 : i32 to vector<16xi32>
      %mul3A_1118 = arith.muli %add3A_1115, %mul3A_1117 : vector<16xi32>
      %add3A_1119 = arith.addi %mul3A_1118, %min3A_1112 : vector<16xi32>
      %swap3A_1120 = arith.index_cast %multiple_of3A_1048 : i32 to index
      %swap3A_1121 = tpu.vector_load %arg15[%swap3A_1120] {strides = array<i32>} : memref<128xi32, #tpu.memory_space<vmem>>, vector<16xi32>,
      %swap3A_1122 = vector.shape_cast %swap3A_1121 : vector<16xi32> to vector<16xi32>
      %swap3A_1123 = vector.shape_cast %add3A_1107 : vector<16xi32> to vector<16xi32>
      tpu.vector_store %arg15[%swap3A_1120], %swap3A_1123 {strides = array<i32>} : memref<128xi32, #tpu.memory_space<vmem>>, vector<16xi32>,
      %multiple_of3A_1124 = arith.constant 80 : i32
      %multiple_of3A_1125 = tpu.assume_multiple %multiple_of3A_1124, 16 : i32
      %add3A_1126 = arith.constant 0 : i32
      %add3A_1127 = arith.addi %add3A_1126, %multiple_of3A_1125 : i32
      %get3A_1128 = arith.index_cast %add3A_1127 : i32 to index
      %get3A_1129 = tpu.vector_load %arg14[%get3A_1128] {strides = array<i32>} : memref<912xi32, #tpu.memory_space<vmem>>, vector<16xi32>,
      %get3A_1130 = vector.shape_cast %get3A_1129 : vector<16xi32> to vector<16xi32>
      %add3A_1131 = arith.constant 128 : i32
      %add3A_1132 = arith.addi %add3A_1131, %multiple_of3A_1125 : i32
      %get3A_1133 = arith.index_cast %add3A_1132 : i32 to index
      %get3A_1134 = tpu.vector_load %arg14[%get3A_1133] {strides = array<i32>} : memref<912xi32, #tpu.memory_space<vmem>>, vector<16xi32>,
      %get3A_1135 = vector.shape_cast %get3A_1134 : vector<16xi32> to vector<16xi32>
      %add3A_1136 = arith.constant 256 : i32
      %add3A_1137 = arith.addi %add3A_1136, %multiple_of3A_1125 : i32
      %get3A_1138 = arith.index_cast %add3A_1137 : i32 to index
      %get3A_1139 = tpu.vector_load %arg14[%get3A_1138] {strides = array<i32>} : memref<912xi32, #tpu.memory_space<vmem>>, vector<16xi32>,
      %get3A_1140 = vector.shape_cast %get3A_1139 : vector<16xi32> to vector<16xi32>
      %add3A_1141 = arith.constant 384 : i32
      %add3A_1142 = arith.addi %add3A_1141, %multiple_of3A_1125 : i32
      %get3A_1143 = arith.index_cast %add3A_1142 : i32 to index
      %get3A_1144 = tpu.vector_load %arg14[%get3A_1143] {strides = array<i32>} : memref<912xi32, #tpu.memory_space<vmem>>, vector<16xi32>,
      %get3A_1145 = vector.shape_cast %get3A_1144 : vector<16xi32> to vector<16xi32>
      %add3A_1146 = arith.constant 512 : i32
      %add3A_1147 = arith.addi %add3A_1146, %multiple_of3A_1125 : i32
      %get3A_1148 = arith.index_cast %add3A_1147 : i32 to index
      %get3A_1149 = tpu.vector_load %arg14[%get3A_1148] {strides = array<i32>} : memref<912xi32, #tpu.memory_space<vmem>>, vector<16xi32>,
      %get3A_1150 = vector.shape_cast %get3A_1149 : vector<16xi32> to vector<16xi32>
      %add3A_1151 = arith.constant 640 : i32
      %add3A_1152 = arith.addi %add3A_1151, %multiple_of3A_1125 : i32
      %get3A_1153 = arith.index_cast %add3A_1152 : i32 to index
      %get3A_1154 = tpu.vector_load %arg14[%get3A_1153] {strides = array<i32>} : memref<912xi32, #tpu.memory_space<vmem>>, vector<16xi32>,
      %get3A_1155 = vector.shape_cast %get3A_1154 : vector<16xi32> to vector<16xi32>
      %add3A_1156 = arith.constant 768 : i32
      %add3A_1157 = arith.addi %add3A_1156, %multiple_of3A_1125 : i32
      %get3A_1158 = arith.index_cast %add3A_1157 : i32 to index
      %get3A_1159 = tpu.vector_load %arg14[%get3A_1158] {strides = array<i32>} : memref<912xi32, #tpu.memory_space<vmem>>, vector<16xi32>,
      %get3A_1160 = vector.shape_cast %get3A_1159 : vector<16xi32> to vector<16xi32>
      %max3A_1161 = arith.maxsi %get3A_1130, %get3A_1135 : vector<16xi32>
      %sub3A_1162 = arith.constant 1 : i32
      %sub3A_1163 = vector.broadcast %sub3A_1162 : i32 to vector<16xi32>
      %sub3A_1164 = arith.subi %sub3A_1163, %max3A_1161 : vector<16xi32>
      %sub3A_1165 = arith.constant 1 : i32
      %sub3A_1166 = vector.broadcast %sub3A_1165 : i32 to vector<16xi32>
      %sub3A_1167 = arith.subi %sub3A_1166, %get3A_1130 : vector<16xi32>
      %mul3A_1168 = arith.muli %get3A_1145, %sub3A_1167 : vector<16xi32>
      %add3A_1169 = arith.addi %mul3A_1168, %sub3A_1164 : vector<16xi32>
      %add3A_1170 = arith.addi %get3A_1140, %sub3A_1164 : vector<16xi32>
      %add3A_1171 = arith.constant 1 : i32
      %add3A_1172 = vector.broadcast %add3A_1171 : i32 to vector<16xi32>
      %add3A_1173 = arith.addi %get3A_1160, %add3A_1172 : vector<16xi32>
      %mul3A_1174 = arith.muli %add3A_1173, %sub3A_1164 : vector<16xi32>
      %sub3A_1175 = arith.constant 29 : i32
      %sub3A_1176 = vector.broadcast %sub3A_1175 : i32 to vector<16xi32>
      %sub3A_1177 = arith.subi %add3A_1169, %sub3A_1176 : vector<16xi32>
      %min3A_1178 = arith.constant 1 : i32
      %min3A_1179 = vector.broadcast %min3A_1178 : i32 to vector<16xi32>
      %min3A_1180 = arith.minsi %sub3A_1177, %min3A_1179 : vector<16xi32>
      %max3A_1181 = arith.constant 0 : i32
      %max3A_1182 = vector.broadcast %max3A_1181 : i32 to vector<16xi32>
      %max3A_1183 = arith.maxsi %min3A_1180, %max3A_1182 : vector<16xi32>
      %add3A_1184 = arith.addi %get3A_1150, %max3A_1183 : vector<16xi32>
      %sub3A_1185 = arith.constant 1 : i32
      %sub3A_1186 = vector.broadcast %sub3A_1185 : i32 to vector<16xi32>
      %sub3A_1187 = arith.subi %sub3A_1186, %max3A_1183 : vector<16xi32>
      %mul3A_1188 = arith.muli %add3A_1169, %sub3A_1187 : vector<16xi32>
      %min3A_1189 = arith.minsi %add3A_1184, %get3A_1155 : vector<16xi32>
      %add3A_1190 = arith.constant 0 : i32
      %add3A_1191 = vector.broadcast %add3A_1190 : i32 to vector<16xi32>
      %add3A_1192 = arith.addi %add3A_1191, %iota3A : vector<16xi32>
      %mul3A_1193 = arith.constant 256 : i32
      %mul3A_1194 = vector.broadcast %mul3A_1193 : i32 to vector<16xi32>
      %mul3A_1195 = arith.muli %add3A_1192, %mul3A_1194 : vector<16xi32>
      %add3A_1196 = arith.addi %mul3A_1195, %min3A_1189 : vector<16xi32>
      %swap3A_1197 = arith.index_cast %multiple_of3A_1125 : i32 to index
      %swap3A_1198 = tpu.vector_load %arg15[%swap3A_1197] {strides = array<i32>} : memref<128xi32, #tpu.memory_space<vmem>>, vector<16xi32>,
      %swap3A_1199 = vector.shape_cast %swap3A_1198 : vector<16xi32> to vector<16xi32>
      %swap3A_1200 = vector.shape_cast %add3A_1184 : vector<16xi32> to vector<16xi32>
      tpu.vector_store %arg15[%swap3A_1197], %swap3A_1200 {strides = array<i32>} : memref<128xi32, #tpu.memory_space<vmem>>, vector<16xi32>,
      %multiple_of3A_1201 = arith.constant 96 : i32
      %multiple_of3A_1202 = tpu.assume_multiple %multiple_of3A_1201, 16 : i32
      %add3A_1203 = arith.constant 0 : i32
      %add3A_1204 = arith.addi %add3A_1203, %multiple_of3A_1202 : i32
      %get3A_1205 = arith.index_cast %add3A_1204 : i32 to index
      %get3A_1206 = tpu.vector_load %arg14[%get3A_1205] {strides = array<i32>} : memref<912xi32, #tpu.memory_space<vmem>>, vector<16xi32>,
      %get3A_1207 = vector.shape_cast %get3A_1206 : vector<16xi32> to vector<16xi32>
      %add3A_1208 = arith.constant 128 : i32
      %add3A_1209 = arith.addi %add3A_1208, %multiple_of3A_1202 : i32
      %get3A_1210 = arith.index_cast %add3A_1209 : i32 to index
      %get3A_1211 = tpu.vector_load %arg14[%get3A_1210] {strides = array<i32>} : memref<912xi32, #tpu.memory_space<vmem>>, vector<16xi32>,
      %get3A_1212 = vector.shape_cast %get3A_1211 : vector<16xi32> to vector<16xi32>
      %add3A_1213 = arith.constant 256 : i32
      %add3A_1214 = arith.addi %add3A_1213, %multiple_of3A_1202 : i32
      %get3A_1215 = arith.index_cast %add3A_1214 : i32 to index
      %get3A_1216 = tpu.vector_load %arg14[%get3A_1215] {strides = array<i32>} : memref<912xi32, #tpu.memory_space<vmem>>, vector<16xi32>,
      %get3A_1217 = vector.shape_cast %get3A_1216 : vector<16xi32> to vector<16xi32>
      %add3A_1218 = arith.constant 384 : i32
      %add3A_1219 = arith.addi %add3A_1218, %multiple_of3A_1202 : i32
      %get3A_1220 = arith.index_cast %add3A_1219 : i32 to index
      %get3A_1221 = tpu.vector_load %arg14[%get3A_1220] {strides = array<i32>} : memref<912xi32, #tpu.memory_space<vmem>>, vector<16xi32>,
      %get3A_1222 = vector.shape_cast %get3A_1221 : vector<16xi32> to vector<16xi32>
      %add3A_1223 = arith.constant 512 : i32
      %add3A_1224 = arith.addi %add3A_1223, %multiple_of3A_1202 : i32
      %get3A_1225 = arith.index_cast %add3A_1224 : i32 to index
      %get3A_1226 = tpu.vector_load %arg14[%get3A_1225] {strides = array<i32>} : memref<912xi32, #tpu.memory_space<vmem>>, vector<16xi32>,
      %get3A_1227 = vector.shape_cast %get3A_1226 : vector<16xi32> to vector<16xi32>
      %add3A_1228 = arith.constant 640 : i32
      %add3A_1229 = arith.addi %add3A_1228, %multiple_of3A_1202 : i32
      %get3A_1230 = arith.index_cast %add3A_1229 : i32 to index
      %get3A_1231 = tpu.vector_load %arg14[%get3A_1230] {strides = array<i32>} : memref<912xi32, #tpu.memory_space<vmem>>, vector<16xi32>,
      %get3A_1232 = vector.shape_cast %get3A_1231 : vector<16xi32> to vector<16xi32>
      %add3A_1233 = arith.constant 768 : i32
      %add3A_1234 = arith.addi %add3A_1233, %multiple_of3A_1202 : i32
      %get3A_1235 = arith.index_cast %add3A_1234 : i32 to index
      %get3A_1236 = tpu.vector_load %arg14[%get3A_1235] {strides = array<i32>} : memref<912xi32, #tpu.memory_space<vmem>>, vector<16xi32>,
      %get3A_1237 = vector.shape_cast %get3A_1236 : vector<16xi32> to vector<16xi32>
      %max3A_1238 = arith.maxsi %get3A_1207, %get3A_1212 : vector<16xi32>
      %sub3A_1239 = arith.constant 1 : i32
      %sub3A_1240 = vector.broadcast %sub3A_1239 : i32 to vector<16xi32>
      %sub3A_1241 = arith.subi %sub3A_1240, %max3A_1238 : vector<16xi32>
      %sub3A_1242 = arith.constant 1 : i32
      %sub3A_1243 = vector.broadcast %sub3A_1242 : i32 to vector<16xi32>
      %sub3A_1244 = arith.subi %sub3A_1243, %get3A_1207 : vector<16xi32>
      %mul3A_1245 = arith.muli %get3A_1222, %sub3A_1244 : vector<16xi32>
      %add3A_1246 = arith.addi %mul3A_1245, %sub3A_1241 : vector<16xi32>
      %add3A_1247 = arith.addi %get3A_1217, %sub3A_1241 : vector<16xi32>
      %add3A_1248 = arith.constant 1 : i32
      %add3A_1249 = vector.broadcast %add3A_1248 : i32 to vector<16xi32>
      %add3A_1250 = arith.addi %get3A_1237, %add3A_1249 : vector<16xi32>
      %mul3A_1251 = arith.muli %add3A_1250, %sub3A_1241 : vector<16xi32>
      %sub3A_1252 = arith.constant 29 : i32
      %sub3A_1253 = vector.broadcast %sub3A_1252 : i32 to vector<16xi32>
      %sub3A_1254 = arith.subi %add3A_1246, %sub3A_1253 : vector<16xi32>
      %min3A_1255 = arith.constant 1 : i32
      %min3A_1256 = vector.broadcast %min3A_1255 : i32 to vector<16xi32>
      %min3A_1257 = arith.minsi %sub3A_1254, %min3A_1256 : vector<16xi32>
      %max3A_1258 = arith.constant 0 : i32
      %max3A_1259 = vector.broadcast %max3A_1258 : i32 to vector<16xi32>
      %max3A_1260 = arith.maxsi %min3A_1257, %max3A_1259 : vector<16xi32>
      %add3A_1261 = arith.addi %get3A_1227, %max3A_1260 : vector<16xi32>
      %sub3A_1262 = arith.constant 1 : i32
      %sub3A_1263 = vector.broadcast %sub3A_1262 : i32 to vector<16xi32>
      %sub3A_1264 = arith.subi %sub3A_1263, %max3A_1260 : vector<16xi32>
      %mul3A_1265 = arith.muli %add3A_1246, %sub3A_1264 : vector<16xi32>
      %min3A_1266 = arith.minsi %add3A_1261, %get3A_1232 : vector<16xi32>
      %add3A_1267 = arith.constant 0 : i32
      %add3A_1268 = vector.broadcast %add3A_1267 : i32 to vector<16xi32>
      %add3A_1269 = arith.addi %add3A_1268, %iota3A : vector<16xi32>
      %mul3A_1270 = arith.constant 256 : i32
      %mul3A_1271 = vector.broadcast %mul3A_1270 : i32 to vector<16xi32>
      %mul3A_1272 = arith.muli %add3A_1269, %mul3A_1271 : vector<16xi32>
      %add3A_1273 = arith.addi %mul3A_1272, %min3A_1266 : vector<16xi32>
      %swap3A_1274 = arith.index_cast %multiple_of3A_1202 : i32 to index
      %swap3A_1275 = tpu.vector_load %arg15[%swap3A_1274] {strides = array<i32>} : memref<128xi32, #tpu.memory_space<vmem>>, vector<16xi32>,
      %swap3A_1276 = vector.shape_cast %swap3A_1275 : vector<16xi32> to vector<16xi32>
      %swap3A_1277 = vector.shape_cast %add3A_1261 : vector<16xi32> to vector<16xi32>
      tpu.vector_store %arg15[%swap3A_1274], %swap3A_1277 {strides = array<i32>} : memref<128xi32, #tpu.memory_space<vmem>>, vector<16xi32>,
      %multiple_of3A_1278 = arith.constant 112 : i32
      %multiple_of3A_1279 = tpu.assume_multiple %multiple_of3A_1278, 16 : i32
      %add3A_1280 = arith.constant 0 : i32
      %add3A_1281 = arith.addi %add3A_1280, %multiple_of3A_1279 : i32
      %get3A_1282 = arith.index_cast %add3A_1281 : i32 to index
      %get3A_1283 = tpu.vector_load %arg14[%get3A_1282] {strides = array<i32>} : memref<912xi32, #tpu.memory_space<vmem>>, vector<16xi32>,
      %get3A_1284 = vector.shape_cast %get3A_1283 : vector<16xi32> to vector<16xi32>
      %add3A_1285 = arith.constant 128 : i32
      %add3A_1286 = arith.addi %add3A_1285, %multiple_of3A_1279 : i32
      %get3A_1287 = arith.index_cast %add3A_1286 : i32 to index
      %get3A_1288 = tpu.vector_load %arg14[%get3A_1287] {strides = array<i32>} : memref<912xi32, #tpu.memory_space<vmem>>, vector<16xi32>,
      %get3A_1289 = vector.shape_cast %get3A_1288 : vector<16xi32> to vector<16xi32>
      %add3A_1290 = arith.constant 256 : i32
      %add3A_1291 = arith.addi %add3A_1290, %multiple_of3A_1279 : i32
      %get3A_1292 = arith.index_cast %add3A_1291 : i32 to index
      %get3A_1293 = tpu.vector_load %arg14[%get3A_1292] {strides = array<i32>} : memref<912xi32, #tpu.memory_space<vmem>>, vector<16xi32>,
      %get3A_1294 = vector.shape_cast %get3A_1293 : vector<16xi32> to vector<16xi32>
      %add3A_1295 = arith.constant 384 : i32
      %add3A_1296 = arith.addi %add3A_1295, %multiple_of3A_1279 : i32
      %get3A_1297 = arith.index_cast %add3A_1296 : i32 to index
      %get3A_1298 = tpu.vector_load %arg14[%get3A_1297] {strides = array<i32>} : memref<912xi32, #tpu.memory_space<vmem>>, vector<16xi32>,
      %get3A_1299 = vector.shape_cast %get3A_1298 : vector<16xi32> to vector<16xi32>
      %add3A_1300 = arith.constant 512 : i32
      %add3A_1301 = arith.addi %add3A_1300, %multiple_of3A_1279 : i32
      %get3A_1302 = arith.index_cast %add3A_1301 : i32 to index
      %get3A_1303 = tpu.vector_load %arg14[%get3A_1302] {strides = array<i32>} : memref<912xi32, #tpu.memory_space<vmem>>, vector<16xi32>,
      %get3A_1304 = vector.shape_cast %get3A_1303 : vector<16xi32> to vector<16xi32>
      %add3A_1305 = arith.constant 640 : i32
      %add3A_1306 = arith.addi %add3A_1305, %multiple_of3A_1279 : i32
      %get3A_1307 = arith.index_cast %add3A_1306 : i32 to index
      %get3A_1308 = tpu.vector_load %arg14[%get3A_1307] {strides = array<i32>} : memref<912xi32, #tpu.memory_space<vmem>>, vector<16xi32>,
      %get3A_1309 = vector.shape_cast %get3A_1308 : vector<16xi32> to vector<16xi32>
      %add3A_1310 = arith.constant 768 : i32
      %add3A_1311 = arith.addi %add3A_1310, %multiple_of3A_1279 : i32
      %get3A_1312 = arith.index_cast %add3A_1311 : i32 to index
      %get3A_1313 = tpu.vector_load %arg14[%get3A_1312] {strides = array<i32>} : memref<912xi32, #tpu.memory_space<vmem>>, vector<16xi32>,
      %get3A_1314 = vector.shape_cast %get3A_1313 : vector<16xi32> to vector<16xi32>
      %max3A_1315 = arith.maxsi %get3A_1284, %get3A_1289 : vector<16xi32>
      %sub3A_1316 = arith.constant 1 : i32
      %sub3A_1317 = vector.broadcast %sub3A_1316 : i32 to vector<16xi32>
      %sub3A_1318 = arith.subi %sub3A_1317, %max3A_1315 : vector<16xi32>
      %sub3A_1319 = arith.constant 1 : i32
      %sub3A_1320 = vector.broadcast %sub3A_1319 : i32 to vector<16xi32>
      %sub3A_1321 = arith.subi %sub3A_1320, %get3A_1284 : vector<16xi32>
      %mul3A_1322 = arith.muli %get3A_1299, %sub3A_1321 : vector<16xi32>
      %add3A_1323 = arith.addi %mul3A_1322, %sub3A_1318 : vector<16xi32>
      %add3A_1324 = arith.addi %get3A_1294, %sub3A_1318 : vector<16xi32>
      %add3A_1325 = arith.constant 1 : i32
      %add3A_1326 = vector.broadcast %add3A_1325 : i32 to vector<16xi32>
      %add3A_1327 = arith.addi %get3A_1314, %add3A_1326 : vector<16xi32>
      %mul3A_1328 = arith.muli %add3A_1327, %sub3A_1318 : vector<16xi32>
      %sub3A_1329 = arith.constant 29 : i32
      %sub3A_1330 = vector.broadcast %sub3A_1329 : i32 to vector<16xi32>
      %sub3A_1331 = arith.subi %add3A_1323, %sub3A_1330 : vector<16xi32>
      %min3A_1332 = arith.constant 1 : i32
      %min3A_1333 = vector.broadcast %min3A_1332 : i32 to vector<16xi32>
      %min3A_1334 = arith.minsi %sub3A_1331, %min3A_1333 : vector<16xi32>
      %max3A_1335 = arith.constant 0 : i32
      %max3A_1336 = vector.broadcast %max3A_1335 : i32 to vector<16xi32>
      %max3A_1337 = arith.maxsi %min3A_1334, %max3A_1336 : vector<16xi32>
      %add3A_1338 = arith.addi %get3A_1304, %max3A_1337 : vector<16xi32>
      %sub3A_1339 = arith.constant 1 : i32
      %sub3A_1340 = vector.broadcast %sub3A_1339 : i32 to vector<16xi32>
      %sub3A_1341 = arith.subi %sub3A_1340, %max3A_1337 : vector<16xi32>
      %mul3A_1342 = arith.muli %add3A_1323, %sub3A_1341 : vector<16xi32>
      %min3A_1343 = arith.minsi %add3A_1338, %get3A_1309 : vector<16xi32>
      %add3A_1344 = arith.constant 0 : i32
      %add3A_1345 = vector.broadcast %add3A_1344 : i32 to vector<16xi32>
      %add3A_1346 = arith.addi %add3A_1345, %iota3A : vector<16xi32>
      %mul3A_1347 = arith.constant 256 : i32
      %mul3A_1348 = vector.broadcast %mul3A_1347 : i32 to vector<16xi32>
      %mul3A_1349 = arith.muli %add3A_1346, %mul3A_1348 : vector<16xi32>
      %add3A_1350 = arith.addi %mul3A_1349, %min3A_1343 : vector<16xi32>
      %swap3A_1351 = arith.index_cast %multiple_of3A_1279 : i32 to index
      %swap3A_1352 = tpu.vector_load %arg15[%swap3A_1351] {strides = array<i32>} : memref<128xi32, #tpu.memory_space<vmem>>, vector<16xi32>,
      %swap3A_1353 = vector.shape_cast %swap3A_1352 : vector<16xi32> to vector<16xi32>
      %swap3A_1354 = vector.shape_cast %add3A_1338 : vector<16xi32> to vector<16xi32>
      tpu.vector_store %arg15[%swap3A_1351], %swap3A_1354 {strides = array<i32>} : memref<128xi32, #tpu.memory_space<vmem>>, vector<16xi32>,
      %dma_start3A_1355 = arith.constant 128 : i32
      %dma_start3A_1356 = tpu.memref_slice %arg12[%dma_start3A_1355] : memref<384xi32, #tpu.memory_space<hbm>> -> memref<128xi32, #tpu.memory_space<hbm>>
      %dma_start3A_1357 = arith.constant 128 : i32
      %dma_start3A_1358 = tpu.memref_slice %arg12[%dma_start3A_1357] : memref<384xi32, #tpu.memory_space<hbm>> -> memref<128xi32, #tpu.memory_space<hbm>>
      tpu.enqueue_dma source(%arg15 : memref<128xi32, #tpu.memory_space<vmem>>) target(%dma_start3A_1358 : memref<128xi32, #tpu.memory_space<hbm>>) target_semaphore(%arg26 : memref<!tpu.dma_semaphore, #tpu.memory_space<semaphore_mem>>)
    } else {
    }
    %eq3A_536 = arith.constant 3 : i32
    %eq3A_537 = arith.cmpi eq, %add3A, %eq3A_536 : i32
    %convert_element_type3A_538 = arith.extui %eq3A_537 : i1 to i32
    %cond3A_539 = arith.constant 0 : i32
    %cond3A_540 = arith.cmpi ne, %convert_element_type3A_538, %cond3A_539 : i32
    scf.if %cond3A_540 {
      %multiple_of3A_739 = arith.constant 0 : i32
      %multiple_of3A_740 = tpu.assume_multiple %multiple_of3A_739, 16 : i32
      %add3A_741 = arith.constant 0 : i32
      %add3A_742 = arith.addi %add3A_741, %multiple_of3A_740 : i32
      %get3A_743 = arith.index_cast %add3A_742 : i32 to index
      %get3A_744 = tpu.vector_load %arg14[%get3A_743] {strides = array<i32>} : memref<912xi32, #tpu.memory_space<vmem>>, vector<16xi32>,
      %get3A_745 = vector.shape_cast %get3A_744 : vector<16xi32> to vector<16xi32>
      %add3A_746 = arith.constant 128 : i32
      %add3A_747 = arith.addi %add3A_746, %multiple_of3A_740 : i32
      %get3A_748 = arith.index_cast %add3A_747 : i32 to index
      %get3A_749 = tpu.vector_load %arg14[%get3A_748] {strides = array<i32>} : memref<912xi32, #tpu.memory_space<vmem>>, vector<16xi32>,
      %get3A_750 = vector.shape_cast %get3A_749 : vector<16xi32> to vector<16xi32>
      %add3A_751 = arith.constant 256 : i32
      %add3A_752 = arith.addi %add3A_751, %multiple_of3A_740 : i32
      %get3A_753 = arith.index_cast %add3A_752 : i32 to index
      %get3A_754 = tpu.vector_load %arg14[%get3A_753] {strides = array<i32>} : memref<912xi32, #tpu.memory_space<vmem>>, vector<16xi32>,
      %get3A_755 = vector.shape_cast %get3A_754 : vector<16xi32> to vector<16xi32>
      %add3A_756 = arith.constant 384 : i32
      %add3A_757 = arith.addi %add3A_756, %multiple_of3A_740 : i32
      %get3A_758 = arith.index_cast %add3A_757 : i32 to index
      %get3A_759 = tpu.vector_load %arg14[%get3A_758] {strides = array<i32>} : memref<912xi32, #tpu.memory_space<vmem>>, vector<16xi32>,
      %get3A_760 = vector.shape_cast %get3A_759 : vector<16xi32> to vector<16xi32>
      %add3A_761 = arith.constant 512 : i32
      %add3A_762 = arith.addi %add3A_761, %multiple_of3A_740 : i32
      %get3A_763 = arith.index_cast %add3A_762 : i32 to index
      %get3A_764 = tpu.vector_load %arg14[%get3A_763] {strides = array<i32>} : memref<912xi32, #tpu.memory_space<vmem>>, vector<16xi32>,
      %get3A_765 = vector.shape_cast %get3A_764 : vector<16xi32> to vector<16xi32>
      %add3A_766 = arith.constant 640 : i32
      %add3A_767 = arith.addi %add3A_766, %multiple_of3A_740 : i32
      %get3A_768 = arith.index_cast %add3A_767 : i32 to index
      %get3A_769 = tpu.vector_load %arg14[%get3A_768] {strides = array<i32>} : memref<912xi32, #tpu.memory_space<vmem>>, vector<16xi32>,
      %get3A_770 = vector.shape_cast %get3A_769 : vector<16xi32> to vector<16xi32>
      %add3A_771 = arith.constant 768 : i32
      %add3A_772 = arith.addi %add3A_771, %multiple_of3A_740 : i32
      %get3A_773 = arith.index_cast %add3A_772 : i32 to index
      %get3A_774 = tpu.vector_load %arg14[%get3A_773] {strides = array<i32>} : memref<912xi32, #tpu.memory_space<vmem>>, vector<16xi32>,
      %get3A_775 = vector.shape_cast %get3A_774 : vector<16xi32> to vector<16xi32>
      %max3A_776 = arith.maxsi %get3A_745, %get3A_750 : vector<16xi32>
      %sub3A_777 = arith.constant 1 : i32
      %sub3A_778 = vector.broadcast %sub3A_777 : i32 to vector<16xi32>
      %sub3A_779 = arith.subi %sub3A_778, %max3A_776 : vector<16xi32>
      %sub3A_780 = arith.constant 1 : i32
      %sub3A_781 = vector.broadcast %sub3A_780 : i32 to vector<16xi32>
      %sub3A_782 = arith.subi %sub3A_781, %get3A_745 : vector<16xi32>
      %mul3A_783 = arith.muli %get3A_760, %sub3A_782 : vector<16xi32>
      %add3A_784 = arith.addi %mul3A_783, %sub3A_779 : vector<16xi32>
      %add3A_785 = arith.addi %get3A_755, %sub3A_779 : vector<16xi32>
      %add3A_786 = arith.constant 1 : i32
      %add3A_787 = vector.broadcast %add3A_786 : i32 to vector<16xi32>
      %add3A_788 = arith.addi %get3A_775, %add3A_787 : vector<16xi32>
      %mul3A_789 = arith.muli %add3A_788, %sub3A_779 : vector<16xi32>
      %sub3A_790 = arith.constant 29 : i32
      %sub3A_791 = vector.broadcast %sub3A_790 : i32 to vector<16xi32>
      %sub3A_792 = arith.subi %add3A_784, %sub3A_791 : vector<16xi32>
      %min3A_793 = arith.constant 1 : i32
      %min3A_794 = vector.broadcast %min3A_793 : i32 to vector<16xi32>
      %min3A_795 = arith.minsi %sub3A_792, %min3A_794 : vector<16xi32>
      %max3A_796 = arith.constant 0 : i32
      %max3A_797 = vector.broadcast %max3A_796 : i32 to vector<16xi32>
      %max3A_798 = arith.maxsi %min3A_795, %max3A_797 : vector<16xi32>
      %add3A_799 = arith.addi %get3A_765, %max3A_798 : vector<16xi32>
      %sub3A_800 = arith.constant 1 : i32
      %sub3A_801 = vector.broadcast %sub3A_800 : i32 to vector<16xi32>
      %sub3A_802 = arith.subi %sub3A_801, %max3A_798 : vector<16xi32>
      %mul3A_803 = arith.muli %add3A_784, %sub3A_802 : vector<16xi32>
      %min3A_804 = arith.minsi %add3A_799, %get3A_770 : vector<16xi32>
      %add3A_805 = arith.constant 0 : i32
      %add3A_806 = vector.broadcast %add3A_805 : i32 to vector<16xi32>
      %add3A_807 = arith.addi %add3A_806, %iota3A : vector<16xi32>
      %mul3A_808 = arith.constant 256 : i32
      %mul3A_809 = vector.broadcast %mul3A_808 : i32 to vector<16xi32>
      %mul3A_810 = arith.muli %add3A_807, %mul3A_809 : vector<16xi32>
      %add3A_811 = arith.addi %mul3A_810, %min3A_804 : vector<16xi32>
      %swap3A_812 = arith.index_cast %multiple_of3A_740 : i32 to index
      %swap3A_813 = tpu.vector_load %arg15[%swap3A_812] {strides = array<i32>} : memref<128xi32, #tpu.memory_space<vmem>>, vector<16xi32>,
      %swap3A_814 = vector.shape_cast %swap3A_813 : vector<16xi32> to vector<16xi32>
      %swap3A_815 = vector.shape_cast %mul3A_803 : vector<16xi32> to vector<16xi32>
      tpu.vector_store %arg15[%swap3A_812], %swap3A_815 {strides = array<i32>} : memref<128xi32, #tpu.memory_space<vmem>>, vector<16xi32>,
      %multiple_of3A_816 = arith.constant 16 : i32
      %multiple_of3A_817 = tpu.assume_multiple %multiple_of3A_816, 16 : i32
      %add3A_818 = arith.constant 0 : i32
      %add3A_819 = arith.addi %add3A_818, %multiple_of3A_817 : i32
      %get3A_820 = arith.index_cast %add3A_819 : i32 to index
      %get3A_821 = tpu.vector_load %arg14[%get3A_820] {strides = array<i32>} : memref<912xi32, #tpu.memory_space<vmem>>, vector<16xi32>,
      %get3A_822 = vector.shape_cast %get3A_821 : vector<16xi32> to vector<16xi32>
      %add3A_823 = arith.constant 128 : i32
      %add3A_824 = arith.addi %add3A_823, %multiple_of3A_817 : i32
      %get3A_825 = arith.index_cast %add3A_824 : i32 to index
      %get3A_826 = tpu.vector_load %arg14[%get3A_825] {strides = array<i32>} : memref<912xi32, #tpu.memory_space<vmem>>, vector<16xi32>,
      %get3A_827 = vector.shape_cast %get3A_826 : vector<16xi32> to vector<16xi32>
      %add3A_828 = arith.constant 256 : i32
      %add3A_829 = arith.addi %add3A_828, %multiple_of3A_817 : i32
      %get3A_830 = arith.index_cast %add3A_829 : i32 to index
      %get3A_831 = tpu.vector_load %arg14[%get3A_830] {strides = array<i32>} : memref<912xi32, #tpu.memory_space<vmem>>, vector<16xi32>,
      %get3A_832 = vector.shape_cast %get3A_831 : vector<16xi32> to vector<16xi32>
      %add3A_833 = arith.constant 384 : i32
      %add3A_834 = arith.addi %add3A_833, %multiple_of3A_817 : i32
      %get3A_835 = arith.index_cast %add3A_834 : i32 to index
      %get3A_836 = tpu.vector_load %arg14[%get3A_835] {strides = array<i32>} : memref<912xi32, #tpu.memory_space<vmem>>, vector<16xi32>,
      %get3A_837 = vector.shape_cast %get3A_836 : vector<16xi32> to vector<16xi32>
      %add3A_838 = arith.constant 512 : i32
      %add3A_839 = arith.addi %add3A_838, %multiple_of3A_817 : i32
      %get3A_840 = arith.index_cast %add3A_839 : i32 to index
      %get3A_841 = tpu.vector_load %arg14[%get3A_840] {strides = array<i32>} : memref<912xi32, #tpu.memory_space<vmem>>, vector<16xi32>,
      %get3A_842 = vector.shape_cast %get3A_841 : vector<16xi32> to vector<16xi32>
      %add3A_843 = arith.constant 640 : i32
      %add3A_844 = arith.addi %add3A_843, %multiple_of3A_817 : i32
      %get3A_845 = arith.index_cast %add3A_844 : i32 to index
      %get3A_846 = tpu.vector_load %arg14[%get3A_845] {strides = array<i32>} : memref<912xi32, #tpu.memory_space<vmem>>, vector<16xi32>,
      %get3A_847 = vector.shape_cast %get3A_846 : vector<16xi32> to vector<16xi32>
      %add3A_848 = arith.constant 768 : i32
      %add3A_849 = arith.addi %add3A_848, %multiple_of3A_817 : i32
      %get3A_850 = arith.index_cast %add3A_849 : i32 to index
      %get3A_851 = tpu.vector_load %arg14[%get3A_850] {strides = array<i32>} : memref<912xi32, #tpu.memory_space<vmem>>, vector<16xi32>,
      %get3A_852 = vector.shape_cast %get3A_851 : vector<16xi32> to vector<16xi32>
      %max3A_853 = arith.maxsi %get3A_822, %get3A_827 : vector<16xi32>
      %sub3A_854 = arith.constant 1 : i32
      %sub3A_855 = vector.broadcast %sub3A_854 : i32 to vector<16xi32>
      %sub3A_856 = arith.subi %sub3A_855, %max3A_853 : vector<16xi32>
      %sub3A_857 = arith.constant 1 : i32
      %sub3A_858 = vector.broadcast %sub3A_857 : i32 to vector<16xi32>
      %sub3A_859 = arith.subi %sub3A_858, %get3A_822 : vector<16xi32>
      %mul3A_860 = arith.muli %get3A_837, %sub3A_859 : vector<16xi32>
      %add3A_861 = arith.addi %mul3A_860, %sub3A_856 : vector<16xi32>
      %add3A_862 = arith.addi %get3A_832, %sub3A_856 : vector<16xi32>
      %add3A_863 = arith.constant 1 : i32
      %add3A_864 = vector.broadcast %add3A_863 : i32 to vector<16xi32>
      %add3A_865 = arith.addi %get3A_852, %add3A_864 : vector<16xi32>
      %mul3A_866 = arith.muli %add3A_865, %sub3A_856 : vector<16xi32>
      %sub3A_867 = arith.constant 29 : i32
      %sub3A_868 = vector.broadcast %sub3A_867 : i32 to vector<16xi32>
      %sub3A_869 = arith.subi %add3A_861, %sub3A_868 : vector<16xi32>
      %min3A_870 = arith.constant 1 : i32
      %min3A_871 = vector.broadcast %min3A_870 : i32 to vector<16xi32>
      %min3A_872 = arith.minsi %sub3A_869, %min3A_871 : vector<16xi32>
      %max3A_873 = arith.constant 0 : i32
      %max3A_874 = vector.broadcast %max3A_873 : i32 to vector<16xi32>
      %max3A_875 = arith.maxsi %min3A_872, %max3A_874 : vector<16xi32>
      %add3A_876 = arith.addi %get3A_842, %max3A_875 : vector<16xi32>
      %sub3A_877 = arith.constant 1 : i32
      %sub3A_878 = vector.broadcast %sub3A_877 : i32 to vector<16xi32>
      %sub3A_879 = arith.subi %sub3A_878, %max3A_875 : vector<16xi32>
      %mul3A_880 = arith.muli %add3A_861, %sub3A_879 : vector<16xi32>
      %min3A_881 = arith.minsi %add3A_876, %get3A_847 : vector<16xi32>
      %add3A_882 = arith.constant 0 : i32
      %add3A_883 = vector.broadcast %add3A_882 : i32 to vector<16xi32>
      %add3A_884 = arith.addi %add3A_883, %iota3A : vector<16xi32>
      %mul3A_885 = arith.constant 256 : i32
      %mul3A_886 = vector.broadcast %mul3A_885 : i32 to vector<16xi32>
      %mul3A_887 = arith.muli %add3A_884, %mul3A_886 : vector<16xi32>
      %add3A_888 = arith.addi %mul3A_887, %min3A_881 : vector<16xi32>
      %swap3A_889 = arith.index_cast %multiple_of3A_817 : i32 to index
      %swap3A_890 = tpu.vector_load %arg15[%swap3A_889] {strides = array<i32>} : memref<128xi32, #tpu.memory_space<vmem>>, vector<16xi32>,
      %swap3A_891 = vector.shape_cast %swap3A_890 : vector<16xi32> to vector<16xi32>
      %swap3A_892 = vector.shape_cast %mul3A_880 : vector<16xi32> to vector<16xi32>
      tpu.vector_store %arg15[%swap3A_889], %swap3A_892 {strides = array<i32>} : memref<128xi32, #tpu.memory_space<vmem>>, vector<16xi32>,
      %multiple_of3A_893 = arith.constant 32 : i32
      %multiple_of3A_894 = tpu.assume_multiple %multiple_of3A_893, 16 : i32
      %add3A_895 = arith.constant 0 : i32
      %add3A_896 = arith.addi %add3A_895, %multiple_of3A_894 : i32
      %get3A_897 = arith.index_cast %add3A_896 : i32 to index
      %get3A_898 = tpu.vector_load %arg14[%get3A_897] {strides = array<i32>} : memref<912xi32, #tpu.memory_space<vmem>>, vector<16xi32>,
      %get3A_899 = vector.shape_cast %get3A_898 : vector<16xi32> to vector<16xi32>
      %add3A_900 = arith.constant 128 : i32
      %add3A_901 = arith.addi %add3A_900, %multiple_of3A_894 : i32
      %get3A_902 = arith.index_cast %add3A_901 : i32 to index
      %get3A_903 = tpu.vector_load %arg14[%get3A_902] {strides = array<i32>} : memref<912xi32, #tpu.memory_space<vmem>>, vector<16xi32>,
      %get3A_904 = vector.shape_cast %get3A_903 : vector<16xi32> to vector<16xi32>
      %add3A_905 = arith.constant 256 : i32
      %add3A_906 = arith.addi %add3A_905, %multiple_of3A_894 : i32
      %get3A_907 = arith.index_cast %add3A_906 : i32 to index
      %get3A_908 = tpu.vector_load %arg14[%get3A_907] {strides = array<i32>} : memref<912xi32, #tpu.memory_space<vmem>>, vector<16xi32>,
      %get3A_909 = vector.shape_cast %get3A_908 : vector<16xi32> to vector<16xi32>
      %add3A_910 = arith.constant 384 : i32
      %add3A_911 = arith.addi %add3A_910, %multiple_of3A_894 : i32
      %get3A_912 = arith.index_cast %add3A_911 : i32 to index
      %get3A_913 = tpu.vector_load %arg14[%get3A_912] {strides = array<i32>} : memref<912xi32, #tpu.memory_space<vmem>>, vector<16xi32>,
      %get3A_914 = vector.shape_cast %get3A_913 : vector<16xi32> to vector<16xi32>
      %add3A_915 = arith.constant 512 : i32
      %add3A_916 = arith.addi %add3A_915, %multiple_of3A_894 : i32
      %get3A_917 = arith.index_cast %add3A_916 : i32 to index
      %get3A_918 = tpu.vector_load %arg14[%get3A_917] {strides = array<i32>} : memref<912xi32, #tpu.memory_space<vmem>>, vector<16xi32>,
      %get3A_919 = vector.shape_cast %get3A_918 : vector<16xi32> to vector<16xi32>
      %add3A_920 = arith.constant 640 : i32
      %add3A_921 = arith.addi %add3A_920, %multiple_of3A_894 : i32
      %get3A_922 = arith.index_cast %add3A_921 : i32 to index
      %get3A_923 = tpu.vector_load %arg14[%get3A_922] {strides = array<i32>} : memref<912xi32, #tpu.memory_space<vmem>>, vector<16xi32>,
      %get3A_924 = vector.shape_cast %get3A_923 : vector<16xi32> to vector<16xi32>
      %add3A_925 = arith.constant 768 : i32
      %add3A_926 = arith.addi %add3A_925, %multiple_of3A_894 : i32
      %get3A_927 = arith.index_cast %add3A_926 : i32 to index
      %get3A_928 = tpu.vector_load %arg14[%get3A_927] {strides = array<i32>} : memref<912xi32, #tpu.memory_space<vmem>>, vector<16xi32>,
      %get3A_929 = vector.shape_cast %get3A_928 : vector<16xi32> to vector<16xi32>
      %max3A_930 = arith.maxsi %get3A_899, %get3A_904 : vector<16xi32>
      %sub3A_931 = arith.constant 1 : i32
      %sub3A_932 = vector.broadcast %sub3A_931 : i32 to vector<16xi32>
      %sub3A_933 = arith.subi %sub3A_932, %max3A_930 : vector<16xi32>
      %sub3A_934 = arith.constant 1 : i32
      %sub3A_935 = vector.broadcast %sub3A_934 : i32 to vector<16xi32>
      %sub3A_936 = arith.subi %sub3A_935, %get3A_899 : vector<16xi32>
      %mul3A_937 = arith.muli %get3A_914, %sub3A_936 : vector<16xi32>
      %add3A_938 = arith.addi %mul3A_937, %sub3A_933 : vector<16xi32>
      %add3A_939 = arith.addi %get3A_909, %sub3A_933 : vector<16xi32>
      %add3A_940 = arith.constant 1 : i32
      %add3A_941 = vector.broadcast %add3A_940 : i32 to vector<16xi32>
      %add3A_942 = arith.addi %get3A_929, %add3A_941 : vector<16xi32>
      %mul3A_943 = arith.muli %add3A_942, %sub3A_933 : vector<16xi32>
      %sub3A_944 = arith.constant 29 : i32
      %sub3A_945 = vector.broadcast %sub3A_944 : i32 to vector<16xi32>
      %sub3A_946 = arith.subi %add3A_938, %sub3A_945 : vector<16xi32>
      %min3A_947 = arith.constant 1 : i32
      %min3A_948 = vector.broadcast %min3A_947 : i32 to vector<16xi32>
      %min3A_949 = arith.minsi %sub3A_946, %min3A_948 : vector<16xi32>
      %max3A_950 = arith.constant 0 : i32
      %max3A_951 = vector.broadcast %max3A_950 : i32 to vector<16xi32>
      %max3A_952 = arith.maxsi %min3A_949, %max3A_951 : vector<16xi32>
      %add3A_953 = arith.addi %get3A_919, %max3A_952 : vector<16xi32>
      %sub3A_954 = arith.constant 1 : i32
      %sub3A_955 = vector.broadcast %sub3A_954 : i32 to vector<16xi32>
      %sub3A_956 = arith.subi %sub3A_955, %max3A_952 : vector<16xi32>
      %mul3A_957 = arith.muli %add3A_938, %sub3A_956 : vector<16xi32>
      %min3A_958 = arith.minsi %add3A_953, %get3A_924 : vector<16xi32>
      %add3A_959 = arith.constant 0 : i32
      %add3A_960 = vector.broadcast %add3A_959 : i32 to vector<16xi32>
      %add3A_961 = arith.addi %add3A_960, %iota3A : vector<16xi32>
      %mul3A_962 = arith.constant 256 : i32
      %mul3A_963 = vector.broadcast %mul3A_962 : i32 to vector<16xi32>
      %mul3A_964 = arith.muli %add3A_961, %mul3A_963 : vector<16xi32>
      %add3A_965 = arith.addi %mul3A_964, %min3A_958 : vector<16xi32>
      %swap3A_966 = arith.index_cast %multiple_of3A_894 : i32 to index
      %swap3A_967 = tpu.vector_load %arg15[%swap3A_966] {strides = array<i32>} : memref<128xi32, #tpu.memory_space<vmem>>, vector<16xi32>,
      %swap3A_968 = vector.shape_cast %swap3A_967 : vector<16xi32> to vector<16xi32>
      %swap3A_969 = vector.shape_cast %mul3A_957 : vector<16xi32> to vector<16xi32>
      tpu.vector_store %arg15[%swap3A_966], %swap3A_969 {strides = array<i32>} : memref<128xi32, #tpu.memory_space<vmem>>, vector<16xi32>,
      %multiple_of3A_970 = arith.constant 48 : i32
      %multiple_of3A_971 = tpu.assume_multiple %multiple_of3A_970, 16 : i32
      %add3A_972 = arith.constant 0 : i32
      %add3A_973 = arith.addi %add3A_972, %multiple_of3A_971 : i32
      %get3A_974 = arith.index_cast %add3A_973 : i32 to index
      %get3A_975 = tpu.vector_load %arg14[%get3A_974] {strides = array<i32>} : memref<912xi32, #tpu.memory_space<vmem>>, vector<16xi32>,
      %get3A_976 = vector.shape_cast %get3A_975 : vector<16xi32> to vector<16xi32>
      %add3A_977 = arith.constant 128 : i32
      %add3A_978 = arith.addi %add3A_977, %multiple_of3A_971 : i32
      %get3A_979 = arith.index_cast %add3A_978 : i32 to index
      %get3A_980 = tpu.vector_load %arg14[%get3A_979] {strides = array<i32>} : memref<912xi32, #tpu.memory_space<vmem>>, vector<16xi32>,
      %get3A_981 = vector.shape_cast %get3A_980 : vector<16xi32> to vector<16xi32>
      %add3A_982 = arith.constant 256 : i32
      %add3A_983 = arith.addi %add3A_982, %multiple_of3A_971 : i32
      %get3A_984 = arith.index_cast %add3A_983 : i32 to index
      %get3A_985 = tpu.vector_load %arg14[%get3A_984] {strides = array<i32>} : memref<912xi32, #tpu.memory_space<vmem>>, vector<16xi32>,
      %get3A_986 = vector.shape_cast %get3A_985 : vector<16xi32> to vector<16xi32>
      %add3A_987 = arith.constant 384 : i32
      %add3A_988 = arith.addi %add3A_987, %multiple_of3A_971 : i32
      %get3A_989 = arith.index_cast %add3A_988 : i32 to index
      %get3A_990 = tpu.vector_load %arg14[%get3A_989] {strides = array<i32>} : memref<912xi32, #tpu.memory_space<vmem>>, vector<16xi32>,
      %get3A_991 = vector.shape_cast %get3A_990 : vector<16xi32> to vector<16xi32>
      %add3A_992 = arith.constant 512 : i32
      %add3A_993 = arith.addi %add3A_992, %multiple_of3A_971 : i32
      %get3A_994 = arith.index_cast %add3A_993 : i32 to index
      %get3A_995 = tpu.vector_load %arg14[%get3A_994] {strides = array<i32>} : memref<912xi32, #tpu.memory_space<vmem>>, vector<16xi32>,
      %get3A_996 = vector.shape_cast %get3A_995 : vector<16xi32> to vector<16xi32>
      %add3A_997 = arith.constant 640 : i32
      %add3A_998 = arith.addi %add3A_997, %multiple_of3A_971 : i32
      %get3A_999 = arith.index_cast %add3A_998 : i32 to index
      %get3A_1000 = tpu.vector_load %arg14[%get3A_999] {strides = array<i32>} : memref<912xi32, #tpu.memory_space<vmem>>, vector<16xi32>,
      %get3A_1001 = vector.shape_cast %get3A_1000 : vector<16xi32> to vector<16xi32>
      %add3A_1002 = arith.constant 768 : i32
      %add3A_1003 = arith.addi %add3A_1002, %multiple_of3A_971 : i32
      %get3A_1004 = arith.index_cast %add3A_1003 : i32 to index
      %get3A_1005 = tpu.vector_load %arg14[%get3A_1004] {strides = array<i32>} : memref<912xi32, #tpu.memory_space<vmem>>, vector<16xi32>,
      %get3A_1006 = vector.shape_cast %get3A_1005 : vector<16xi32> to vector<16xi32>
      %max3A_1007 = arith.maxsi %get3A_976, %get3A_981 : vector<16xi32>
      %sub3A_1008 = arith.constant 1 : i32
      %sub3A_1009 = vector.broadcast %sub3A_1008 : i32 to vector<16xi32>
      %sub3A_1010 = arith.subi %sub3A_1009, %max3A_1007 : vector<16xi32>
      %sub3A_1011 = arith.constant 1 : i32
      %sub3A_1012 = vector.broadcast %sub3A_1011 : i32 to vector<16xi32>
      %sub3A_1013 = arith.subi %sub3A_1012, %get3A_976 : vector<16xi32>
      %mul3A_1014 = arith.muli %get3A_991, %sub3A_1013 : vector<16xi32>
      %add3A_1015 = arith.addi %mul3A_1014, %sub3A_1010 : vector<16xi32>
      %add3A_1016 = arith.addi %get3A_986, %sub3A_1010 : vector<16xi32>
      %add3A_1017 = arith.constant 1 : i32
      %add3A_1018 = vector.broadcast %add3A_1017 : i32 to vector<16xi32>
      %add3A_1019 = arith.addi %get3A_1006, %add3A_1018 : vector<16xi32>
      %mul3A_1020 = arith.muli %add3A_1019, %sub3A_1010 : vector<16xi32>
      %sub3A_1021 = arith.constant 29 : i32
      %sub3A_1022 = vector.broadcast %sub3A_1021 : i32 to vector<16xi32>
      %sub3A_1023 = arith.subi %add3A_1015, %sub3A_1022 : vector<16xi32>
      %min3A_1024 = arith.constant 1 : i32
      %min3A_1025 = vector.broadcast %min3A_1024 : i32 to vector<16xi32>
      %min3A_1026 = arith.minsi %sub3A_1023, %min3A_1025 : vector<16xi32>
      %max3A_1027 = arith.constant 0 : i32
      %max3A_1028 = vector.broadcast %max3A_1027 : i32 to vector<16xi32>
      %max3A_1029 = arith.maxsi %min3A_1026, %max3A_1028 : vector<16xi32>
      %add3A_1030 = arith.addi %get3A_996, %max3A_1029 : vector<16xi32>
      %sub3A_1031 = arith.constant 1 : i32
      %sub3A_1032 = vector.broadcast %sub3A_1031 : i32 to vector<16xi32>
      %sub3A_1033 = arith.subi %sub3A_1032, %max3A_1029 : vector<16xi32>
      %mul3A_1034 = arith.muli %add3A_1015, %sub3A_1033 : vector<16xi32>
      %min3A_1035 = arith.minsi %add3A_1030, %get3A_1001 : vector<16xi32>
      %add3A_1036 = arith.constant 0 : i32
      %add3A_1037 = vector.broadcast %add3A_1036 : i32 to vector<16xi32>
      %add3A_1038 = arith.addi %add3A_1037, %iota3A : vector<16xi32>
      %mul3A_1039 = arith.constant 256 : i32
      %mul3A_1040 = vector.broadcast %mul3A_1039 : i32 to vector<16xi32>
      %mul3A_1041 = arith.muli %add3A_1038, %mul3A_1040 : vector<16xi32>
      %add3A_1042 = arith.addi %mul3A_1041, %min3A_1035 : vector<16xi32>
      %swap3A_1043 = arith.index_cast %multiple_of3A_971 : i32 to index
      %swap3A_1044 = tpu.vector_load %arg15[%swap3A_1043] {strides = array<i32>} : memref<128xi32, #tpu.memory_space<vmem>>, vector<16xi32>,
      %swap3A_1045 = vector.shape_cast %swap3A_1044 : vector<16xi32> to vector<16xi32>
      %swap3A_1046 = vector.shape_cast %mul3A_1034 : vector<16xi32> to vector<16xi32>
      tpu.vector_store %arg15[%swap3A_1043], %swap3A_1046 {strides = array<i32>} : memref<128xi32, #tpu.memory_space<vmem>>, vector<16xi32>,
      %multiple_of3A_1047 = arith.constant 64 : i32
      %multiple_of3A_1048 = tpu.assume_multiple %multiple_of3A_1047, 16 : i32
      %add3A_1049 = arith.constant 0 : i32
      %add3A_1050 = arith.addi %add3A_1049, %multiple_of3A_1048 : i32
      %get3A_1051 = arith.index_cast %add3A_1050 : i32 to index
      %get3A_1052 = tpu.vector_load %arg14[%get3A_1051] {strides = array<i32>} : memref<912xi32, #tpu.memory_space<vmem>>, vector<16xi32>,
      %get3A_1053 = vector.shape_cast %get3A_1052 : vector<16xi32> to vector<16xi32>
      %add3A_1054 = arith.constant 128 : i32
      %add3A_1055 = arith.addi %add3A_1054, %multiple_of3A_1048 : i32
      %get3A_1056 = arith.index_cast %add3A_1055 : i32 to index
      %get3A_1057 = tpu.vector_load %arg14[%get3A_1056] {strides = array<i32>} : memref<912xi32, #tpu.memory_space<vmem>>, vector<16xi32>,
      %get3A_1058 = vector.shape_cast %get3A_1057 : vector<16xi32> to vector<16xi32>
      %add3A_1059 = arith.constant 256 : i32
      %add3A_1060 = arith.addi %add3A_1059, %multiple_of3A_1048 : i32
      %get3A_1061 = arith.index_cast %add3A_1060 : i32 to index
      %get3A_1062 = tpu.vector_load %arg14[%get3A_1061] {strides = array<i32>} : memref<912xi32, #tpu.memory_space<vmem>>, vector<16xi32>,
      %get3A_1063 = vector.shape_cast %get3A_1062 : vector<16xi32> to vector<16xi32>
      %add3A_1064 = arith.constant 384 : i32
      %add3A_1065 = arith.addi %add3A_1064, %multiple_of3A_1048 : i32
      %get3A_1066 = arith.index_cast %add3A_1065 : i32 to index
      %get3A_1067 = tpu.vector_load %arg14[%get3A_1066] {strides = array<i32>} : memref<912xi32, #tpu.memory_space<vmem>>, vector<16xi32>,
      %get3A_1068 = vector.shape_cast %get3A_1067 : vector<16xi32> to vector<16xi32>
      %add3A_1069 = arith.constant 512 : i32
      %add3A_1070 = arith.addi %add3A_1069, %multiple_of3A_1048 : i32
      %get3A_1071 = arith.index_cast %add3A_1070 : i32 to index
      %get3A_1072 = tpu.vector_load %arg14[%get3A_1071] {strides = array<i32>} : memref<912xi32, #tpu.memory_space<vmem>>, vector<16xi32>,
      %get3A_1073 = vector.shape_cast %get3A_1072 : vector<16xi32> to vector<16xi32>
      %add3A_1074 = arith.constant 640 : i32
      %add3A_1075 = arith.addi %add3A_1074, %multiple_of3A_1048 : i32
      %get3A_1076 = arith.index_cast %add3A_1075 : i32 to index
      %get3A_1077 = tpu.vector_load %arg14[%get3A_1076] {strides = array<i32>} : memref<912xi32, #tpu.memory_space<vmem>>, vector<16xi32>,
      %get3A_1078 = vector.shape_cast %get3A_1077 : vector<16xi32> to vector<16xi32>
      %add3A_1079 = arith.constant 768 : i32
      %add3A_1080 = arith.addi %add3A_1079, %multiple_of3A_1048 : i32
      %get3A_1081 = arith.index_cast %add3A_1080 : i32 to index
      %get3A_1082 = tpu.vector_load %arg14[%get3A_1081] {strides = array<i32>} : memref<912xi32, #tpu.memory_space<vmem>>, vector<16xi32>,
      %get3A_1083 = vector.shape_cast %get3A_1082 : vector<16xi32> to vector<16xi32>
      %max3A_1084 = arith.maxsi %get3A_1053, %get3A_1058 : vector<16xi32>
      %sub3A_1085 = arith.constant 1 : i32
      %sub3A_1086 = vector.broadcast %sub3A_1085 : i32 to vector<16xi32>
      %sub3A_1087 = arith.subi %sub3A_1086, %max3A_1084 : vector<16xi32>
      %sub3A_1088 = arith.constant 1 : i32
      %sub3A_1089 = vector.broadcast %sub3A_1088 : i32 to vector<16xi32>
      %sub3A_1090 = arith.subi %sub3A_1089, %get3A_1053 : vector<16xi32>
      %mul3A_1091 = arith.muli %get3A_1068, %sub3A_1090 : vector<16xi32>
      %add3A_1092 = arith.addi %mul3A_1091, %sub3A_1087 : vector<16xi32>
      %add3A_1093 = arith.addi %get3A_1063, %sub3A_1087 : vector<16xi32>
      %add3A_1094 = arith.constant 1 : i32
      %add3A_1095 = vector.broadcast %add3A_1094 : i32 to vector<16xi32>
      %add3A_1096 = arith.addi %get3A_1083, %add3A_1095 : vector<16xi32>
      %mul3A_1097 = arith.muli %add3A_1096, %sub3A_1087 : vector<16xi32>
      %sub3A_1098 = arith.constant 29 : i32
      %sub3A_1099 = vector.broadcast %sub3A_1098 : i32 to vector<16xi32>
      %sub3A_1100 = arith.subi %add3A_1092, %sub3A_1099 : vector<16xi32>
      %min3A_1101 = arith.constant 1 : i32
      %min3A_1102 = vector.broadcast %min3A_1101 : i32 to vector<16xi32>
      %min3A_1103 = arith.minsi %sub3A_1100, %min3A_1102 : vector<16xi32>
      %max3A_1104 = arith.constant 0 : i32
      %max3A_1105 = vector.broadcast %max3A_1104 : i32 to vector<16xi32>
      %max3A_1106 = arith.maxsi %min3A_1103, %max3A_1105 : vector<16xi32>
      %add3A_1107 = arith.addi %get3A_1073, %max3A_1106 : vector<16xi32>
      %sub3A_1108 = arith.constant 1 : i32
      %sub3A_1109 = vector.broadcast %sub3A_1108 : i32 to vector<16xi32>
      %sub3A_1110 = arith.subi %sub3A_1109, %max3A_1106 : vector<16xi32>
      %mul3A_1111 = arith.muli %add3A_1092, %sub3A_1110 : vector<16xi32>
      %min3A_1112 = arith.minsi %add3A_1107, %get3A_1078 : vector<16xi32>
      %add3A_1113 = arith.constant 0 : i32
      %add3A_1114 = vector.broadcast %add3A_1113 : i32 to vector<16xi32>
      %add3A_1115 = arith.addi %add3A_1114, %iota3A : vector<16xi32>
      %mul3A_1116 = arith.constant 256 : i32
      %mul3A_1117 = vector.broadcast %mul3A_1116 : i32 to vector<16xi32>
      %mul3A_1118 = arith.muli %add3A_1115, %mul3A_1117 : vector<16xi32>
      %add3A_1119 = arith.addi %mul3A_1118, %min3A_1112 : vector<16xi32>
      %swap3A_1120 = arith.index_cast %multiple_of3A_1048 : i32 to index
      %swap3A_1121 = tpu.vector_load %arg15[%swap3A_1120] {strides = array<i32>} : memref<128xi32, #tpu.memory_space<vmem>>, vector<16xi32>,
      %swap3A_1122 = vector.shape_cast %swap3A_1121 : vector<16xi32> to vector<16xi32>
      %swap3A_1123 = vector.shape_cast %mul3A_1111 : vector<16xi32> to vector<16xi32>
      tpu.vector_store %arg15[%swap3A_1120], %swap3A_1123 {strides = array<i32>} : memref<128xi32, #tpu.memory_space<vmem>>, vector<16xi32>,
      %multiple_of3A_1124 = arith.constant 80 : i32
      %multiple_of3A_1125 = tpu.assume_multiple %multiple_of3A_1124, 16 : i32
      %add3A_1126 = arith.constant 0 : i32
      %add3A_1127 = arith.addi %add3A_1126, %multiple_of3A_1125 : i32
      %get3A_1128 = arith.index_cast %add3A_1127 : i32 to index
      %get3A_1129 = tpu.vector_load %arg14[%get3A_1128] {strides = array<i32>} : memref<912xi32, #tpu.memory_space<vmem>>, vector<16xi32>,
      %get3A_1130 = vector.shape_cast %get3A_1129 : vector<16xi32> to vector<16xi32>
      %add3A_1131 = arith.constant 128 : i32
      %add3A_1132 = arith.addi %add3A_1131, %multiple_of3A_1125 : i32
      %get3A_1133 = arith.index_cast %add3A_1132 : i32 to index
      %get3A_1134 = tpu.vector_load %arg14[%get3A_1133] {strides = array<i32>} : memref<912xi32, #tpu.memory_space<vmem>>, vector<16xi32>,
      %get3A_1135 = vector.shape_cast %get3A_1134 : vector<16xi32> to vector<16xi32>
      %add3A_1136 = arith.constant 256 : i32
      %add3A_1137 = arith.addi %add3A_1136, %multiple_of3A_1125 : i32
      %get3A_1138 = arith.index_cast %add3A_1137 : i32 to index
      %get3A_1139 = tpu.vector_load %arg14[%get3A_1138] {strides = array<i32>} : memref<912xi32, #tpu.memory_space<vmem>>, vector<16xi32>,
      %get3A_1140 = vector.shape_cast %get3A_1139 : vector<16xi32> to vector<16xi32>
      %add3A_1141 = arith.constant 384 : i32
      %add3A_1142 = arith.addi %add3A_1141, %multiple_of3A_1125 : i32
      %get3A_1143 = arith.index_cast %add3A_1142 : i32 to index
      %get3A_1144 = tpu.vector_load %arg14[%get3A_1143] {strides = array<i32>} : memref<912xi32, #tpu.memory_space<vmem>>, vector<16xi32>,
      %get3A_1145 = vector.shape_cast %get3A_1144 : vector<16xi32> to vector<16xi32>
      %add3A_1146 = arith.constant 512 : i32
      %add3A_1147 = arith.addi %add3A_1146, %multiple_of3A_1125 : i32
      %get3A_1148 = arith.index_cast %add3A_1147 : i32 to index
      %get3A_1149 = tpu.vector_load %arg14[%get3A_1148] {strides = array<i32>} : memref<912xi32, #tpu.memory_space<vmem>>, vector<16xi32>,
      %get3A_1150 = vector.shape_cast %get3A_1149 : vector<16xi32> to vector<16xi32>
      %add3A_1151 = arith.constant 640 : i32
      %add3A_1152 = arith.addi %add3A_1151, %multiple_of3A_1125 : i32
      %get3A_1153 = arith.index_cast %add3A_1152 : i32 to index
      %get3A_1154 = tpu.vector_load %arg14[%get3A_1153] {strides = array<i32>} : memref<912xi32, #tpu.memory_space<vmem>>, vector<16xi32>,
      %get3A_1155 = vector.shape_cast %get3A_1154 : vector<16xi32> to vector<16xi32>
      %add3A_1156 = arith.constant 768 : i32
      %add3A_1157 = arith.addi %add3A_1156, %multiple_of3A_1125 : i32
      %get3A_1158 = arith.index_cast %add3A_1157 : i32 to index
      %get3A_1159 = tpu.vector_load %arg14[%get3A_1158] {strides = array<i32>} : memref<912xi32, #tpu.memory_space<vmem>>, vector<16xi32>,
      %get3A_1160 = vector.shape_cast %get3A_1159 : vector<16xi32> to vector<16xi32>
      %max3A_1161 = arith.maxsi %get3A_1130, %get3A_1135 : vector<16xi32>
      %sub3A_1162 = arith.constant 1 : i32
      %sub3A_1163 = vector.broadcast %sub3A_1162 : i32 to vector<16xi32>
      %sub3A_1164 = arith.subi %sub3A_1163, %max3A_1161 : vector<16xi32>
      %sub3A_1165 = arith.constant 1 : i32
      %sub3A_1166 = vector.broadcast %sub3A_1165 : i32 to vector<16xi32>
      %sub3A_1167 = arith.subi %sub3A_1166, %get3A_1130 : vector<16xi32>
      %mul3A_1168 = arith.muli %get3A_1145, %sub3A_1167 : vector<16xi32>
      %add3A_1169 = arith.addi %mul3A_1168, %sub3A_1164 : vector<16xi32>
      %add3A_1170 = arith.addi %get3A_1140, %sub3A_1164 : vector<16xi32>
      %add3A_1171 = arith.constant 1 : i32
      %add3A_1172 = vector.broadcast %add3A_1171 : i32 to vector<16xi32>
      %add3A_1173 = arith.addi %get3A_1160, %add3A_1172 : vector<16xi32>
      %mul3A_1174 = arith.muli %add3A_1173, %sub3A_1164 : vector<16xi32>
      %sub3A_1175 = arith.constant 29 : i32
      %sub3A_1176 = vector.broadcast %sub3A_1175 : i32 to vector<16xi32>
      %sub3A_1177 = arith.subi %add3A_1169, %sub3A_1176 : vector<16xi32>
      %min3A_1178 = arith.constant 1 : i32
      %min3A_1179 = vector.broadcast %min3A_1178 : i32 to vector<16xi32>
      %min3A_1180 = arith.minsi %sub3A_1177, %min3A_1179 : vector<16xi32>
      %max3A_1181 = arith.constant 0 : i32
      %max3A_1182 = vector.broadcast %max3A_1181 : i32 to vector<16xi32>
      %max3A_1183 = arith.maxsi %min3A_1180, %max3A_1182 : vector<16xi32>
      %add3A_1184 = arith.addi %get3A_1150, %max3A_1183 : vector<16xi32>
      %sub3A_1185 = arith.constant 1 : i32
      %sub3A_1186 = vector.broadcast %sub3A_1185 : i32 to vector<16xi32>
      %sub3A_1187 = arith.subi %sub3A_1186, %max3A_1183 : vector<16xi32>
      %mul3A_1188 = arith.muli %add3A_1169, %sub3A_1187 : vector<16xi32>
      %min3A_1189 = arith.minsi %add3A_1184, %get3A_1155 : vector<16xi32>
      %add3A_1190 = arith.constant 0 : i32
      %add3A_1191 = vector.broadcast %add3A_1190 : i32 to vector<16xi32>
      %add3A_1192 = arith.addi %add3A_1191, %iota3A : vector<16xi32>
      %mul3A_1193 = arith.constant 256 : i32
      %mul3A_1194 = vector.broadcast %mul3A_1193 : i32 to vector<16xi32>
      %mul3A_1195 = arith.muli %add3A_1192, %mul3A_1194 : vector<16xi32>
      %add3A_1196 = arith.addi %mul3A_1195, %min3A_1189 : vector<16xi32>
      %swap3A_1197 = arith.index_cast %multiple_of3A_1125 : i32 to index
      %swap3A_1198 = tpu.vector_load %arg15[%swap3A_1197] {strides = array<i32>} : memref<128xi32, #tpu.memory_space<vmem>>, vector<16xi32>,
      %swap3A_1199 = vector.shape_cast %swap3A_1198 : vector<16xi32> to vector<16xi32>
      %swap3A_1200 = vector.shape_cast %mul3A_1188 : vector<16xi32> to vector<16xi32>
      tpu.vector_store %arg15[%swap3A_1197], %swap3A_1200 {strides = array<i32>} : memref<128xi32, #tpu.memory_space<vmem>>, vector<16xi32>,
      %multiple_of3A_1201 = arith.constant 96 : i32
      %multiple_of3A_1202 = tpu.assume_multiple %multiple_of3A_1201, 16 : i32
      %add3A_1203 = arith.constant 0 : i32
      %add3A_1204 = arith.addi %add3A_1203, %multiple_of3A_1202 : i32
      %get3A_1205 = arith.index_cast %add3A_1204 : i32 to index
      %get3A_1206 = tpu.vector_load %arg14[%get3A_1205] {strides = array<i32>} : memref<912xi32, #tpu.memory_space<vmem>>, vector<16xi32>,
      %get3A_1207 = vector.shape_cast %get3A_1206 : vector<16xi32> to vector<16xi32>
      %add3A_1208 = arith.constant 128 : i32
      %add3A_1209 = arith.addi %add3A_1208, %multiple_of3A_1202 : i32
      %get3A_1210 = arith.index_cast %add3A_1209 : i32 to index
      %get3A_1211 = tpu.vector_load %arg14[%get3A_1210] {strides = array<i32>} : memref<912xi32, #tpu.memory_space<vmem>>, vector<16xi32>,
      %get3A_1212 = vector.shape_cast %get3A_1211 : vector<16xi32> to vector<16xi32>
      %add3A_1213 = arith.constant 256 : i32
      %add3A_1214 = arith.addi %add3A_1213, %multiple_of3A_1202 : i32
      %get3A_1215 = arith.index_cast %add3A_1214 : i32 to index
      %get3A_1216 = tpu.vector_load %arg14[%get3A_1215] {strides = array<i32>} : memref<912xi32, #tpu.memory_space<vmem>>, vector<16xi32>,
      %get3A_1217 = vector.shape_cast %get3A_1216 : vector<16xi32> to vector<16xi32>
      %add3A_1218 = arith.constant 384 : i32
      %add3A_1219 = arith.addi %add3A_1218, %multiple_of3A_1202 : i32
      %get3A_1220 = arith.index_cast %add3A_1219 : i32 to index
      %get3A_1221 = tpu.vector_load %arg14[%get3A_1220] {strides = array<i32>} : memref<912xi32, #tpu.memory_space<vmem>>, vector<16xi32>,
      %get3A_1222 = vector.shape_cast %get3A_1221 : vector<16xi32> to vector<16xi32>
      %add3A_1223 = arith.constant 512 : i32
      %add3A_1224 = arith.addi %add3A_1223, %multiple_of3A_1202 : i32
      %get3A_1225 = arith.index_cast %add3A_1224 : i32 to index
      %get3A_1226 = tpu.vector_load %arg14[%get3A_1225] {strides = array<i32>} : memref<912xi32, #tpu.memory_space<vmem>>, vector<16xi32>,
      %get3A_1227 = vector.shape_cast %get3A_1226 : vector<16xi32> to vector<16xi32>
      %add3A_1228 = arith.constant 640 : i32
      %add3A_1229 = arith.addi %add3A_1228, %multiple_of3A_1202 : i32
      %get3A_1230 = arith.index_cast %add3A_1229 : i32 to index
      %get3A_1231 = tpu.vector_load %arg14[%get3A_1230] {strides = array<i32>} : memref<912xi32, #tpu.memory_space<vmem>>, vector<16xi32>,
      %get3A_1232 = vector.shape_cast %get3A_1231 : vector<16xi32> to vector<16xi32>
      %add3A_1233 = arith.constant 768 : i32
      %add3A_1234 = arith.addi %add3A_1233, %multiple_of3A_1202 : i32
      %get3A_1235 = arith.index_cast %add3A_1234 : i32 to index
      %get3A_1236 = tpu.vector_load %arg14[%get3A_1235] {strides = array<i32>} : memref<912xi32, #tpu.memory_space<vmem>>, vector<16xi32>,
      %get3A_1237 = vector.shape_cast %get3A_1236 : vector<16xi32> to vector<16xi32>
      %max3A_1238 = arith.maxsi %get3A_1207, %get3A_1212 : vector<16xi32>
      %sub3A_1239 = arith.constant 1 : i32
      %sub3A_1240 = vector.broadcast %sub3A_1239 : i32 to vector<16xi32>
      %sub3A_1241 = arith.subi %sub3A_1240, %max3A_1238 : vector<16xi32>
      %sub3A_1242 = arith.constant 1 : i32
      %sub3A_1243 = vector.broadcast %sub3A_1242 : i32 to vector<16xi32>
      %sub3A_1244 = arith.subi %sub3A_1243, %get3A_1207 : vector<16xi32>
      %mul3A_1245 = arith.muli %get3A_1222, %sub3A_1244 : vector<16xi32>
      %add3A_1246 = arith.addi %mul3A_1245, %sub3A_1241 : vector<16xi32>
      %add3A_1247 = arith.addi %get3A_1217, %sub3A_1241 : vector<16xi32>
      %add3A_1248 = arith.constant 1 : i32
      %add3A_1249 = vector.broadcast %add3A_1248 : i32 to vector<16xi32>
      %add3A_1250 = arith.addi %get3A_1237, %add3A_1249 : vector<16xi32>
      %mul3A_1251 = arith.muli %add3A_1250, %sub3A_1241 : vector<16xi32>
      %sub3A_1252 = arith.constant 29 : i32
      %sub3A_1253 = vector.broadcast %sub3A_1252 : i32 to vector<16xi32>
      %sub3A_1254 = arith.subi %add3A_1246, %sub3A_1253 : vector<16xi32>
      %min3A_1255 = arith.constant 1 : i32
      %min3A_1256 = vector.broadcast %min3A_1255 : i32 to vector<16xi32>
      %min3A_1257 = arith.minsi %sub3A_1254, %min3A_1256 : vector<16xi32>
      %max3A_1258 = arith.constant 0 : i32
      %max3A_1259 = vector.broadcast %max3A_1258 : i32 to vector<16xi32>
      %max3A_1260 = arith.maxsi %min3A_1257, %max3A_1259 : vector<16xi32>
      %add3A_1261 = arith.addi %get3A_1227, %max3A_1260 : vector<16xi32>
      %sub3A_1262 = arith.constant 1 : i32
      %sub3A_1263 = vector.broadcast %sub3A_1262 : i32 to vector<16xi32>
      %sub3A_1264 = arith.subi %sub3A_1263, %max3A_1260 : vector<16xi32>
      %mul3A_1265 = arith.muli %add3A_1246, %sub3A_1264 : vector<16xi32>
      %min3A_1266 = arith.minsi %add3A_1261, %get3A_1232 : vector<16xi32>
      %add3A_1267 = arith.constant 0 : i32
      %add3A_1268 = vector.broadcast %add3A_1267 : i32 to vector<16xi32>
      %add3A_1269 = arith.addi %add3A_1268, %iota3A : vector<16xi32>
      %mul3A_1270 = arith.constant 256 : i32
      %mul3A_1271 = vector.broadcast %mul3A_1270 : i32 to vector<16xi32>
      %mul3A_1272 = arith.muli %add3A_1269, %mul3A_1271 : vector<16xi32>
      %add3A_1273 = arith.addi %mul3A_1272, %min3A_1266 : vector<16xi32>
      %swap3A_1274 = arith.index_cast %multiple_of3A_1202 : i32 to index
      %swap3A_1275 = tpu.vector_load %arg15[%swap3A_1274] {strides = array<i32>} : memref<128xi32, #tpu.memory_space<vmem>>, vector<16xi32>,
      %swap3A_1276 = vector.shape_cast %swap3A_1275 : vector<16xi32> to vector<16xi32>
      %swap3A_1277 = vector.shape_cast %mul3A_1265 : vector<16xi32> to vector<16xi32>
      tpu.vector_store %arg15[%swap3A_1274], %swap3A_1277 {strides = array<i32>} : memref<128xi32, #tpu.memory_space<vmem>>, vector<16xi32>,
      %multiple_of3A_1278 = arith.constant 112 : i32
      %multiple_of3A_1279 = tpu.assume_multiple %multiple_of3A_1278, 16 : i32
      %add3A_1280 = arith.constant 0 : i32
      %add3A_1281 = arith.addi %add3A_1280, %multiple_of3A_1279 : i32
      %get3A_1282 = arith.index_cast %add3A_1281 : i32 to index
      %get3A_1283 = tpu.vector_load %arg14[%get3A_1282] {strides = array<i32>} : memref<912xi32, #tpu.memory_space<vmem>>, vector<16xi32>,
      %get3A_1284 = vector.shape_cast %get3A_1283 : vector<16xi32> to vector<16xi32>
      %add3A_1285 = arith.constant 128 : i32
      %add3A_1286 = arith.addi %add3A_1285, %multiple_of3A_1279 : i32
      %get3A_1287 = arith.index_cast %add3A_1286 : i32 to index
      %get3A_1288 = tpu.vector_load %arg14[%get3A_1287] {strides = array<i32>} : memref<912xi32, #tpu.memory_space<vmem>>, vector<16xi32>,
      %get3A_1289 = vector.shape_cast %get3A_1288 : vector<16xi32> to vector<16xi32>
      %add3A_1290 = arith.constant 256 : i32
      %add3A_1291 = arith.addi %add3A_1290, %multiple_of3A_1279 : i32
      %get3A_1292 = arith.index_cast %add3A_1291 : i32 to index
      %get3A_1293 = tpu.vector_load %arg14[%get3A_1292] {strides = array<i32>} : memref<912xi32, #tpu.memory_space<vmem>>, vector<16xi32>,
      %get3A_1294 = vector.shape_cast %get3A_1293 : vector<16xi32> to vector<16xi32>
      %add3A_1295 = arith.constant 384 : i32
      %add3A_1296 = arith.addi %add3A_1295, %multiple_of3A_1279 : i32
      %get3A_1297 = arith.index_cast %add3A_1296 : i32 to index
      %get3A_1298 = tpu.vector_load %arg14[%get3A_1297] {strides = array<i32>} : memref<912xi32, #tpu.memory_space<vmem>>, vector<16xi32>,
      %get3A_1299 = vector.shape_cast %get3A_1298 : vector<16xi32> to vector<16xi32>
      %add3A_1300 = arith.constant 512 : i32
      %add3A_1301 = arith.addi %add3A_1300, %multiple_of3A_1279 : i32
      %get3A_1302 = arith.index_cast %add3A_1301 : i32 to index
      %get3A_1303 = tpu.vector_load %arg14[%get3A_1302] {strides = array<i32>} : memref<912xi32, #tpu.memory_space<vmem>>, vector<16xi32>,
      %get3A_1304 = vector.shape_cast %get3A_1303 : vector<16xi32> to vector<16xi32>
      %add3A_1305 = arith.constant 640 : i32
      %add3A_1306 = arith.addi %add3A_1305, %multiple_of3A_1279 : i32
      %get3A_1307 = arith.index_cast %add3A_1306 : i32 to index
      %get3A_1308 = tpu.vector_load %arg14[%get3A_1307] {strides = array<i32>} : memref<912xi32, #tpu.memory_space<vmem>>, vector<16xi32>,
      %get3A_1309 = vector.shape_cast %get3A_1308 : vector<16xi32> to vector<16xi32>
      %add3A_1310 = arith.constant 768 : i32
      %add3A_1311 = arith.addi %add3A_1310, %multiple_of3A_1279 : i32
      %get3A_1312 = arith.index_cast %add3A_1311 : i32 to index
      %get3A_1313 = tpu.vector_load %arg14[%get3A_1312] {strides = array<i32>} : memref<912xi32, #tpu.memory_space<vmem>>, vector<16xi32>,
      %get3A_1314 = vector.shape_cast %get3A_1313 : vector<16xi32> to vector<16xi32>
      %max3A_1315 = arith.maxsi %get3A_1284, %get3A_1289 : vector<16xi32>
      %sub3A_1316 = arith.constant 1 : i32
      %sub3A_1317 = vector.broadcast %sub3A_1316 : i32 to vector<16xi32>
      %sub3A_1318 = arith.subi %sub3A_1317, %max3A_1315 : vector<16xi32>
      %sub3A_1319 = arith.constant 1 : i32
      %sub3A_1320 = vector.broadcast %sub3A_1319 : i32 to vector<16xi32>
      %sub3A_1321 = arith.subi %sub3A_1320, %get3A_1284 : vector<16xi32>
      %mul3A_1322 = arith.muli %get3A_1299, %sub3A_1321 : vector<16xi32>
      %add3A_1323 = arith.addi %mul3A_1322, %sub3A_1318 : vector<16xi32>
      %add3A_1324 = arith.addi %get3A_1294, %sub3A_1318 : vector<16xi32>
      %add3A_1325 = arith.constant 1 : i32
      %add3A_1326 = vector.broadcast %add3A_1325 : i32 to vector<16xi32>
      %add3A_1327 = arith.addi %get3A_1314, %add3A_1326 : vector<16xi32>
      %mul3A_1328 = arith.muli %add3A_1327, %sub3A_1318 : vector<16xi32>
      %sub3A_1329 = arith.constant 29 : i32
      %sub3A_1330 = vector.broadcast %sub3A_1329 : i32 to vector<16xi32>
      %sub3A_1331 = arith.subi %add3A_1323, %sub3A_1330 : vector<16xi32>
      %min3A_1332 = arith.constant 1 : i32
      %min3A_1333 = vector.broadcast %min3A_1332 : i32 to vector<16xi32>
      %min3A_1334 = arith.minsi %sub3A_1331, %min3A_1333 : vector<16xi32>
      %max3A_1335 = arith.constant 0 : i32
      %max3A_1336 = vector.broadcast %max3A_1335 : i32 to vector<16xi32>
      %max3A_1337 = arith.maxsi %min3A_1334, %max3A_1336 : vector<16xi32>
      %add3A_1338 = arith.addi %get3A_1304, %max3A_1337 : vector<16xi32>
      %sub3A_1339 = arith.constant 1 : i32
      %sub3A_1340 = vector.broadcast %sub3A_1339 : i32 to vector<16xi32>
      %sub3A_1341 = arith.subi %sub3A_1340, %max3A_1337 : vector<16xi32>
      %mul3A_1342 = arith.muli %add3A_1323, %sub3A_1341 : vector<16xi32>
      %min3A_1343 = arith.minsi %add3A_1338, %get3A_1309 : vector<16xi32>
      %add3A_1344 = arith.constant 0 : i32
      %add3A_1345 = vector.broadcast %add3A_1344 : i32 to vector<16xi32>
      %add3A_1346 = arith.addi %add3A_1345, %iota3A : vector<16xi32>
      %mul3A_1347 = arith.constant 256 : i32
      %mul3A_1348 = vector.broadcast %mul3A_1347 : i32 to vector<16xi32>
      %mul3A_1349 = arith.muli %add3A_1346, %mul3A_1348 : vector<16xi32>
      %add3A_1350 = arith.addi %mul3A_1349, %min3A_1343 : vector<16xi32>
      %swap3A_1351 = arith.index_cast %multiple_of3A_1279 : i32 to index
      %swap3A_1352 = tpu.vector_load %arg15[%swap3A_1351] {strides = array<i32>} : memref<128xi32, #tpu.memory_space<vmem>>, vector<16xi32>,
      %swap3A_1353 = vector.shape_cast %swap3A_1352 : vector<16xi32> to vector<16xi32>
      %swap3A_1354 = vector.shape_cast %mul3A_1342 : vector<16xi32> to vector<16xi32>
      tpu.vector_store %arg15[%swap3A_1351], %swap3A_1354 {strides = array<i32>} : memref<128xi32, #tpu.memory_space<vmem>>, vector<16xi32>,
      %dma_start3A_1355 = arith.constant 256 : i32
      %dma_start3A_1356 = tpu.memref_slice %arg12[%dma_start3A_1355] : memref<384xi32, #tpu.memory_space<hbm>> -> memref<128xi32, #tpu.memory_space<hbm>>
      %dma_start3A_1357 = arith.constant 256 : i32
      %dma_start3A_1358 = tpu.memref_slice %arg12[%dma_start3A_1357] : memref<384xi32, #tpu.memory_space<hbm>> -> memref<128xi32, #tpu.memory_space<hbm>>
      tpu.enqueue_dma source(%arg15 : memref<128xi32, #tpu.memory_space<vmem>>) target(%dma_start3A_1358 : memref<128xi32, #tpu.memory_space<hbm>>) target_semaphore(%arg26 : memref<!tpu.dma_semaphore, #tpu.memory_space<semaphore_mem>>)
    } else {
    }
    %jit3A_541 = arith.constant 2 : i32
    %eq3A_542 = arith.constant 0 : i32
    %eq3A_543 = arith.cmpi eq, %jit3A_541, %eq3A_542 : i32
    %jit3A_544 = arith.constant 1 : i32
    %select_n3A_545 = arith.select %eq3A_543, %jit3A_544, %jit3A_541 : i32
    %rem3A_546 = arith.remsi %arg1, %select_n3A_545 : i32
    %ne3A_547 = arith.constant 0 : i32
    %ne3A_548 = arith.cmpi ne, %rem3A_546, %ne3A_547 : i32
    %lt3A_549 = arith.constant 0 : i32
    %lt3A_550 = arith.cmpi slt, %rem3A_546, %lt3A_549 : i32
    %lt3A_551 = arith.constant 0 : i32
    %lt3A_552 = arith.cmpi slt, %select_n3A_545, %lt3A_551 : i32
    %ne3A_553 = arith.xori %lt3A_550, %lt3A_552 : i1
    %and3A_554 = arith.andi %ne3A_553, %ne3A_548 : i1
    %add3A_555 = arith.addi %rem3A_546, %select_n3A_545 : i32
    %select_n3A_556 = arith.select %and3A_554, %add3A_555, %rem3A_546 : i32
    %eq3A_557 = arith.constant 0 : i32
    %eq3A_558 = arith.cmpi eq, %select_n3A_556, %eq3A_557 : i32
    %convert_element_type3A_559 = arith.extui %eq3A_558 : i1 to i32
    %cond3A_560 = arith.constant 0 : i32
    %cond3A_561 = arith.cmpi ne, %convert_element_type3A_559, %cond3A_560 : i32
    scf.if %cond3A_561 {
      %dma_wait3A_739 = arith.constant 0 : i32
      %dma_wait3A_740 = tpu.memref_slice %arg16[%dma_wait3A_739] : memref<16xi32, #tpu.memory_space<vmem>> -> memref<8xi32, #tpu.memory_space<vmem>>
      %dma_wait3A_741 = arith.constant 0 : i32
      %dma_wait3A_742 = arith.constant 0 : i32
      %dma_wait3A_743 = tpu.memref_slice %arg3[%dma_wait3A_741, %dma_wait3A_742] : memref<32768x1024xf32, #tpu.memory_space<hbm>> -> memref<32768x1024xf32, #tpu.memory_space<hbm>>
      tpu.wait_indirect_dma semaphore(%arg25 : memref<!tpu.dma_semaphore, #tpu.memory_space<semaphore_mem>>) src(%dma_wait3A_743 : memref<32768x1024xf32, #tpu.memory_space<hbm>>) dst(%arg17 : memref<8x1024xf32, #tpu.memory_space<vmem>>)
      %mul3A_744 = arith.constant 8 : i32
      %mul3A_745 = arith.muli %add3A_200, %mul3A_744 : i32
      %multiple_of3A_746 = tpu.assume_multiple %mul3A_745, 8 : i32
      %dma_start3A_747 = arith.constant 0 : i32
      %dma_start3A_748 = tpu.memref_slice %arg13[%multiple_of3A_746, %dma_start3A_747] : memref<128x1024xf32, #tpu.memory_space<hbm>> -> memref<8x1024xf32, #tpu.memory_space<hbm>>
      %dma_start3A_749 = arith.constant 0 : i32
      %dma_start3A_750 = tpu.memref_slice %arg13[%multiple_of3A_746, %dma_start3A_749] : memref<128x1024xf32, #tpu.memory_space<hbm>> -> memref<8x1024xf32, #tpu.memory_space<hbm>>
      tpu.enqueue_dma source(%arg17 : memref<8x1024xf32, #tpu.memory_space<vmem>>) target(%dma_start3A_750 : memref<8x1024xf32, #tpu.memory_space<hbm>>) target_semaphore(%arg25 : memref<!tpu.dma_semaphore, #tpu.memory_space<semaphore_mem>>)
    } else {
    }
    %mul3A_562 = arith.constant 1024 : i32
    %mul3A_563 = arith.muli %mul3A_2, %mul3A_562 : i32
    %multiple_of3A_564 = tpu.assume_multiple %mul3A_563, 128 : i32
    %add3A_565 = arith.constant 0 : i32
    %add3A_566 = arith.addi %mul3A_2, %add3A_565 : i32
    %mul3A_567 = arith.constant 1024 : i32
    %mul3A_568 = arith.muli %add3A_566, %mul3A_567 : i32
    %multiple_of3A_569 = tpu.assume_multiple %mul3A_568, 128 : i32
    %multiple_of3A_570 = arith.constant 0 : i32
    %multiple_of3A_571 = tpu.assume_multiple %multiple_of3A_570, 128 : i32
    %dma_wait3A_572 = arith.constant 0 : i32
    %dma_wait3A_573 = tpu.memref_slice %arg19[%dma_wait3A_572, %multiple_of3A_571] : memref<2x4096xf32, #tpu.memory_space<vmem>> -> memref<2x1024xf32, #tpu.memory_space<vmem>>
    %dma_wait3A_574 = arith.constant 0 : i32
    %dma_wait3A_575 = tpu.memref_slice %arg4[%dma_wait3A_574, %multiple_of3A_569] : memref<2x131072xf32, #tpu.memory_space<hbm>> -> memref<2x1024xf32, #tpu.memory_space<hbm>>
    %dma_wait3A_576 = arith.constant 0 : i32
    %dma_wait3A_577 = tpu.memref_slice %arg19[%dma_wait3A_576, %multiple_of3A_571] : memref<2x4096xf32, #tpu.memory_space<vmem>> -> memref<2x1024xf32, #tpu.memory_space<vmem>>
    %dma_wait3A_578 = arith.constant 0 : i32
    %dma_wait3A_579 = tpu.memref_slice %arg4[%dma_wait3A_578, %multiple_of3A_569] : memref<2x131072xf32, #tpu.memory_space<hbm>> -> memref<2x1024xf32, #tpu.memory_space<hbm>>
    tpu.wait_dma2 semaphore(%arg23 : memref<!tpu.dma_semaphore, #tpu.memory_space<semaphore_mem>>) src(%dma_wait3A_579 : memref<2x1024xf32, #tpu.memory_space<hbm>>) dst(%dma_wait3A_577 : memref<2x1024xf32, #tpu.memory_space<vmem>>)
    %add3A_580 = arith.constant 1 : i32
    %add3A_581 = arith.addi %mul3A_2, %add3A_580 : i32
    %mul3A_582 = arith.constant 1024 : i32
    %mul3A_583 = arith.muli %add3A_581, %mul3A_582 : i32
    %multiple_of3A_584 = tpu.assume_multiple %mul3A_583, 128 : i32
    %multiple_of3A_585 = arith.constant 1024 : i32
    %multiple_of3A_586 = tpu.assume_multiple %multiple_of3A_585, 128 : i32
    %dma_wait3A_587 = arith.constant 0 : i32
    %dma_wait3A_588 = tpu.memref_slice %arg19[%dma_wait3A_587, %multiple_of3A_586] : memref<2x4096xf32, #tpu.memory_space<vmem>> -> memref<2x1024xf32, #tpu.memory_space<vmem>>
    %dma_wait3A_589 = arith.constant 0 : i32
    %dma_wait3A_590 = tpu.memref_slice %arg4[%dma_wait3A_589, %multiple_of3A_584] : memref<2x131072xf32, #tpu.memory_space<hbm>> -> memref<2x1024xf32, #tpu.memory_space<hbm>>
    %dma_wait3A_591 = arith.constant 0 : i32
    %dma_wait3A_592 = tpu.memref_slice %arg19[%dma_wait3A_591, %multiple_of3A_586] : memref<2x4096xf32, #tpu.memory_space<vmem>> -> memref<2x1024xf32, #tpu.memory_space<vmem>>
    %dma_wait3A_593 = arith.constant 0 : i32
    %dma_wait3A_594 = tpu.memref_slice %arg4[%dma_wait3A_593, %multiple_of3A_584] : memref<2x131072xf32, #tpu.memory_space<hbm>> -> memref<2x1024xf32, #tpu.memory_space<hbm>>
    tpu.wait_dma2 semaphore(%arg23 : memref<!tpu.dma_semaphore, #tpu.memory_space<semaphore_mem>>) src(%dma_wait3A_594 : memref<2x1024xf32, #tpu.memory_space<hbm>>) dst(%dma_wait3A_592 : memref<2x1024xf32, #tpu.memory_space<vmem>>)
    %add3A_595 = arith.constant 2 : i32
    %add3A_596 = arith.addi %mul3A_2, %add3A_595 : i32
    %mul3A_597 = arith.constant 1024 : i32
    %mul3A_598 = arith.muli %add3A_596, %mul3A_597 : i32
    %multiple_of3A_599 = tpu.assume_multiple %mul3A_598, 128 : i32
    %multiple_of3A_600 = arith.constant 2048 : i32
    %multiple_of3A_601 = tpu.assume_multiple %multiple_of3A_600, 128 : i32
    %dma_wait3A_602 = arith.constant 0 : i32
    %dma_wait3A_603 = tpu.memref_slice %arg19[%dma_wait3A_602, %multiple_of3A_601] : memref<2x4096xf32, #tpu.memory_space<vmem>> -> memref<2x1024xf32, #tpu.memory_space<vmem>>
    %dma_wait3A_604 = arith.constant 0 : i32
    %dma_wait3A_605 = tpu.memref_slice %arg4[%dma_wait3A_604, %multiple_of3A_599] : memref<2x131072xf32, #tpu.memory_space<hbm>> -> memref<2x1024xf32, #tpu.memory_space<hbm>>
    %dma_wait3A_606 = arith.constant 0 : i32
    %dma_wait3A_607 = tpu.memref_slice %arg19[%dma_wait3A_606, %multiple_of3A_601] : memref<2x4096xf32, #tpu.memory_space<vmem>> -> memref<2x1024xf32, #tpu.memory_space<vmem>>
    %dma_wait3A_608 = arith.constant 0 : i32
    %dma_wait3A_609 = tpu.memref_slice %arg4[%dma_wait3A_608, %multiple_of3A_599] : memref<2x131072xf32, #tpu.memory_space<hbm>> -> memref<2x1024xf32, #tpu.memory_space<hbm>>
    tpu.wait_dma2 semaphore(%arg23 : memref<!tpu.dma_semaphore, #tpu.memory_space<semaphore_mem>>) src(%dma_wait3A_609 : memref<2x1024xf32, #tpu.memory_space<hbm>>) dst(%dma_wait3A_607 : memref<2x1024xf32, #tpu.memory_space<vmem>>)
    %add3A_610 = arith.constant 3 : i32
    %add3A_611 = arith.addi %mul3A_2, %add3A_610 : i32
    %mul3A_612 = arith.constant 1024 : i32
    %mul3A_613 = arith.muli %add3A_611, %mul3A_612 : i32
    %multiple_of3A_614 = tpu.assume_multiple %mul3A_613, 128 : i32
    %multiple_of3A_615 = arith.constant 3072 : i32
    %multiple_of3A_616 = tpu.assume_multiple %multiple_of3A_615, 128 : i32
    %dma_wait3A_617 = arith.constant 0 : i32
    %dma_wait3A_618 = tpu.memref_slice %arg19[%dma_wait3A_617, %multiple_of3A_616] : memref<2x4096xf32, #tpu.memory_space<vmem>> -> memref<2x1024xf32, #tpu.memory_space<vmem>>
    %dma_wait3A_619 = arith.constant 0 : i32
    %dma_wait3A_620 = tpu.memref_slice %arg4[%dma_wait3A_619, %multiple_of3A_614] : memref<2x131072xf32, #tpu.memory_space<hbm>> -> memref<2x1024xf32, #tpu.memory_space<hbm>>
    %dma_wait3A_621 = arith.constant 0 : i32
    %dma_wait3A_622 = tpu.memref_slice %arg19[%dma_wait3A_621, %multiple_of3A_616] : memref<2x4096xf32, #tpu.memory_space<vmem>> -> memref<2x1024xf32, #tpu.memory_space<vmem>>
    %dma_wait3A_623 = arith.constant 0 : i32
    %dma_wait3A_624 = tpu.memref_slice %arg4[%dma_wait3A_623, %multiple_of3A_614] : memref<2x131072xf32, #tpu.memory_space<hbm>> -> memref<2x1024xf32, #tpu.memory_space<hbm>>
    tpu.wait_dma2 semaphore(%arg23 : memref<!tpu.dma_semaphore, #tpu.memory_space<semaphore_mem>>) src(%dma_wait3A_624 : memref<2x1024xf32, #tpu.memory_space<hbm>>) dst(%dma_wait3A_622 : memref<2x1024xf32, #tpu.memory_space<vmem>>)
    %dma_start3A_625 = arith.constant 0 : i32
    %dma_start3A_626 = tpu.memref_slice %arg9[%dma_start3A_625, %multiple_of3A_564] : memref<2x131072xf32, #tpu.memory_space<hbm>> -> memref<2x4096xf32, #tpu.memory_space<hbm>>
    %dma_start3A_627 = arith.constant 0 : i32
    %dma_start3A_628 = tpu.memref_slice %arg9[%dma_start3A_627, %multiple_of3A_564] : memref<2x131072xf32, #tpu.memory_space<hbm>> -> memref<2x4096xf32, #tpu.memory_space<hbm>>
    tpu.enqueue_dma source(%arg19 : memref<2x4096xf32, #tpu.memory_space<vmem>>) target(%dma_start3A_628 : memref<2x4096xf32, #tpu.memory_space<hbm>>) target_semaphore(%arg23 : memref<!tpu.dma_semaphore, #tpu.memory_space<semaphore_mem>>)
    %add3A_629 = arith.constant 0 : i32
    %add3A_630 = arith.addi %mul3A_2, %add3A_629 : i32
    %mul3A_631 = arith.constant 1024 : i32
    %mul3A_632 = arith.muli %add3A_630, %mul3A_631 : i32
    %multiple_of3A_633 = tpu.assume_multiple %mul3A_632, 128 : i32
    %multiple_of3A_634 = arith.constant 0 : i32
    %multiple_of3A_635 = tpu.assume_multiple %multiple_of3A_634, 128 : i32
    %dma_wait3A_636 = arith.constant 0 : i32
    %dma_wait3A_637 = tpu.memref_slice %arg20[%dma_wait3A_636, %multiple_of3A_635] : memref<2x4096xf32, #tpu.memory_space<vmem>> -> memref<2x1024xf32, #tpu.memory_space<vmem>>
    %dma_wait3A_638 = arith.constant 0 : i32
    %dma_wait3A_639 = tpu.memref_slice %arg4[%dma_wait3A_638, %multiple_of3A_633] : memref<2x131072xf32, #tpu.memory_space<hbm>> -> memref<2x1024xf32, #tpu.memory_space<hbm>>
    %dma_wait3A_640 = arith.constant 0 : i32
    %dma_wait3A_641 = tpu.memref_slice %arg20[%dma_wait3A_640, %multiple_of3A_635] : memref<2x4096xf32, #tpu.memory_space<vmem>> -> memref<2x1024xf32, #tpu.memory_space<vmem>>
    %dma_wait3A_642 = arith.constant 0 : i32
    %dma_wait3A_643 = tpu.memref_slice %arg4[%dma_wait3A_642, %multiple_of3A_633] : memref<2x131072xf32, #tpu.memory_space<hbm>> -> memref<2x1024xf32, #tpu.memory_space<hbm>>
    tpu.wait_dma2 semaphore(%arg24 : memref<!tpu.dma_semaphore, #tpu.memory_space<semaphore_mem>>) src(%dma_wait3A_643 : memref<2x1024xf32, #tpu.memory_space<hbm>>) dst(%dma_wait3A_641 : memref<2x1024xf32, #tpu.memory_space<vmem>>)
    %add3A_644 = arith.constant 1 : i32
    %add3A_645 = arith.addi %mul3A_2, %add3A_644 : i32
    %mul3A_646 = arith.constant 1024 : i32
    %mul3A_647 = arith.muli %add3A_645, %mul3A_646 : i32
    %multiple_of3A_648 = tpu.assume_multiple %mul3A_647, 128 : i32
    %multiple_of3A_649 = arith.constant 1024 : i32
    %multiple_of3A_650 = tpu.assume_multiple %multiple_of3A_649, 128 : i32
    %dma_wait3A_651 = arith.constant 0 : i32
    %dma_wait3A_652 = tpu.memref_slice %arg20[%dma_wait3A_651, %multiple_of3A_650] : memref<2x4096xf32, #tpu.memory_space<vmem>> -> memref<2x1024xf32, #tpu.memory_space<vmem>>
    %dma_wait3A_653 = arith.constant 0 : i32
    %dma_wait3A_654 = tpu.memref_slice %arg4[%dma_wait3A_653, %multiple_of3A_648] : memref<2x131072xf32, #tpu.memory_space<hbm>> -> memref<2x1024xf32, #tpu.memory_space<hbm>>
    %dma_wait3A_655 = arith.constant 0 : i32
    %dma_wait3A_656 = tpu.memref_slice %arg20[%dma_wait3A_655, %multiple_of3A_650] : memref<2x4096xf32, #tpu.memory_space<vmem>> -> memref<2x1024xf32, #tpu.memory_space<vmem>>
    %dma_wait3A_657 = arith.constant 0 : i32
    %dma_wait3A_658 = tpu.memref_slice %arg4[%dma_wait3A_657, %multiple_of3A_648] : memref<2x131072xf32, #tpu.memory_space<hbm>> -> memref<2x1024xf32, #tpu.memory_space<hbm>>
    tpu.wait_dma2 semaphore(%arg24 : memref<!tpu.dma_semaphore, #tpu.memory_space<semaphore_mem>>) src(%dma_wait3A_658 : memref<2x1024xf32, #tpu.memory_space<hbm>>) dst(%dma_wait3A_656 : memref<2x1024xf32, #tpu.memory_space<vmem>>)
    %add3A_659 = arith.constant 2 : i32
    %add3A_660 = arith.addi %mul3A_2, %add3A_659 : i32
    %mul3A_661 = arith.constant 1024 : i32
    %mul3A_662 = arith.muli %add3A_660, %mul3A_661 : i32
    %multiple_of3A_663 = tpu.assume_multiple %mul3A_662, 128 : i32
    %multiple_of3A_664 = arith.constant 2048 : i32
    %multiple_of3A_665 = tpu.assume_multiple %multiple_of3A_664, 128 : i32
    %dma_wait3A_666 = arith.constant 0 : i32
    %dma_wait3A_667 = tpu.memref_slice %arg20[%dma_wait3A_666, %multiple_of3A_665] : memref<2x4096xf32, #tpu.memory_space<vmem>> -> memref<2x1024xf32, #tpu.memory_space<vmem>>
    %dma_wait3A_668 = arith.constant 0 : i32
    %dma_wait3A_669 = tpu.memref_slice %arg4[%dma_wait3A_668, %multiple_of3A_663] : memref<2x131072xf32, #tpu.memory_space<hbm>> -> memref<2x1024xf32, #tpu.memory_space<hbm>>
    %dma_wait3A_670 = arith.constant 0 : i32
    %dma_wait3A_671 = tpu.memref_slice %arg20[%dma_wait3A_670, %multiple_of3A_665] : memref<2x4096xf32, #tpu.memory_space<vmem>> -> memref<2x1024xf32, #tpu.memory_space<vmem>>
    %dma_wait3A_672 = arith.constant 0 : i32
    %dma_wait3A_673 = tpu.memref_slice %arg4[%dma_wait3A_672, %multiple_of3A_663] : memref<2x131072xf32, #tpu.memory_space<hbm>> -> memref<2x1024xf32, #tpu.memory_space<hbm>>
    tpu.wait_dma2 semaphore(%arg24 : memref<!tpu.dma_semaphore, #tpu.memory_space<semaphore_mem>>) src(%dma_wait3A_673 : memref<2x1024xf32, #tpu.memory_space<hbm>>) dst(%dma_wait3A_671 : memref<2x1024xf32, #tpu.memory_space<vmem>>)
    %add3A_674 = arith.constant 3 : i32
    %add3A_675 = arith.addi %mul3A_2, %add3A_674 : i32
    %mul3A_676 = arith.constant 1024 : i32
    %mul3A_677 = arith.muli %add3A_675, %mul3A_676 : i32
    %multiple_of3A_678 = tpu.assume_multiple %mul3A_677, 128 : i32
    %multiple_of3A_679 = arith.constant 3072 : i32
    %multiple_of3A_680 = tpu.assume_multiple %multiple_of3A_679, 128 : i32
    %dma_wait3A_681 = arith.constant 0 : i32
    %dma_wait3A_682 = tpu.memref_slice %arg20[%dma_wait3A_681, %multiple_of3A_680] : memref<2x4096xf32, #tpu.memory_space<vmem>> -> memref<2x1024xf32, #tpu.memory_space<vmem>>
    %dma_wait3A_683 = arith.constant 0 : i32
    %dma_wait3A_684 = tpu.memref_slice %arg4[%dma_wait3A_683, %multiple_of3A_678] : memref<2x131072xf32, #tpu.memory_space<hbm>> -> memref<2x1024xf32, #tpu.memory_space<hbm>>
    %dma_wait3A_685 = arith.constant 0 : i32
    %dma_wait3A_686 = tpu.memref_slice %arg20[%dma_wait3A_685, %multiple_of3A_680] : memref<2x4096xf32, #tpu.memory_space<vmem>> -> memref<2x1024xf32, #tpu.memory_space<vmem>>
    %dma_wait3A_687 = arith.constant 0 : i32
    %dma_wait3A_688 = tpu.memref_slice %arg4[%dma_wait3A_687, %multiple_of3A_678] : memref<2x131072xf32, #tpu.memory_space<hbm>> -> memref<2x1024xf32, #tpu.memory_space<hbm>>
    tpu.wait_dma2 semaphore(%arg24 : memref<!tpu.dma_semaphore, #tpu.memory_space<semaphore_mem>>) src(%dma_wait3A_688 : memref<2x1024xf32, #tpu.memory_space<hbm>>) dst(%dma_wait3A_686 : memref<2x1024xf32, #tpu.memory_space<vmem>>)
    %dma_start3A_689 = arith.constant 0 : i32
    %dma_start3A_690 = tpu.memref_slice %arg10[%dma_start3A_689, %multiple_of3A_564] : memref<2x131072xf32, #tpu.memory_space<hbm>> -> memref<2x4096xf32, #tpu.memory_space<hbm>>
    %dma_start3A_691 = arith.constant 0 : i32
    %dma_start3A_692 = tpu.memref_slice %arg10[%dma_start3A_691, %multiple_of3A_564] : memref<2x131072xf32, #tpu.memory_space<hbm>> -> memref<2x4096xf32, #tpu.memory_space<hbm>>
    tpu.enqueue_dma source(%arg20 : memref<2x4096xf32, #tpu.memory_space<vmem>>) target(%dma_start3A_692 : memref<2x4096xf32, #tpu.memory_space<hbm>>) target_semaphore(%arg24 : memref<!tpu.dma_semaphore, #tpu.memory_space<semaphore_mem>>)
    %dma_wait3A_693 = arith.constant 0 : i32
    %dma_wait3A_694 = tpu.memref_slice %arg9[%dma_wait3A_693, %multiple_of3A_564] : memref<2x131072xf32, #tpu.memory_space<hbm>> -> memref<2x4096xf32, #tpu.memory_space<hbm>>
    %dma_wait3A_695 = arith.constant 0 : i32
    %dma_wait3A_696 = tpu.memref_slice %arg9[%dma_wait3A_695, %multiple_of3A_564] : memref<2x131072xf32, #tpu.memory_space<hbm>> -> memref<2x4096xf32, #tpu.memory_space<hbm>>
    tpu.wait_dma2 semaphore(%arg23 : memref<!tpu.dma_semaphore, #tpu.memory_space<semaphore_mem>>) src(%arg19 : memref<2x4096xf32, #tpu.memory_space<vmem>>) dst(%dma_wait3A_696 : memref<2x4096xf32, #tpu.memory_space<hbm>>)
    %dma_wait3A_697 = arith.constant 0 : i32
    %dma_wait3A_698 = tpu.memref_slice %arg10[%dma_wait3A_697, %multiple_of3A_564] : memref<2x131072xf32, #tpu.memory_space<hbm>> -> memref<2x4096xf32, #tpu.memory_space<hbm>>
    %dma_wait3A_699 = arith.constant 0 : i32
    %dma_wait3A_700 = tpu.memref_slice %arg10[%dma_wait3A_699, %multiple_of3A_564] : memref<2x131072xf32, #tpu.memory_space<hbm>> -> memref<2x4096xf32, #tpu.memory_space<hbm>>
    tpu.wait_dma2 semaphore(%arg24 : memref<!tpu.dma_semaphore, #tpu.memory_space<semaphore_mem>>) src(%arg20 : memref<2x4096xf32, #tpu.memory_space<vmem>>) dst(%dma_wait3A_700 : memref<2x4096xf32, #tpu.memory_space<hbm>>)
    %dma_wait3A_701 = tpu.memref_slice %arg11[%mul3A_523] : memref<983040xi32, #tpu.memory_space<hbm>> -> memref<30720xi32, #tpu.memory_space<hbm>>
    %dma_wait3A_702 = tpu.memref_slice %arg11[%mul3A_523] : memref<983040xi32, #tpu.memory_space<hbm>> -> memref<30720xi32, #tpu.memory_space<hbm>>
    tpu.wait_dma2 semaphore(%arg22 : memref<!tpu.dma_semaphore, #tpu.memory_space<semaphore_mem>>) src(%arg18 : memref<30720xi32, #tpu.memory_space<vmem>>) dst(%dma_wait3A_702 : memref<30720xi32, #tpu.memory_space<hbm>>)
    %jit3A_703 = arith.constant 2 : i32
    %eq3A_704 = arith.constant 0 : i32
    %eq3A_705 = arith.cmpi eq, %jit3A_703, %eq3A_704 : i32
    %jit3A_706 = arith.constant 1 : i32
    %select_n3A_707 = arith.select %eq3A_705, %jit3A_706, %jit3A_703 : i32
    %rem3A_708 = arith.remsi %arg1, %select_n3A_707 : i32
    %ne3A_709 = arith.constant 0 : i32
    %ne3A_710 = arith.cmpi ne, %rem3A_708, %ne3A_709 : i32
    %lt3A_711 = arith.constant 0 : i32
    %lt3A_712 = arith.cmpi slt, %rem3A_708, %lt3A_711 : i32
    %lt3A_713 = arith.constant 0 : i32
    %lt3A_714 = arith.cmpi slt, %select_n3A_707, %lt3A_713 : i32
    %ne3A_715 = arith.xori %lt3A_712, %lt3A_714 : i1
    %and3A_716 = arith.andi %ne3A_715, %ne3A_710 : i1
    %add3A_717 = arith.addi %rem3A_708, %select_n3A_707 : i32
    %select_n3A_718 = arith.select %and3A_716, %add3A_717, %rem3A_708 : i32
    %eq3A_719 = arith.constant 0 : i32
    %eq3A_720 = arith.cmpi eq, %select_n3A_718, %eq3A_719 : i32
    %convert_element_type3A_721 = arith.extui %eq3A_720 : i1 to i32
    %cond3A_722 = arith.constant 0 : i32
    %cond3A_723 = arith.cmpi ne, %convert_element_type3A_721, %cond3A_722 : i32
    scf.if %cond3A_723 {
      %mul3A_739 = arith.constant 8 : i32
      %mul3A_740 = arith.muli %add3A_200, %mul3A_739 : i32
      %multiple_of3A_741 = tpu.assume_multiple %mul3A_740, 8 : i32
      %dma_wait3A_742 = arith.constant 0 : i32
      %dma_wait3A_743 = tpu.memref_slice %arg13[%multiple_of3A_741, %dma_wait3A_742] : memref<128x1024xf32, #tpu.memory_space<hbm>> -> memref<8x1024xf32, #tpu.memory_space<hbm>>
      %dma_wait3A_744 = arith.constant 0 : i32
      %dma_wait3A_745 = tpu.memref_slice %arg13[%multiple_of3A_741, %dma_wait3A_744] : memref<128x1024xf32, #tpu.memory_space<hbm>> -> memref<8x1024xf32, #tpu.memory_space<hbm>>
      tpu.wait_dma2 semaphore(%arg25 : memref<!tpu.dma_semaphore, #tpu.memory_space<semaphore_mem>>) src(%arg17 : memref<8x1024xf32, #tpu.memory_space<vmem>>) dst(%dma_wait3A_745 : memref<8x1024xf32, #tpu.memory_space<hbm>>)
    } else {
    }
    %eq3A_724 = arith.constant 1 : i32
    %eq3A_725 = arith.cmpi eq, %add3A, %eq3A_724 : i32
    %convert_element_type3A_726 = arith.extui %eq3A_725 : i1 to i32
    %cond3A_727 = arith.constant 0 : i32
    %cond3A_728 = arith.cmpi ne, %convert_element_type3A_726, %cond3A_727 : i32
    scf.if %cond3A_728 {
      %dma_wait3A_739 = arith.constant 0 : i32
      %dma_wait3A_740 = tpu.memref_slice %arg12[%dma_wait3A_739] : memref<384xi32, #tpu.memory_space<hbm>> -> memref<128xi32, #tpu.memory_space<hbm>>
      %dma_wait3A_741 = arith.constant 0 : i32
      %dma_wait3A_742 = tpu.memref_slice %arg12[%dma_wait3A_741] : memref<384xi32, #tpu.memory_space<hbm>> -> memref<128xi32, #tpu.memory_space<hbm>>
      tpu.wait_dma2 semaphore(%arg26 : memref<!tpu.dma_semaphore, #tpu.memory_space<semaphore_mem>>) src(%arg15 : memref<128xi32, #tpu.memory_space<vmem>>) dst(%dma_wait3A_742 : memref<128xi32, #tpu.memory_space<hbm>>)
    } else {
    }
    %eq3A_729 = arith.constant 2 : i32
    %eq3A_730 = arith.cmpi eq, %add3A, %eq3A_729 : i32
    %convert_element_type3A_731 = arith.extui %eq3A_730 : i1 to i32
    %cond3A_732 = arith.constant 0 : i32
    %cond3A_733 = arith.cmpi ne, %convert_element_type3A_731, %cond3A_732 : i32
    scf.if %cond3A_733 {
      %dma_wait3A_739 = arith.constant 128 : i32
      %dma_wait3A_740 = tpu.memref_slice %arg12[%dma_wait3A_739] : memref<384xi32, #tpu.memory_space<hbm>> -> memref<128xi32, #tpu.memory_space<hbm>>
      %dma_wait3A_741 = arith.constant 128 : i32
      %dma_wait3A_742 = tpu.memref_slice %arg12[%dma_wait3A_741] : memref<384xi32, #tpu.memory_space<hbm>> -> memref<128xi32, #tpu.memory_space<hbm>>
      tpu.wait_dma2 semaphore(%arg26 : memref<!tpu.dma_semaphore, #tpu.memory_space<semaphore_mem>>) src(%arg15 : memref<128xi32, #tpu.memory_space<vmem>>) dst(%dma_wait3A_742 : memref<128xi32, #tpu.memory_space<hbm>>)
    } else {
    }
    %eq3A_734 = arith.constant 3 : i32
    %eq3A_735 = arith.cmpi eq, %add3A, %eq3A_734 : i32
    %convert_element_type3A_736 = arith.extui %eq3A_735 : i1 to i32
    %cond3A_737 = arith.constant 0 : i32
    %cond3A_738 = arith.cmpi ne, %convert_element_type3A_736, %cond3A_737 : i32
    scf.if %cond3A_738 {
      %dma_wait3A_739 = arith.constant 256 : i32
      %dma_wait3A_740 = tpu.memref_slice %arg12[%dma_wait3A_739] : memref<384xi32, #tpu.memory_space<hbm>> -> memref<128xi32, #tpu.memory_space<hbm>>
      %dma_wait3A_741 = arith.constant 256 : i32
      %dma_wait3A_742 = tpu.memref_slice %arg12[%dma_wait3A_741] : memref<384xi32, #tpu.memory_space<hbm>> -> memref<128xi32, #tpu.memory_space<hbm>>
      tpu.wait_dma2 semaphore(%arg26 : memref<!tpu.dma_semaphore, #tpu.memory_space<semaphore_mem>>) src(%arg15 : memref<128xi32, #tpu.memory_space<vmem>>) dst(%dma_wait3A_742 : memref<128xi32, #tpu.memory_space<hbm>>)
    } else {
    }
    return
  }
}

</mosaic_0001>

<sc_bundles>
// kernel: _run.3.cloned.1.call-start
scs
__scs_entry_jumppad:
0x0: {  	(pc) =	sbr.rel $0x88, $3  }
0x1: {  	(tag) =	ssettag $0x0;
	lr =	simm.s32 $0x1  }
0x2: {  	[smem:$0x3F9A] =	sst lr;
	_ =	strace $0xD0000000  }
0x3: {  	_ = 	snop  }
0x4: {  	_ = 	snop  }
0x5: {  	_ = 	snop  }
0x6: {  	_ = 	snop  }
0x7: {  	_ = 	snop  }
__scs_overlays_trampoline_lowered:
0x8: {  	[smem:$0x3FA9] =	sst s0  }
0x9: {  	[smem:$0x3FAA] =	sst s1  }
0xa: {  	[smem:$0x3FAB] =	sst s2  }
0xb: {  	[smem:$0x3FAC] =	sst s3  }
0xc: {  	[smem:$0x3FAD] =	sst s4  }
0xd: {  	[smem:$0x3FAE] =	sst s5  }
0xe: {  	[smem:$0x3FAF] =	sst s6  }
0xf: {  	[smem:$0x3FB0] =	sst s7  }
0x10: {  	[smem:$0x3FB1] =	sst s8  }
0x11: {  	[smem:$0x3FB2] =	sst s9;
	s0 =	simm.s32 @!p0 $0x0  }
0x12: {  	s1 =	sld [smem:$0x3F98];
	s0 =	simm.s32 @p0 $0x1  }
0x13: {  	[smem:$0x3FB3] =	sst s0;
	s0 =	simm.s32 @!p1 $0x0  }
0x14: {  	s2 =	sld [smem:$0x3F97];
	s0 =	simm.s32 @p1 $0x1  }
0x15: {  	[smem:$0x3FB4] =	sst s0;
	s0 =	simm.s32 @!p2 $0x0  }
0x16: {  	s3 =	sld [smem:$0x3FDB];
	s0 =	simm.s32 @p2 $0x1  }
0x17: {  	s4 =	simm.s32 $0x1BF5;
	[smem:$0x3FB6] =	sst s0  }
0x18: {  	s0 =	sld [smem:$0x3F99];
	_ =	swait.ge [sflag:s4], $0x0  }
0x19: {  	s7 =	sld [smem:$0x3F9A]  }
0x1a: {  	s8 =	sadd.s32 $0xFFFFE003, lr  }
0x1b: {  	s9 =	sadd.s32 $0xFFFFFEF7, lr;
	s5 =	simm.s32 $0xFFFFFFFF;
	p2 =	slt.u32 s8, $0xFFFFF086  }
0x1c: {  	p1 =	slt.u32 s9, $0xF7A;
	s5 =	simm.s32 @!p2 $0x0  }
0x1d: {  	s5 =	simm.s32 @p1 $0x1;
	p0 =	seq.s32 s7, s2  }
0x1e: {  	s7 =	smul.u32 @!p0 $0xF7A, s2;
	p2 =	seq.s32 @!p0 s5, $0x0  }
0x1f: {  	s9 =	smul.u32 $0xF7A, s1;
	s8 =	simm.s32 @!p0 $0x1BF5;
	p2 =	por !p2, p0  }
0x20: {  	[sflag:s8] =	ssyncset.s32 @!p0 $0xFFFFF086;
	s6 =	sadd.s32 @!p0 s3, s7;
	s7 =	simm.s32 @!p0 $0x108  }
0x21: {  	s3 =	sadd.s32 s3, s9;
	s6 =	sadd.s32 @!p0 $0x88, s6;
	s7 =	simm.s32 @p2 $0x1082  }
0x22: {  	[simem:s7], [sflag:s8] =	dma.local @!p0 [hbm:s6], $0xF7A  }
0x23: {  	s9 =	sor.u32 $0xD0000000, s2;
	s6 =	simm.s32 $0x108;
	_ =	swait.ge @!p0 [sflag:s8], $0x0  }
0x24: {  	s3 =	sadd.s32 $0x88, s3;
	s6 =	simm.s32 @!p1 $0x1082;
	[sflag:s4] =	ssyncset.s32 $0xFFFFF086  }
0x25: {  	[simem:s6], [sflag:s4] =	dma.local [hbm:s3], $0xF7A  }
0x26: {  	[smem:$0x3F9A] =	sst s1;
	(tag) =	ssettag s2;
	_ =	strace s9  }
0x27: {  	s1 =	sld [smem:$0x3FAA]  }
0x28: {  	s2 =	sld [smem:$0x3FAB]  }
0x29: {  	s4 =	sld [smem:$0x3FAD]  }
0x2a: {  	p0 =	seq.s32 s5, $0x0;
	s5 =	sld [smem:$0x3FAE]  }
0x2b: {  	s6 =	sld [smem:$0x3FAF]  }
0x2c: {  	s7 =	sld [smem:$0x3FB0]  }
0x2d: {  	s3 =	simm.s32 $0x108;
	s8 =	sld [smem:$0x3FB1]  }
0x2e: {  	s3 =	simm.s32 @!p0 $0x1082;
	s9 =	sld [smem:$0x3FB2]  }
0x2f: {  	lr =	sadd.s32 s0, s3;
	s0 =	sld [smem:$0x3FA9]  }
0x30: {  	s3 =	sld [smem:$0x3FAC]  }
0x31: {  	[smem:$0x3FB5] =	sst s10  }
0x32: {  	s10 =	sld [smem:$0x3FB3];
	_ =	sdelay $0x3  }
0x33: {  	p0 =	seq.s32 s10, $0x1;
	s10 =	sld [smem:$0x3FB5];
	_ =	sdelay $0x3  }
0x34: {  	[smem:$0x3FB5] =	sst s10  }
0x35: {  	s10 =	sld [smem:$0x3FB4];
	_ =	sdelay $0x3  }
0x36: {  	p1 =	seq.s32 s10, $0x1;
	s10 =	sld [smem:$0x3FB5];
	_ =	sdelay $0x3  }
0x37: {  	[smem:$0x3FB5] =	sst s10  }
0x38: {  	s10 =	sld [smem:$0x3FB6]  }
0x39: {  	_ = 	snop;
	(pc) =	sbr.ind lr, $3  }
0x3a: {  	_ = 	snop  }
0x3b: {  	_ = 	snop  }
0x3c: {  	p2 =	seq.s32 s10, $0x1;
	s10 =	sld [smem:$0x3FB5]  }
0x3d: {  	_ =	shalt  }
0x3e: {  	_ =	shalt  }
0x3f: {  	_ =	shalt  }
0x40: {  	_ =	shalt  }
0x41: {  	_ =	shalt  }
0x42: {  	_ =	shalt  }
0x43: {  	_ =	shalt  }
0x44: {  	_ =	shalt  }
0x45: {  	_ =	shalt  }
0x46: {  	_ =	shalt  }
0x47: {  	_ =	shalt  }
0x48: {  	_ =	shalt  }
0x49: {  	_ =	shalt  }
0x4a: {  	_ =	shalt  }
0x4b: {  	_ =	shalt  }
0x4c: {  	_ =	shalt  }
0x4d: {  	_ =	shalt  }
0x4e: {  	_ =	shalt  }
0x4f: {  	_ =	shalt  }
0x50: {  	_ =	shalt  }
0x51: {  	_ =	shalt  }
0x52: {  	_ =	shalt  }
0x53: {  	_ =	shalt  }
0x54: {  	_ =	shalt  }
0x55: {  	_ =	shalt  }
0x56: {  	_ =	shalt  }
0x57: {  	_ =	shalt  }
0x58: {  	_ =	shalt  }
0x59: {  	_ =	shalt  }
0x5a: {  	_ =	shalt  }
0x5b: {  	_ =	shalt  }
0x5c: {  	_ =	shalt  }
0x5d: {  	_ =	shalt  }
0x5e: {  	_ =	shalt  }
0x5f: {  	_ =	shalt  }
0x60: {  	_ =	shalt  }
0x61: {  	_ =	shalt  }
0x62: {  	_ =	shalt  }
0x63: {  	_ =	shalt  }
0x64: {  	_ =	shalt  }
0x65: {  	_ =	shalt  }
0x66: {  	_ =	shalt  }
0x67: {  	_ =	shalt  }
0x68: {  	_ =	shalt  }
0x69: {  	_ =	shalt  }
0x6a: {  	_ =	shalt  }
0x6b: {  	_ =	shalt  }
0x6c: {  	_ =	shalt  }
0x6d: {  	_ =	shalt  }
0x6e: {  	_ =	shalt  }
0x6f: {  	_ =	shalt  }
0x70: {  	_ =	shalt  }
0x71: {  	_ =	shalt  }
0x72: {  	_ =	shalt  }
0x73: {  	_ =	shalt  }
0x74: {  	_ =	shalt  }
0x75: {  	_ =	shalt  }
0x76: {  	_ =	shalt  }
0x77: {  	_ =	shalt  }
0x78: {  	_ =	shalt  }
0x79: {  	_ =	shalt  }
0x7a: {  	_ =	shalt  }
0x7b: {  	_ =	shalt  }
0x7c: {  	_ =	shalt  }
0x7d: {  	_ =	shalt  }
0x7e: {  	_ =	shalt  }
0x7f: {  	_ =	shalt  }
0x80: {  	_ =	shalt  }
0x81: {  	_ =	shalt  }
0x82: {  	_ =	shalt  }
0x83: {  	_ =	shalt  }
0x84: {  	_ =	shalt  }
0x85: {  	_ =	shalt  }
0x86: {  	_ =	shalt  }
0x87: {  	_ =	shalt  }
.Lfunc_end0:
.L_simem_size_0:
called_computation_lowered:
.L_overlay_start_0:
0x88: {  	s2 =	sld [smem:$0x3FD9]  }
0x89: {  	s3 =	sld [smem:$0x3FFE];
	_ =	sdelay $0x1  }
0x8a: {  	s1 =	srdreg.scid  }
0x8b: {  	s0 =	sand.u32 $0x1, s1  }
0x8c: {  	s28 =	sshll.u32 s0, $0xA;
	s2 =	sadd.s32 s3, s2  }
0x8d: {  	s2 =	sadd.s32 s2, s28  }
0x8e: {  	[smem:$0x3FC1] =	sst s2  }
0x8f: {  	_ = 	snop  }
0x90: {  	s2 =	sld [smem:$0x3FC9]  }
0x91: {  	s29 =	sld [smem:$0x3FC8]  }
0x92: {  	s4 =	sld [smem:$0x3FC7]  }
0x93: {  	s5 =	sld [smem:$0x3FC6]  }
0x94: {  	s6 =	sld [smem:$0x3FD0]  }
0x95: {  	s7 =	sld [smem:$0x3FC5]  }
0x96: {  	s8 =	sld [smem:$0x3FC4]  }
0x97: {  	s10 =	simm.s32 $0xA;
	s11 =	simm.s32 $0x10;
	s9 =	sld [smem:$0x3FC3]  }
0x98: {  	[smem:s11], [sflag:s10] =	dma.local [hbm:s6], $0x1  }
0x99: {  	_ =	swait.eq [sflag:s10], $0x1  }
0x9a: {  	s30 =	sld [smem:$0x10]  }
0x9b: {  	s31 =	sld [smem:$0x11]  }
0x9c: {  	s12 =	sld [smem:$0x12];
	[sflag:s10] =	ssyncset.done $0x0  }
0x9d: {  	s13 =	sld [smem:$0x13];
	[sflag:s10] =	ssyncadd.s32 $0xFFFFFFFF  }
0x9e: {  	s19 =	sld [smem:$0x14];
	(tm) =	ssettm $0x1  }
0x9f: {  	s14 =	sld [smem:$0x3FFB];
	_ =	sdelay $0x3  }
0xa0: {  	_ =	strace s14  }
0xa1: {  	s14 =	sld [smem:$0x3FFC];
	_ =	sdelay $0x3  }
0xa2: {  	_ =	strace s14  }
0xa3: {  	s14 =	sld [smem:$0x3FFD];
	_ =	sdelay $0x3  }
0xa4: {  	_ =	strace s14  }
0xa5: {  	_ =	strace $0x8FFFFFFF  }
0xa6: {  	s20 =	sld [smem:$0x3FDB];
	_ =	sdelay $0x1  }
0xa7: {  	s15 =	simm.s32 $_scs_section_size  }
0xa8: {  	s16 =	simm.s32 $_size__tile_overlayer_lowered;
	s17 =	simm.s32 $_tile_overlayer_lowered  }
0xa9: {  	s23 =	simm.s32 $0x1BFF;
	s22 =	sshll.u32 s17, $0x1;
	s14 =	sadd.s32 s15, s20  }
0xaa: {  	s18 =	simm.s32 $0x0;
	s21 =	sshll.u32 s16, $0x1;
	s16 =	sadd.s32 s22, s14  }
0xab: {  	[timem:s18], [sflag:s23] =	dma.local [hbm:s16], s21  }
0xac: {  	_ =	swait.ge [sflag:s23], s21  }
0xad: {  	s15 =	ssub.s32 $0x0, s21;
	[sflag:s23] =	ssyncset.done $0x0  }
0xae: {  	[sflag:s23] =	ssyncadd.s32 s15;
	_ =	sdelay $0x1  }
0xaf: {  	s24 =	simm.s32 $0x1B8B  }
0xb0: {  	_ =	swait.ge [sflag:s24], $0x1  }
0xb1: {  	[sflag:s24] =	ssyncset.done $0x0  }
0xb2: {  	s25 =	simm.s32 $0x1B8E;
	[sflag:s24] =	ssyncadd.s32 $0xFFFFFFFF  }
0xb3: {  	s26 =	simm.s32 $execute0_lowered;
	[smem:$0x3FD2] =	sst s25  }
0xb4: {  	s15 =	sshll.u32 s26, $0x1;
	_ =	strace $0x80000046;
	[dreg:$0x1] =	wrdreg $0xFFFFFFFF  }
0xb5: {  	s28 =	simm.s32 $_size_execute0_lowered;
	s14 =	sadd.s32 s14, s15;
	[dreg:$0x0] =	wrdreg $0x0  }
0xb6: {  	s15 =	sshll.u32 s28, $0x1;
	[dreg:$0x2] =	wrdreg s14  }
0xb7: {  	[dreg:$0x3] =	wrdreg s15  }
0xb8: {  	[dreg:$0x4] =	wrdreg $0xC0  }
0xb9: {  	_ =	task [dreg:s18], $0x5FFFF  }
0xba: {  	[dreg:$0x1] =	wrdreg $0xFFFFFFFF  }
0xbb: {  	[dreg:$0x0] =	wrdreg $0x60  }
0xbc: {  	[dreg:$0x2] =	wrdreg s2  }
0xbd: {  	[dreg:$0x3] =	wrdreg s29  }
0xbe: {  	[dreg:$0x4] =	wrdreg s4  }
0xbf: {  	[dreg:$0x5] =	wrdreg s5  }
0xc0: {  	[dreg:$0x6] =	wrdreg s7  }
0xc1: {  	[dreg:$0x7] =	wrdreg s8  }
0xc2: {  	[dreg:$0x8] =	wrdreg s9  }
0xc3: {  	[dreg:$0x9] =	wrdreg s30  }
0xc4: {  	[dreg:$0xa] =	wrdreg s31  }
0xc5: {  	[dreg:$0xb] =	wrdreg s12  }
0xc6: {  	[dreg:$0xc] =	wrdreg s13  }
0xc7: {  	[dreg:$0xd] =	wrdreg s19  }
0xc8: {  	[dreg:$0xe] =	wrdreg $0x9  }
0xc9: {  	_ =	task.clear_ibuf [dreg:s18], $0xFFFFF;
	_ =	strace $0x90000046  }
0xca: {  	s29 =	simm.s32 $0x9;
	_ =	strace $0x80000048  }
0xcb: {  	_ =	swait.ge [sflag:s29], $0x1  }
0xcc: {  	[sflag:s29] =	ssyncadd.s32 $0xFFFFFFFF  }
0xcd: {  	_ =	strace $0x90000048  }
0xce: {  	_ =	sfence  }
0xcf: {  	s30 =	sld [smem:$0x0];
	_ =	sdelay $0x2  }
0xd0: {  	s31 =	sshll.u32 s1, $0xD;
	s1 =	sshrl.u32 s1, $0x2  }
0xd1: {  	s3 =	sand.u32 $0x4000, s31;
	s1 =	sadd.s32 s1, s30  }
0xd2: {  	s0 =	sor.u32 s3, s0;
	s1 =	sshll.u32 s1, $0x11  }
0xd3: {  	s0 =	sor.u32 s1, s0  }
0xd4: {  	s0 =	sadd.s32 $0x8F2B, s0  }
0xd5: {  	[sflag:s0] =	ssyncadd.remote.s32 $0x1  }
0xd6: {  	_ =	sfence.sel $0xFFFF  }
0xd7: {  	[dreg:$0x0] =	wrdreg $0xFFFFFFFF;
	(pc) =	sbr.abs _section_cstart, $3  }
0xd8: {  	[dreg:$0x1] =	wrdreg $0xFFFFFFFF  }
0xd9: {  	_ =	task.clear_ibuf [dreg:s18], $0x2FFFF;
	_ =	strace $0x9FFFFFFF  }
0xda: {  	(tm) =	ssettm $0x7FFFFFFF  }
0xdb: {  	_ =	shalt  }
tec
execute0_lowered:
.L_overlay_start_1:
0x0: {  	(tag) =	ssettag $0x1  }
0x1: {  	s0 =	rddreg [dreg:$0x1]  }
0x2: {  	s2 =	rddreg [dreg:$0x2]  }
0x3: {  	s3 =	rddreg [dreg:$0x3]  }
0x4: {  	s4 =	rddreg [dreg:$0x4]  }
0x5: {  	s7 =	rddreg [dreg:$0x5]  }
0x6: {  	s6 =	rddreg [dreg:$0x6]  }
0x7: {  	s5 =	rddreg [dreg:$0x7]  }
0x8: {  	s8 =	rddreg [dreg:$0x8]  }
0x9: {  	s17 =	rddreg [dreg:$0x9]  }
0xa: {  	s26 =	rddreg [dreg:$0xa]  }
0xb: {  	s19 =	rddreg [dreg:$0xb];
	s9 =	srdreg.scid  }
0xc: {  	s1 =	stileid.u32;
	s28 =	simm.s32 $0x2500;
	s29 =	simm.s32 $0x1  }
0xd: {  	s14 =	sand.u32 $0x1, s9;
	s10 =	sshll.u32 s1, $0x1;
	s9 =	simm.s32 $0x0  }
0xe: {  	s23 =	sshll.u32 s1, $0x2;
	s24 =	sand.u32 $0x1, s1;
	s30 =	sadd.s32 $0x20, s26  }
0xf: {  	s31 =	sadd.s32 $0x10, s26;
	s11 =	ssub.s32 $0x2, s14;
	s22 =	sor.u32 s14, s10  }
0x10: {  	[smem:$0x7FF] =	sst s9;
	s16 =	sshll.u32 s14, $0x6;
	p0 =	sne.s32 s24, $0x0  }
0x11: {  	s21 =	sshrl.u32 s11, $0x1;
	s18 =	smul.u32 $0xF00, s22;
	_ =	strace $0x80000047  }
0x12: {  	s10 =	sshll.u32 s22, $0x2;
	s12 =	sshll.u32 s22, $0xA;
	p1 =	seq.s32 s22, $0x3  }
0x13: {  	p2 =	sne.s32 s22, $0x1;
	p3 =	seq.s32 s22, $0x2;
	[dreg:$0xd] =	wrdreg s30  }
0x14: {  	[dreg:$0xe] =	wrdreg s31;
	s22 =	simm.s32 $0x4;
	s25 =	ssub.s32 s11, s21  }
0x15: {  	s13 =	sor.u32 $0x100, s12;
	s14 =	sor.u32 $0x200, s12;
	s15 =	sor.u32 $0x300, s12  }
.Ltmp0:
0x16: {  	s11 =	sadd.s32 s6, s18;
	s6 =	sand.u32 $0x38, s23;
	(pc) =	sbr.rel .LBB2_1-.Ltmp0, $4  }
0x17: {  	v0 =	vlaneseq.u32;
	s21 =	sadd.s32 $0x300, s0;
	s24 =	sadd.s32 s8, s12;
	s16 =	sor.u32 s16, s6  }
0x18: {  	v2 =	vmul.u32 $0x100, v0;
	s8 =	simm.s32 $0x3;
	s17 =	sadd.s32 s17, s18;
	s18 =	sadd.s32 $0x100, s0;
	v1 =	vmov s16  }
0x19: {  	s23 =	sadd.s32 s5, s12;
	s25 =	smax.u32 s25, $0x1;
	s20 =	sshll.u32 s16, $0x7;
	v1 =	vshll.u32 v1, $0x8  }
0x1a: {  	vm0 =	vmmov @!p0 $0xffff;
	s6 =	simm.s32 $0x2;
	s19 =	sadd.s32 s19, s20;
	s20 =	sadd.s32 $0x200, s0;
	v1 =	vadd.s32 v2, v1;
	v2 =	vimm.s32 $0x0  }
.LBB2_13:
0x1b: {  	v3 =	vld [tilespmem:$0x0]  }
0x1c: {  	v4 =	vld [tilespmem:$0x80]  }
0x1d: {  	v5 =	vld [tilespmem:$0x180]  }
0x1e: {  	v6 =	vld [tilespmem:$0x200]  }
0x1f: {  	v7 =	vld [tilespmem:$0x10]  }
0x20: {  	v8 =	vld [tilespmem:$0x90]  }
0x21: {  	v9 =	vld [tilespmem:$0x190]  }
0x22: {  	v10 =	vld [tilespmem:$0x210]  }
0x23: {  	v11 =	vld [tilespmem:$0x20]  }
0x24: {  	v12 =	vld [tilespmem:$0xA0]  }
0x25: {  	v13 =	vld [tilespmem:$0x1A0]  }
0x26: {  	v14 =	vld [tilespmem:$0x220]  }
0x27: {  	v15 =	vld [tilespmem:$0x30]  }
0x28: {  	v27 =	vld [tilespmem:$0x40]  }
0x29: {  	v29 =	vld [tilespmem:$0x1C0];
	v16 =	vsub.s32 $0x1, v3  }
0x2a: {  	v32 =	vld [tilespmem:$0x50];
	vm1 =	vgt.s32 v3, v4;
	v5 =	vmul.u32 v16, v5  }
0x2b: {  	v39 =	vld [tilespmem:$0x60];
	v26 =	vsub.s32 $0x1, v7;
	v31 =	vsub.s32 $0x1, v11;
	v3 =	vsel vm1, v3, v4  }
0x2c: {  	v44 =	vld [tilespmem:$0x70];
	vm1 =	vgt.s32 v7, v8;
	v4 =	vmul.u32 v26, v9;
	v3 =	vsub.s32 v5, v3  }
0x2d: {  	v48 =	vld [tilespmem:$0x1F0];
	vm2 =	vgt.s32 v11, v12;
	v7 =	vsel vm1, v7, v8;
	v3 =	vadd.s32 $0xFFFFFFE4, v3  }
0x2e: {  	v17 =	vld [tilespmem:$0xB0];
	v38 =	vsub.s32 $0x1, v15;
	vm1 =	vgt.s32 v3, $0x0;
	v3 =	vsub.s32 v4, v7  }
0x2f: {  	v25 =	vld [tilespmem:$0x1B0];
	v40 =	vsub.s32 $0x1, v27;
	v47 =	vsub.s32 $0x1, v32;
	v3 =	vadd.s32 $0xFFFFFFE4, v3  }
0x30: {  	v28 =	vld [tilespmem:$0xC0];
	v30 =	vsel vm1, $0x1, v2;
	vm1 =	vgt.s32 v3, $0x0;
	v3 =	vmul.u32 v31, v13  }
0x31: {  	v18 =	vld [tilespmem:$0x230];
	v53 =	vsub.s32 $0x1, v39;
	v55 =	vsub.s32 $0x1, v44;
	v34 =	vsel vm2, v11, v12  }
0x32: {  	v35 =	vld [tilespmem:$0xD0];
	v9 =	vmul.u32 v55, v48;
	v4 =	vmul.u32 v40, v29;
	v3 =	vsub.s32 v3, v34  }
0x33: {  	v19 =	vld [tilespmem:$0x240];
	v33 =	vsel vm1, $0x1, v2;
	vm1 =	vgt.s32 v15, v17;
	v3 =	vadd.s32 $0xFFFFFFE4, v3  }
0x34: {  	v36 =	vld [tilespmem:$0x1D0];
	v37 =	vsel vm1, v15, v17;
	vm1 =	vgt.s32 v3, $0x0;
	v3 =	vmul.u32 v38, v25  }
0x35: {  	v43 =	vld [tilespmem:$0x1E0];
	v6 =	vadd.s32 v30, v6;
	v42 =	vsel vm1, $0x1, v2;
	vm1 =	vgt.s32 v27, v28  }
0x36: {  	v41 =	vld [tilespmem:$0xE0];
	v10 =	vadd.s32 v33, v10;
	v3 =	vsub.s32 v3, v37;
	v5 =	vsel vm1, v27, v28  }
0x37: {  	v46 =	vld [tilespmem:$0xF0];
	vm1 =	vgt.s32 v32, v35;
	v3 =	vadd.s32 $0xFFFFFFE4, v3;
	v4 =	vsub.s32 v4, v5  }
0x38: {  	v45 =	vsel vm1, v32, v35;
	vm1 =	vgt.s32 v3, $0x0;
	v3 =	vadd.s32 $0xFFFFFFE4, v4  }
0x39: {  	v50 =	vadd.s32 v42, v14;
	v49 =	vsel vm1, $0x1, v2;
	vm1 =	vgt.s32 v3, $0x0  }
0x3a: {  	v5 =	vmul.u32 v53, v43;
	v3 =	vmul.u32 v47, v36;
	v52 =	vsel vm1, $0x1, v2  }
0x3b: {  	v54 =	vld [tilespmem:$0x250];
	v51 =	vadd.s32 v49, v18;
	vm1 =	vgt.s32 v39, v41;
	v12 =	vadd.s32 v52, v19  }
0x3c: {  	v57 =	vld [tilespmem:$0x260];
	[tilespmem:$0x400] =	vst v6;
	v3 =	vsub.s32 v3, v45;
	v56 =	vsel vm1, v39, v41;
	vm1 =	vgt.s32 v44, v46  }
0x3d: {  	v58 =	vld [tilespmem:$0x270];
	[tilespmem:$0x410] =	vst v10;
	v8 =	vsel vm1, v44, v46;
	v3 =	vadd.s32 $0xFFFFFFE4, v3;
	v5 =	vsub.s32 v5, v56  }
0x3e: {  	[tilespmem:$0x420] =	vst v50;
	vm1 =	vgt.s32 v3, $0x0;
	v3 =	vsub.s32 v9, v8;
	v59 =	vadd.s32 $0xFFFFFFE4, v5  }
0x3f: {  	[tilespmem:$0x430] =	vst v51;
	v60 =	vsel vm1, $0x1, v2;
	vm1 =	vgt.s32 v59, $0x0;
	v3 =	vadd.s32 $0xFFFFFFE4, v3  }
0x40: {  	[tilespmem:$0x440] =	vst v12;
	v61 =	vadd.s32 v60, v54;
	v62 =	vsel vm1, $0x1, v2;
	vm1 =	vgt.s32 v3, $0x0  }
0x41: {  	[tilespmem:$0x450] =	vst v61;
	v3 =	vadd.s32 v62, v57;
	v63 =	vsel vm1, $0x1, v2  }
0x42: {  	[tilespmem:$0x460] =	vst v3;
	v3 =	vadd.s32 v63, v58  }
0x43: {  	p5 =	por $0x1, $0x1;
	p4 =	por $0x0, $0x0;
	s26 =	rddreg [dreg:$0xe];
	[tilespmem:$0x470] =	vst v3  }
.LBB2_15:
0x44: {  	s0 =	simm.s32 $0x400  }
0x45: {  	[hbm4b:s26+s9] =	stream.linear.scatter [tilespmem:s0], [sflag:$0x6], $0x80, $0x38;
	[tilespmem:$0xDD00] =	vst v63  }
.LBB2_16:
0x46: {  	s0 =	simm.s32 @!p0 $0x5  }
0x47: {  	_ =	swait.ge @!p0 [sflag:s0], $0x2000  }
0x48: {  	[sflag:s0] =	ssyncset.done @!p0 $0x0  }
0x49: {  	s1 =	simm.s32 @!p0 $0x0;
	s5 =	simm.s32 @!p0 $0x500;
	[sflag:s0] =	ssyncadd.s32 @!p0 $0xFFFFE000  }
0x4a: {  	[hbm4b:s19+s1] =	stream.linear.scatter @!p0 [tilespmem:s5], [sflag:$0x5], $0x2000, $0x38;
	[tilespmem:$0xDD00] =	vst v63  }
0x4b: {  	_ =	swait.ge [sflag:s8], $0x800  }
0x4c: {  	[sflag:s8] =	ssyncset.done $0x0  }
0x4d: {  	[sflag:s8] =	ssyncadd.s32 $0xFFFFF800  }
0x4e: {  	_ =	swait.ge [sflag:s8], $0x800  }
0x4f: {  	[sflag:s8] =	ssyncset.done $0x0  }
0x50: {  	[sflag:s8] =	ssyncadd.s32 $0xFFFFF800  }
0x51: {  	_ =	swait.ge [sflag:s8], $0x800  }
0x52: {  	[sflag:s8] =	ssyncset.done $0x0  }
0x53: {  	[sflag:s8] =	ssyncadd.s32 $0xFFFFF800  }
0x54: {  	_ =	swait.ge [sflag:s8], $0x800  }
0x55: {  	[sflag:s8] =	ssyncset.done $0x0  }
0x56: {  	s30 =	simm.s32 $0x9D00;
	[sflag:s8] =	ssyncadd.s32 $0xFFFFF800  }
0x57: {  	[hbm4b:s23+s9] =	stream.linear.scatter [tilespmem:s30], [sflag:$0x3], $0x2000, $0x38;
	[tilespmem:$0xDD00] =	vst v63  }
0x58: {  	_ =	swait.ge [sflag:s22], $0x800  }
0x59: {  	[sflag:s22] =	ssyncset.done $0x0  }
0x5a: {  	[sflag:s22] =	ssyncadd.s32 $0xFFFFF800  }
0x5b: {  	_ =	swait.ge [sflag:s22], $0x800  }
0x5c: {  	[sflag:s22] =	ssyncset.done $0x0  }
0x5d: {  	[sflag:s22] =	ssyncadd.s32 $0xFFFFF800  }
0x5e: {  	_ =	swait.ge [sflag:s22], $0x800  }
0x5f: {  	[sflag:s22] =	ssyncset.done $0x0  }
0x60: {  	[sflag:s22] =	ssyncadd.s32 $0xFFFFF800  }
0x61: {  	_ =	swait.ge [sflag:s22], $0x800  }
0x62: {  	[sflag:s22] =	ssyncset.done $0x0  }
0x63: {  	s31 =	simm.s32 $0xBD00;
	[sflag:s22] =	ssyncadd.s32 $0xFFFFF800  }
0x64: {  	[hbm4b:s24+s9] =	stream.linear.scatter [tilespmem:s31], [sflag:$0x4], $0x2000, $0x38;
	[tilespmem:$0xDD00] =	vst v63  }
0x65: {  	_ =	swait.ge [sflag:s8], $0x2000  }
0x66: {  	[sflag:s8] =	ssyncset.done $0x0  }
0x67: {  	[sflag:s8] =	ssyncadd.s32 $0xFFFFE000  }
0x68: {  	_ =	swait.ge [sflag:s22], $0x2000  }
0x69: {  	[sflag:s22] =	ssyncset.done $0x0  }
0x6a: {  	[sflag:s22] =	ssyncadd.s32 $0xFFFFE000  }
0x6b: {  	_ =	swait.ge [sflag:s6], $0x7800  }
0x6c: {  	[sflag:s6] =	ssyncset.done $0x0  }
0x6d: {  	[sflag:s6] =	ssyncadd.s32 $0xFFFF8800  }
0x6e: {  	_ =	swait.ge @!p0 [sflag:s0], $0x2000  }
0x6f: {  	[sflag:s0] =	ssyncset.done @!p0 $0x0  }
0x70: {  	[sflag:s0] =	ssyncadd.s32 @!p0 $0xFFFFE000;
	s0 =	simm.s32 @!p2 $0x6  }
0x71: {  	_ =	swait.ge @!p2 [sflag:s0], $0x80  }
0x72: {  	[sflag:s0] =	ssyncset.done @!p2 $0x0  }
0x73: {  	[sflag:s0] =	ssyncadd.s32 @!p2 $0xFFFFFF80;
	s0 =	simm.s32 @p5 $0x6  }
0x74: {  	_ =	swait.ge @p5 [sflag:s0], $0x80  }
0x75: {  	s25 =	sadd.s32 $0xFFFFFFFF, s25;
	[sflag:s0] =	ssyncset.done @p5 $0x0  }
0x76: {  	[sflag:s0] =	ssyncadd.s32 @p5 $0xFFFFFF80;
	p5 =	sne.s32 s25, $0x0  }
.Ltmp1:
0x77: {  	_ = 	snop;
	(pc) =	sbr.rel @!p5 .LBB2_17-.Ltmp1, $4  }
0x78: {  	s0 =	simm.s32 @p4 $0x6  }
0x79: {  	_ =	swait.ge @p4 [sflag:s0], $0x80  }
0x7a: {  	[sflag:s0] =	ssyncset.done @p4 $0x0  }
0x7b: {  	[sflag:s0] =	ssyncadd.s32 @p4 $0xFFFFFF80  }
.LBB2_1:
0x7c: {  	s0 =	rddreg [dreg:$0x0]  }
0x7d: {  	[tilespmem:s9], [sflag:$0x1] =	stream.linear.gather [hbm4b:s0+s9], $0x400, $0x38;
	[tilespmem:$0xDD00] =	vst v63  }
0x7e: {  	_ = 	snop  }
0x7f: {  	[tilespmem:s28], [sflag:$0x2] =	stream.linear.gather [hbm4b:s11+s9], $0x7800, $0x38;
	[tilespmem:$0xDD00] =	vst v63  }
0x80: {  	_ =	swait.ge [sflag:s29], $0x400  }
0x81: {  	[sflag:s29] =	ssyncset.done $0x0  }
0x82: {  	[sflag:s29] =	ssyncadd.s32 $0xFFFFFC00  }
0x83: {  	v3 =	vld [tilespmem:s10+$0x0]  }
0x84: {  	v4 =	vld [tilespmem:s10+$0x80];
	_ =	sdelay $0x4  }
0x85: {  	vm1 =	vgt.s32 v3, v4  }
0x86: {  	v3 =	vsel vm1, v3, v4  }
0x87: {  	v3 =	vsub.s32 $0x1, v3  }
0x88: {  	(v2sf) =	vpush v3, $0x0;
	_ =	sdelay $0xe  }
0x89: {  	s26 =	spop (v2sf)  }
0x8a: {  	p4 =	sgt.s32 s26, $0x0  }
0x8b: {  	p5 =	sne.s32 @!p4 s26, $0x0  }
0x8c: {  	p5 =	por p4, !p5  }
.Ltmp2:
0x8d: {  	_ = 	snop;
	(pc) =	sbr.rel @!p5 .LBB2_3-.Ltmp2, $3  }
0x8e: {  	_ =	sdelay $0x1  }
0x8f: {  	v5 =	vld [tilespmem:s10+$0x100]  }
0x90: {  	v4 =	vld [tilespmem:s10+$0x300]  }
0x91: {  	s26 =	smov.u32 s4  }
0x92: {  	s5 =	smov.u32 s7;
	s26 =	smov.u32 @p4 s2  }
0x93: {  	s0 =	simm.s32 $0x9D00;
	s5 =	smov.u32 @p4 s3;
	s26 =	sadd.s32 s26, s12  }
0x94: {  	[tilespmem:s0], [sflag:$0x3] =	stream.linear.gather [hbm4b:s26+s9], $0x800, $0x38;
	[tilespmem:$0xDD00] =	vst v63  }
0x95: {  	s31 =	simm.s32 $0xBD00;
	s5 =	sadd.s32 s5, s12  }
0x96: {  	[tilespmem:s31], [sflag:$0x4] =	stream.linear.gather [hbm4b:s5+s9], $0x800, $0x38;
	[tilespmem:$0xDD00] =	vst v63  }
.LBB2_3:
0x97: {  	(v2sf) =	vpush v3, $0x1;
	_ =	sdelay $0xe  }
0x98: {  	s5 =	spop (v2sf)  }
0x99: {  	p4 =	sgt.s32 s5, $0x0  }
0x9a: {  	p5 =	sne.s32 @!p4 s5, $0x0  }
0x9b: {  	p5 =	por p4, !p5  }
.Ltmp3:
0x9c: {  	_ = 	snop;
	(pc) =	sbr.rel @!p5 .LBB2_5-.Ltmp3, $1  }
0x9d: {  	_ =	sdelay $0x3  }
0x9e: {  	s5 =	smov.u32 s4  }
0x9f: {  	s26 =	smov.u32 s7;
	s5 =	smov.u32 @p4 s2  }
0xa0: {  	s0 =	simm.s32 $0xA500;
	s26 =	smov.u32 @p4 s3;
	s5 =	sadd.s32 s5, s13  }
0xa1: {  	[tilespmem:s0], [sflag:$0x3] =	stream.linear.gather [hbm4b:s5+s9], $0x800, $0x38;
	[tilespmem:$0xDD00] =	vst v63  }
0xa2: {  	s31 =	simm.s32 $0xC500;
	s30 =	sadd.s32 s26, s13  }
0xa3: {  	[tilespmem:s31], [sflag:$0x4] =	stream.linear.gather [hbm4b:s30+s9], $0x800, $0x38;
	[tilespmem:$0xDD00] =	vst v63  }
.LBB2_5:
0xa4: {  	(v2sf) =	vpush v3, $0x2;
	_ =	sdelay $0xe  }
0xa5: {  	s5 =	spop (v2sf)  }
0xa6: {  	p4 =	sgt.s32 s5, $0x0  }
0xa7: {  	p5 =	sne.s32 @!p4 s5, $0x0  }
0xa8: {  	p5 =	por p4, !p5  }
.Ltmp4:
0xa9: {  	_ = 	snop;
	(pc) =	sbr.rel @!p5 .LBB2_7-.Ltmp4, $1  }
0xaa: {  	_ =	sdelay $0x3  }
0xab: {  	s5 =	smov.u32 s4  }
0xac: {  	s26 =	smov.u32 s7;
	s5 =	smov.u32 @p4 s2  }
0xad: {  	s0 =	simm.s32 $0xAD00;
	s26 =	smov.u32 @p4 s3;
	s5 =	sadd.s32 s5, s14  }
0xae: {  	[tilespmem:s0], [sflag:$0x3] =	stream.linear.gather [hbm4b:s5+s9], $0x800, $0x38;
	[tilespmem:$0xDD00] =	vst v63  }
0xaf: {  	s31 =	simm.s32 $0xCD00;
	s30 =	sadd.s32 s26, s14  }
0xb0: {  	[tilespmem:s31], [sflag:$0x4] =	stream.linear.gather [hbm4b:s30+s9], $0x800, $0x38;
	[tilespmem:$0xDD00] =	vst v63  }
.LBB2_7:
0xb1: {  	(v2sf) =	vpush v3, $0x3;
	_ =	sdelay $0xe  }
0xb2: {  	s5 =	spop (v2sf)  }
0xb3: {  	p4 =	sgt.s32 s5, $0x0  }
0xb4: {  	p5 =	sne.s32 @!p4 s5, $0x0  }
0xb5: {  	p5 =	por p4, !p5  }
.Ltmp5:
0xb6: {  	_ = 	snop;
	(pc) =	sbr.rel @!p5 .LBB2_9-.Ltmp5, $1  }
0xb7: {  	_ =	sdelay $0x3  }
0xb8: {  	s5 =	smov.u32 s4  }
0xb9: {  	s26 =	smov.u32 s7;
	s5 =	smov.u32 @p4 s2  }
0xba: {  	s0 =	simm.s32 $0xB500;
	s26 =	smov.u32 @p4 s3;
	s5 =	sadd.s32 s5, s15  }
0xbb: {  	[tilespmem:s0], [sflag:$0x3] =	stream.linear.gather [hbm4b:s5+s9], $0x800, $0x38;
	[tilespmem:$0xDD00] =	vst v63  }
0xbc: {  	s31 =	simm.s32 $0xD500;
	s30 =	sadd.s32 s26, s15  }
0xbd: {  	[tilespmem:s31], [sflag:$0x4] =	stream.linear.gather [hbm4b:s30+s9], $0x800, $0x38;
	[tilespmem:$0xDD00] =	vst v63  }
.LBB2_9:
0xbe: {  	v6 =	vld [tilespmem:s16+$0x0]  }
0xbf: {  	v7 =	vld [tilespmem:s16+$0x80]  }
0xc0: {  	v8 =	vld [tilespmem:s16+$0x180];
	_ =	sdelay $0x3  }
0xc1: {  	v9 =	vsub.s32 $0x1, v6  }
0xc2: {  	vm1 =	vgt.s32 v6, v7;
	v8 =	vmul.u32 v9, v8  }
0xc3: {  	v43 =	vld [tilespmem:s16+$0x200];
	v6 =	vsel vm1, v6, v7  }
0xc4: {  	v44 =	vld [tilespmem:s16+$0x280];
	v6 =	vsub.s32 v8, v6  }
0xc5: {  	v6 =	vadd.s32 $0xFFFFFFE4, v6  }
0xc6: {  	vm1 =	vgt.s32 v6, $0x0  }
0xc7: {  	v6 =	vsel vm1, $0x1, v2  }
0xc8: {  	v6 =	vadd.s32 v6, v43  }
0xc9: {  	vm1 =	vlt.s32 v6, v44  }
0xca: {  	v6 =	vsel vm1, v6, v44  }
0xcb: {  	v6 =	vadd.s32 v1, v6  }
0xcc: {  	vm1 =	vgt.s32 v6, $0x0  }
0xcd: {  	v6 =	vnsel vm1, $0x0, v6  }
0xce: {  	v6 =	vmin.u32 v6, $0x7FFF  }
0xcf: {  	[tilespmem:$0x480] =	vst v6  }
0xd0: {  	v6 =	vld.msk @!p0 [tilespmem:$0x480], $0xff;
	_ =	sdelay $0x4  }
0xd1: {  	v7 =	vshll.u32 @!p0 v6, $0x3  }
0xd2: {  	v8 =	vlaneseq.u32 @!p0;
	v6 =	vand.u32 @!p0 $0x7, v6;
	v7 =	vand.u32 @!p0 $0xFFFFFFC0, v7  }
0xd3: {  	v6 =	vor.u32 @!p0 v6, v7;
	v7 =	vand.u32 @!p0 $0x7, v8;
	v8 =	vshrl.u32 @!p0 v8, $0x3  }
0xd4: {  	v6 =	vperm.xlane @!p0 v6, v7;
	v7 =	vmul.u32 @!p0 $0x8, v8;
	_ =	sdelay $0x1  }
0xd5: {  	v6 =	vadd.s32 @!p0 v7, v6;
	_ =	sdelay $0x3  }
0xd6: {  	s5 =	simm.s32 @!p0 $0x0;
	s26 =	simm.s32 @!p0 $0x500;
	s0 =	rddreg [dreg:$0x1]  }
0xd7: {  	[tilespmem:s26], [sflag:$0x5] =	stream.indirect_vreg.gather @!p0 [hbm4b:s0+s5], $0x80, v6, vm0, $0xb8;
	[tilespmem:$0xDD00] =	vst v63  }
0xd8: {  	s26 =	simm.s32 @!p0 $0xD00  }
0xd9: {  	[tilespmem:s26], [sflag:$0x5] =	stream.indirect_vreg.gather @!p0 [hbm4b:s18+s5], $0x80, v6, vm0, $0xb8;
	[tilespmem:$0xDD00] =	vst v63  }
0xda: {  	s26 =	simm.s32 @!p0 $0x1500  }
0xdb: {  	[tilespmem:s26], [sflag:$0x5] =	stream.indirect_vreg.gather @!p0 [hbm4b:s20+s5], $0x80, v6, vm0, $0xb8;
	[tilespmem:$0xDD00] =	vst v63  }
0xdc: {  	s26 =	simm.s32 @!p0 $0x1D00  }
0xdd: {  	[tilespmem:s26], [sflag:$0x5] =	stream.indirect_vreg.gather @!p0 [hbm4b:s21+s5], $0x80, v6, vm0, $0xb8;
	[tilespmem:$0xDD00] =	vst v63  }
0xde: {  	v5 =	vadd.s32 v5, v3;
	_ =	swait.ge [sflag:s6], $0x7800  }
0xdf: {  	(v2sf) =	vpush v5, $0x0;
	_ =	sdelay $0x6  }
0xe0: {  	(v2sf) =	vpush v5, $0x1;
	_ =	sdelay $0x7  }
0xe1: {  	s31 =	spop (v2sf);
	(v2sf) =	vpush v5, $0x2  }
0xe2: {  	s0 =	sand.u32 $0x7, s31  }
0xe3: {  	s1 =	sshra.s32 s31, $0x1F;
	p4 =	slt.s32 s31, $0x1;
	p5 =	sne.s32 s0, $0x0  }
0xe4: {  	s0 =	sshrl.u32 s1, $0x1D;
	p4 =	por !p4, !p5  }
0xe5: {  	s26 =	simm.s32 $0x1;
	s0 =	sadd.s32 s0, s31;
	p4 =	por !p4, !p4  }
0xe6: {  	s0 =	sshrl.u32 s0, $0x3;
	s26 =	simm.s32 @!p4 $0x0  }
0xe7: {  	s0 =	ssub.s32 s0, s26  }
0xe8: {  	s26 =	spop (v2sf);
	(v2sf) =	vpush v5, $0x3;
	s0 =	sshll.u32 s0, $0x3  }
0xe9: {  	s1 =	sand.u32 $0x7, s26;
	s30 =	sshra.s32 s26, $0x1F;
	p5 =	slt.s32 s26, $0x1  }
0xea: {  	p4 =	slt.s32 s0, $0x1DF0;
	p6 =	sne.s32 s1, $0x0;
	s30 =	sshrl.u32 s30, $0x1D  }
0xeb: {  	s0 =	simm.s32 @!p4 $0x1DF0;
	p6 =	por !p5, !p6;
	s1 =	sadd.s32 s30, s26  }
0xec: {  	s30 =	simm.s32 $0x1;
	p4 =	por !p6, !p6;
	s5 =	ssub.s32 s0, s31  }
0xed: {  	s1 =	sshrl.u32 s1, $0x3;
	s30 =	simm.s32 @!p4 $0x0;
	v45 =	vadd.s32 s5, v0  }
0xee: {  	v4 =	vadd.s32 $0x1, v4;
	[sflag:s6] =	ssyncset.done $0x0;
	s1 =	ssub.s32 s1, s30;
	v46 =	vsub.s32 $0x0, v45  }
0xef: {  	v3 =	vmul.u32 v3, v4;
	[sflag:s6] =	ssyncadd.s32 $0xFFFF8800;
	s1 =	sshll.u32 s1, $0x3;
	v47 =	vmin.u32 v45, v46  }
0xf0: {  	v48 =	vld [tilespmem:s0+$0x2500];
	p4 =	slt.s32 s1, $0x1DF0;
	vm1 =	vlt.s32 v47, $0x1;
	s5 =	spop (v2sf)  }
0xf1: {  	v49 =	vbroadcast v3, $0x0;
	s1 =	simm.s32 @!p4 $0x1DF0;
	v4 =	vnsel vm1, $0x1, v47;
	s30 =	sand.u32 $0x7, s5  }
0xf2: {  	s31 =	sshra.s32 s5, $0x1F;
	p5 =	slt.s32 s5, $0x1;
	v4 =	vsub.s32 $0x1, v4;
	p6 =	sne.s32 s30, $0x0  }
0xf3: {  	s26 =	ssub.s32 s1, s26;
	s31 =	sshrl.u32 s31, $0x1D;
	v4 =	vmul.u32 v49, v4;
	p4 =	por !p5, !p6  }
0xf4: {  	v50 =	vadd.s32 s26, v0;
	s30 =	sadd.s32 s31, s5;
	s31 =	simm.s32 $0x1;
	p4 =	por !p4, !p4  }
0xf5: {  	v51 =	vsub.s32 $0x0, v50;
	s30 =	sshrl.u32 s30, $0x3;
	v4 =	vadd.s32 v4, v48;
	s31 =	simm.s32 @!p4 $0x0  }
0xf6: {  	v52 =	vmin.u32 v50, v51;
	[tilespmem:s0+$0x2500] =	vst v4;
	s26 =	ssub.s32 s30, s31  }
0xf7: {  	vm1 =	vlt.s32 v52, $0x1;
	v53 =	vld [tilespmem:s1+$0x4300];
	s0 =	sshll.u32 s26, $0x3;
	s26 =	spop (v2sf)  }
0xf8: {  	v54 =	vbroadcast v3, $0x1;
	v4 =	vnsel vm1, $0x1, v52;
	p4 =	slt.s32 s0, $0x1DF0;
	s31 =	sand.u32 $0x7, s26;
	p6 =	slt.s32 s26, $0x1  }
0xf9: {  	v4 =	vsub.s32 $0x1, v4;
	s0 =	simm.s32 @!p4 $0x1DF0;
	p5 =	sne.s32 s31, $0x0;
	s31 =	sshra.s32 s26, $0x1F  }
0xfa: {  	v4 =	vmul.u32 v54, v4;
	s5 =	ssub.s32 s0, s5;
	s30 =	sshrl.u32 s31, $0x1D;
	p4 =	por !p6, !p5  }
0xfb: {  	v55 =	vadd.s32 s5, v0;
	s31 =	sadd.s32 s30, s26;
	p4 =	por !p4, !p4;
	s30 =	simm.s32 $0x1  }
0xfc: {  	v4 =	vadd.s32 v4, v53;
	v56 =	vsub.s32 $0x0, v55;
	s5 =	sshrl.u32 s31, $0x3;
	s30 =	simm.s32 @!p4 $0x0  }
0xfd: {  	[tilespmem:s1+$0x4300] =	vst v4;
	s30 =	ssub.s32 s5, s30;
	v57 =	vmin.u32 v55, v56  }
0xfe: {  	v58 =	vld [tilespmem:s0+$0x6100];
	vm1 =	vlt.s32 v57, $0x1;
	s1 =	sshll.u32 s30, $0x3  }
0xff: {  	v59 =	vbroadcast v3, $0x2;
	v4 =	vnsel vm1, $0x1, v57;
	p4 =	slt.s32 s1, $0x1DF0  }
0x100: {  	v4 =	vsub.s32 $0x1, v4;
	s1 =	simm.s32 @!p4 $0x1DF0  }
0x101: {  	v4 =	vmul.u32 v59, v4;
	s31 =	ssub.s32 s1, s26  }
0x102: {  	v60 =	vadd.s32 s31, v0  }
0x103: {  	v4 =	vadd.s32 v4, v58;
	v61 =	vsub.s32 $0x0, v60  }
0x104: {  	[tilespmem:s0+$0x6100] =	vst v4;
	v62 =	vmin.u32 v60, v61  }
0x105: {  	v63 =	vld [tilespmem:s1+$0x7F00];
	vm1 =	vlt.s32 v62, $0x1  }
0x106: {  	v3 =	vbroadcast v3, $0x3;
	v4 =	vnsel vm1, $0x1, v62  }
0x107: {  	v4 =	vsub.s32 $0x1, v4  }
.Ltmp6:
0x108: {  	v3 =	vmul.u32 v3, v4;
	(pc) =	sbr.rel @p1 .LBB2_14-.Ltmp6, $4  }
0x109: {  	_ = 	snop  }
0x10a: {  	v3 =	vadd.s32 v3, v63  }
0x10b: {  	[tilespmem:s1+$0x7F00] =	vst v3  }
0x10c: {  	[hbm4b:s17+s9] =	stream.linear.scatter [tilespmem:s28], [sflag:$0x2], $0x7800, $0x38;
	[tilespmem:$0xDD00] =	vst v63  }
.Ltmp7:
0x10d: {  	(pc) =	sbr.rel @p3 .LBB2_13-.Ltmp7, $1  }
0x10e: {  	_ =	sdelay $0x3  }
.Ltmp8:
0x10f: {  	(pc) =	sbr.rel @p2 .LBB2_16-.Ltmp8, $2  }
0x110: {  	_ =	sdelay $0x2  }
0x111: {  	p4 =	por $0x0, $0x0;
	p5 =	por $0x0, $0x0  }
0x112: {  	v3 =	vld [tilespmem:$0x0]  }
0x113: {  	v4 =	vld [tilespmem:$0x80]  }
0x114: {  	v5 =	vld [tilespmem:$0x100]  }
0x115: {  	v6 =	vld [tilespmem:$0x10]  }
0x116: {  	v7 =	vld [tilespmem:$0x90]  }
0x117: {  	v8 =	vld [tilespmem:$0x110]  }
0x118: {  	v9 =	vld [tilespmem:$0x20]  }
0x119: {  	v10 =	vld [tilespmem:$0xA0]  }
0x11a: {  	v11 =	vld [tilespmem:$0x120]  }
0x11b: {  	v12 =	vld [tilespmem:$0x30]  }
0x11c: {  	v13 =	vld [tilespmem:$0xB0]  }
0x11d: {  	v14 =	vld [tilespmem:$0x130]  }
0x11e: {  	v15 =	vld [tilespmem:$0x40]  }
0x11f: {  	v16 =	vld [tilespmem:$0xC0]  }
0x120: {  	v17 =	vld [tilespmem:$0x140]  }
0x121: {  	v18 =	vld [tilespmem:$0x50]  }
0x122: {  	v19 =	vld [tilespmem:$0xD0]  }
0x123: {  	v20 =	vld [tilespmem:$0x150]  }
0x124: {  	v21 =	vld [tilespmem:$0x60];
	vm1 =	vgt.s32 v3, v4;
	vm2 =	vgt.s32 v6, v7  }
0x125: {  	v51 =	vld [tilespmem:$0xE0];
	v3 =	vsel vm1, v3, v4;
	v50 =	vsel vm2, v6, v7;
	vm1 =	vgt.s32 v9, v10  }
0x126: {  	v53 =	vld [tilespmem:$0x70];
	v3 =	vsub.s32 v5, v3;
	v52 =	vsel vm1, v9, v10;
	vm1 =	vgt.s32 v12, v13  }
0x127: {  	v55 =	vld [tilespmem:$0xF0];
	v4 =	vsub.s32 v8, v50;
	v5 =	vsub.s32 v11, v52;
	v54 =	vsel vm1, v12, v13  }
0x128: {  	v56 =	vld [tilespmem:$0x160];
	v3 =	vadd.s32 $0x1, v3;
	vm1 =	vgt.s32 v15, v16;
	v8 =	vsub.s32 v14, v54  }
0x129: {  	v58 =	vld [tilespmem:$0x170];
	[tilespmem:$0x400] =	vst v3;
	v3 =	vadd.s32 $0x1, v4;
	v57 =	vsel vm1, v15, v16;
	vm1 =	vgt.s32 v18, v19  }
0x12a: {  	v5 =	vadd.s32 $0x1, v5;
	[tilespmem:$0x410] =	vst v3;
	v3 =	vsub.s32 v17, v57;
	v59 =	vsel vm1, v18, v19  }
0x12b: {  	[tilespmem:$0x420] =	vst v5;
	v60 =	vadd.s32 $0x1, v8;
	vm1 =	vgt.s32 v21, v51;
	v4 =	vsub.s32 v20, v59  }
.Ltmp9:
0x12c: {  	[tilespmem:$0x430] =	vst v60;
	v61 =	vsel vm1, v21, v51;
	v3 =	vadd.s32 $0x1, v3;
	vm1 =	vgt.s32 v53, v55;
	(pc) =	sbr.rel .LBB2_15-.Ltmp9, $4  }
0x12d: {  	[tilespmem:$0x440] =	vst v3;
	v3 =	vsub.s32 v56, v61;
	v62 =	vsel vm1, v53, v55;
	v4 =	vadd.s32 $0x1, v4  }
0x12e: {  	[tilespmem:$0x450] =	vst v4;
	v3 =	vadd.s32 $0x1, v3;
	v63 =	vsub.s32 v58, v62  }
0x12f: {  	[tilespmem:$0x460] =	vst v3;
	v3 =	vadd.s32 $0x1, v63  }
0x130: {  	p4 =	por $0x0, $0x0;
	s26 =	rddreg [dreg:$0xa];
	p5 =	por $0x0, $0x0;
	[tilespmem:$0x470] =	vst v3  }
.LBB2_14:
0x131: {  	v3 =	vld [tilespmem:$0x0]  }
0x132: {  	v4 =	vld [tilespmem:$0x80]  }
0x133: {  	v5 =	vld [tilespmem:$0x180]  }
0x134: {  	v6 =	vld [tilespmem:$0x10]  }
0x135: {  	v7 =	vld [tilespmem:$0x90]  }
0x136: {  	v8 =	vld [tilespmem:$0x190]  }
0x137: {  	v9 =	vld [tilespmem:$0x20]  }
0x138: {  	v10 =	vld [tilespmem:$0xA0]  }
0x139: {  	v13 =	vld [tilespmem:$0x30]  }
0x13a: {  	v14 =	vld [tilespmem:$0x40]  }
0x13b: {  	v40 =	vld [tilespmem:$0x60]  }
0x13c: {  	v46 =	vld [tilespmem:$0x70]  }
0x13d: {  	v11 =	vld [tilespmem:$0x1A0]  }
0x13e: {  	v33 =	vld [tilespmem:$0x1B0]  }
0x13f: {  	v36 =	vld [tilespmem:$0x1C0];
	v12 =	vsub.s32 $0x1, v3;
	vm1 =	vgt.s32 v3, v4  }
0x140: {  	v32 =	vld [tilespmem:$0xB0];
	v34 =	vsub.s32 $0x1, v6;
	v16 =	vsub.s32 $0x1, v9;
	v39 =	vsub.s32 $0x1, v13  }
0x141: {  	v48 =	vsub.s32 $0x1, v14;
	v55 =	vsub.s32 $0x1, v40;
	v56 =	vsub.s32 $0x1, v46  }
0x142: {  	v5 =	vmul.u32 v12, v5;
	v3 =	vsel vm1, v3, v4;
	vm1 =	vgt.s32 v6, v7  }
0x143: {  	v37 =	vld [tilespmem:$0x50];
	v11 =	vmul.u32 v16, v11;
	v4 =	vmul.u32 v39, v33;
	v6 =	vsel vm1, v6, v7  }
0x144: {  	vm1 =	vgt.s32 v9, v10;
	v7 =	vmul.u32 v48, v36;
	v3 =	vsub.s32 v5, v3  }
0x145: {  	v35 =	vld [tilespmem:$0xC0];
	v5 =	vmul.u32 v34, v8;
	v9 =	vsel vm1, v9, v10;
	vm1 =	vgt.s32 v13, v32  }
0x146: {  	v18 =	vld [tilespmem:$0x1D0];
	v15 =	vadd.s32 $0xFFFFFFE4, v3;
	v3 =	vadd.s32 $0x1, v3;
	v41 =	vsub.s32 v11, v9  }
0x147: {  	v50 =	vld [tilespmem:$0x1E0];
	v42 =	vsel vm1, v13, v32;
	vm2 =	vgt.s32 v15, $0x0;
	v5 =	vsub.s32 v5, v6  }
0x148: {  	v17 =	vld [tilespmem:$0xD0];
	v45 =	vadd.s32 $0xFFFFFFE4, v41;
	v4 =	vsub.s32 v4, v42;
	v6 =	vsub.s32 $0x1, v37  }
0x149: {  	v49 =	vld [tilespmem:$0xF0];
	v3 =	vsel vm2, $0x0, v3;
	v38 =	vadd.s32 $0x1, v5;
	v5 =	vadd.s32 $0xFFFFFFE4, v5  }
0x14a: {  	v43 =	vld [tilespmem:$0xE0];
	vm1 =	vgt.s32 v45, $0x0;
	v47 =	vadd.s32 $0xFFFFFFE4, v4;
	v4 =	vadd.s32 $0x1, v4  }
0x14b: {  	v52 =	vld [tilespmem:$0x1F0];
	v6 =	vmul.u32 v6, v18;
	vm2 =	vgt.s32 v5, $0x0;
	v5 =	vadd.s32 $0x1, v41  }
0x14c: {  	[tilespmem:$0x400] =	vst v3;
	v3 =	vmul.u32 v55, v50;
	v44 =	vsel vm2, $0x0, v38;
	vm2 =	vgt.s32 v47, $0x0  }
0x14d: {  	v5 =	vsel vm1, $0x0, v5;
	vm1 =	vgt.s32 v14, v35;
	v4 =	vsel vm2, $0x0, v4  }
0x14e: {  	v8 =	vsel vm1, v14, v35;
	vm1 =	vgt.s32 v37, v17;
	vm2 =	vgt.s32 v46, v49  }
0x14f: {  	v7 =	vsub.s32 v7, v8;
	v51 =	vsel vm1, v37, v17;
	vm1 =	vgt.s32 v40, v43  }
0x150: {  	v53 =	vsel vm2, v46, v49;
	v8 =	vmul.u32 v56, v52;
	v11 =	vsel vm1, v40, v43  }
0x151: {  	v54 =	vadd.s32 $0xFFFFFFE4, v7;
	v6 =	vsub.s32 v6, v51;
	v7 =	vadd.s32 $0x1, v7  }
0x152: {  	[tilespmem:$0x410] =	vst v44;
	vm1 =	vgt.s32 v54, $0x0;
	v57 =	vadd.s32 $0xFFFFFFE4, v6;
	v3 =	vsub.s32 v3, v11  }
0x153: {  	[tilespmem:$0x420] =	vst v5;
	v58 =	vadd.s32 $0x1, v6;
	v60 =	vsub.s32 v8, v53;
	v7 =	vsel vm1, $0x0, v7  }
.Ltmp10:
0x154: {  	[tilespmem:$0x430] =	vst v4;
	vm1 =	vgt.s32 v57, $0x0;
	v61 =	vadd.s32 $0xFFFFFFE4, v3;
	v3 =	vadd.s32 $0x1, v3;
	(pc) =	sbr.rel .LBB2_15-.Ltmp10, $4  }
0x155: {  	v62 =	vadd.s32 $0xFFFFFFE4, v60;
	v59 =	vsel vm1, $0x0, v58;
	[tilespmem:$0x440] =	vst v7;
	vm1 =	vgt.s32 v61, $0x0  }
0x156: {  	v63 =	vadd.s32 $0x1, v60;
	[tilespmem:$0x450] =	vst v59;
	v3 =	vsel vm1, $0x0, v3;
	vm1 =	vgt.s32 v62, $0x0  }
0x157: {  	[tilespmem:$0x460] =	vst v3;
	v3 =	vsel vm1, $0x0, v63  }
0x158: {  	p5 =	por $0x0, $0x0;
	p4 =	por $0x1, $0x1;
	s26 =	rddreg [dreg:$0xd];
	[tilespmem:$0x470] =	vst v3  }
.LBB2_17:
0x159: {  	_ =	sfence.sel $0x180000  }
0x15a: {  	[bflag:$0x0] =	sbarrier.arrive $0xFFFF  }
0x15b: {  	_ =	strace $0x90000047  }
0x15c: {  	s0 =	stileid.u32;
	[bflag:$0x2] =	sbarrier.arrive $0xFFFF  }
0x15d: {  	p0 =	sne.s32 s0, $0x0;
	s0 =	rddreg [dreg:$0xc]  }
0x15e: {  	s0 =	sadd.s32 @!p0 $0x100000, s0  }
0x15f: {  	[sflag:s0] =	ssyncadd.tile.s32 @!p0 $0x1;
	_ =	shalt  }
.Lfunc_end2:
_tile_overlayer_lowered:
.L_overlay_start_2:
0x160: {  	(tag) =	ssettag $0x2  }
0x161: {  	s0 =	rddreg [dreg:$0x0];
	s2 =	stileid.u32  }
0x162: {  	s1 =	rddreg [dreg:$0x1];
	p0 =	sne.s32 s2, $0x0  }
0x163: {  	s3 =	rddreg [dreg:$0x2];
	[bflag:$0x3] =	sbarrier.arrive $0xFFFF;
	s2 =	simm.s32 @!p0 $0x1C07  }
0x164: {  	[timem:s3], [sflag:s2] =	dma.local @!p0 [hbm:s0], s1  }
0x165: {  	s0 =	simm.s32 @!p0 $0x7  }
0x166: {  	_ =	swait.ge @!p0 [sflag:s0], s1  }
0x167: {  	s1 =	ssub.s32 @!p0 $0x0, s1;
	[sflag:s0] =	ssyncset.done @!p0 $0x0  }
0x168: {  	[sflag:s0] =	ssyncadd.s32 @!p0 s1  }
0x169: {  	[bflag:$0x3] =	sbarrier.arrive $0xFFFF  }
0x16a: {  	_ =	shalt  }

</sc_bundles>
